<compile_context>
chip_gen: v7x
topology: tpu7x:2x2x1
jax: 0.10.2.dev20260603
libtpu: 0.0.44.dev20260713+nightly
codegen_flags: <defaults>
</compile_context>

<pallas_src>
import functools

import jax
import jax.numpy as jnp
from jax import lax
from jax.experimental import pallas as pl
from jax.experimental.pallas import tpu as pltpu
from jax.experimental.pallas import tpu_sc as plsc

_N = 10000
_E = 320000
_D = 128
_G = 64

_NC = 2
_NS = 16
_NW = _NC * _NS
_LN = 128
_CHH = 110
_CHL = 48
_CHUNKS = _CHH
_EPAD = _NS * (_CHH + _CHL) * _LN
_NPAD = 10008
_NACC = 10112
_RPT = _NACC // _NS


def _mesh():
    return plsc.VectorSubcoreMesh(core_axis_name="c", subcore_axis_name="s",
                                  num_cores=_NC, num_subcores=_NS)


@functools.cache
def _sc_degree_kernel():
    return functools.partial(
        pl.kernel,
        out_type=jax.ShapeDtypeStruct((_NC, _NACC), jnp.float32),
        mesh=_mesh(),
        scratch_types=[
            pltpu.VMEM((_CHUNKS, _LN), jnp.int32),
            pltpu.VMEM((_LN,), jnp.float32),
            pltpu.VMEM_SHARED((_NACC,), jnp.float32),
        ],
    )(_sc_degree_body)


def _sc_degree_body(dsth_hbm, dstl_hbm, zeros1_hbm, out_hbm, didx_v, ones_v,
                    dacc_sh):
    c = lax.axis_index("c")
    s = lax.axis_index("s")
    for k in range(_LN // 16):
        ones_v[pl.ds(16 * k, 16)] = jnp.full((16,), 1.0, jnp.float32)
    @pl.when(s == 0)
    def _():
        pltpu.sync_copy(zeros1_hbm, dacc_sh)
    @pl.when(c == 0)
    def _():
        pltpu.sync_copy(dsth_hbm.at[s], didx_v)
    @pl.when(c == 1)
    def _():
        pltpu.sync_copy(dstl_hbm.at[s], didx_v.at[pl.ds(0, _CHL)])
    plsc.subcore_barrier()

    def body(j, _):
        pltpu.sync_copy(ones_v, dacc_sh.at[didx_v.at[j]], add=True)
        return 0

    @pl.when(c == 0)
    def _():
        lax.fori_loop(0, _CHH, body, 0)
    @pl.when(c == 1)
    def _():
        lax.fori_loop(0, _CHL, body, 0)
    plsc.subcore_barrier()
    @pl.when(s == 0)
    def _():
        pltpu.sync_copy(dacc_sh, out_hbm.at[c])


@functools.cache
def _sc_edge_scatter_kernel():
    return functools.partial(
        pl.kernel,
        out_type=jax.ShapeDtypeStruct((_NC, _NACC, _D), jnp.float32),
        mesh=_mesh(),
        scratch_types=[
            pltpu.VMEM((_CHUNKS, _LN), jnp.int32),
            pltpu.VMEM((_CHUNKS, _LN), jnp.int32),
            pltpu.VMEM((_LN, _D), jnp.float32),
            pltpu.VMEM_SHARED((_NACC, _D), jnp.float32),
            pltpu.SemaphoreType.DMA,
        ],
    )(_sc_edge_scatter_body)


def _sc_edge_scatter_body(table_hbm, srch_hbm, dsth_hbm, srcl_hbm, dstl_hbm,
                          zeros2_hbm, out_hbm, sidx_v, didx_v, rows0_v,
                          acc_sh, sem):
    c = lax.axis_index("c")
    s = lax.axis_index("s")
    @pl.when(s == 0)
    def _():
        pltpu.sync_copy(zeros2_hbm, acc_sh)
    @pl.when(c == 0)
    def _():
        pltpu.sync_copy(srch_hbm.at[s], sidx_v)
        pltpu.sync_copy(dsth_hbm.at[s], didx_v)
    @pl.when(c == 1)
    def _():
        pltpu.sync_copy(srcl_hbm.at[s], sidx_v.at[pl.ds(0, _CHL)])
        pltpu.sync_copy(dstl_hbm.at[s], didx_v.at[pl.ds(0, _CHL)])
    plsc.subcore_barrier()

    def body(j, _):
        pltpu.async_copy(table_hbm.at[sidx_v.at[j]], rows0_v, sem).wait()
        pltpu.sync_copy(rows0_v, acc_sh.at[didx_v.at[j]], add=True)
        return 0

    @pl.when(c == 0)
    def _():
        lax.fori_loop(0, _CHH, body, 0)
    @pl.when(c == 1)
    def _():
        lax.fori_loop(0, _CHL, body, 0)
    plsc.subcore_barrier()
    base = s * _RPT
    pltpu.sync_copy(acc_sh.at[pl.ds(base, _RPT)],
                    out_hbm.at[c].at[pl.ds(base, _RPT)])


_BLK = 1000


def _tc_gcn_pre_body(x_ref, invb_ref, w_ref, b_ref, hs_ref, self_ref):
    h = jnp.dot(x_ref[...], w_ref[...], preferred_element_type=jnp.float32)
    inv = invb_ref[...]
    hs_ref[...] = inv * h
    self_ref[...] = inv * inv * h + b_ref[...]


def _tc_gcn_pre(x, invb, w0, b0):
    return pl.pallas_call(
        _tc_gcn_pre_body,
        grid=(_N // _BLK,),
        in_specs=[
            pl.BlockSpec((_BLK, _D), lambda i: (i, 0)),
            pl.BlockSpec((_BLK, _D), lambda i: (i, 0)),
            pl.BlockSpec((_D, _D), lambda i: (0, 0)),
            pl.BlockSpec((1, _D), lambda i: (0, 0)),
        ],
        out_specs=[
            pl.BlockSpec((_BLK, _D), lambda i: (i, 0)),
            pl.BlockSpec((_BLK, _D), lambda i: (i, 0)),
        ],
        out_shape=[
            jax.ShapeDtypeStruct((_NPAD, _D), jnp.float32),
            jax.ShapeDtypeStruct((_N, _D), jnp.float32),
        ],
    )(x, invb, w0, b0)


def _tc_gcn_post_body(acc_ref, self_ref, invb_ref, h1_ref):
    agg = acc_ref[0] + acc_ref[1]
    h1_ref[...] = jnp.maximum(invb_ref[...] * agg + self_ref[...], 0.0)


def _tc_gcn_post(acc, selfterm, invb):
    return pl.pallas_call(
        _tc_gcn_post_body,
        grid=(_N // _BLK,),
        in_specs=[
            pl.BlockSpec((_NC, _BLK, _D), lambda i: (0, i, 0)),
            pl.BlockSpec((_BLK, _D), lambda i: (i, 0)),
            pl.BlockSpec((_BLK, _D), lambda i: (i, 0)),
        ],
        out_specs=pl.BlockSpec((_BLK, _D), lambda i: (i, 0)),
        out_shape=jax.ShapeDtypeStruct((_NPAD, _D), jnp.float32),
    )(acc, selfterm, invb)


def _tc_gin_body(h_ref, acc_ref, wa_ref, ba_ref, wb_ref, bb_ref, out_ref):
    t = h_ref[...] + acc_ref[0] + acc_ref[1]
    u = jnp.maximum(
        jnp.dot(t, wa_ref[...], preferred_element_type=jnp.float32)
        + ba_ref[...], 0.0)
    out_ref[...] = jnp.maximum(
        jnp.dot(u, wb_ref[...], preferred_element_type=jnp.float32)
        + bb_ref[...], 0.0)


def _tc_gin(h, acc, wa, ba, wb, bb):
    return pl.pallas_call(
        _tc_gin_body,
        grid=(_N // _BLK,),
        in_specs=[
            pl.BlockSpec((_BLK, _D), lambda i: (i, 0)),
            pl.BlockSpec((_NC, _BLK, _D), lambda i: (0, i, 0)),
            pl.BlockSpec((_D, _D), lambda i: (0, 0)),
            pl.BlockSpec((1, _D), lambda i: (0, 0)),
            pl.BlockSpec((_D, _D), lambda i: (0, 0)),
            pl.BlockSpec((1, _D), lambda i: (0, 0)),
        ],
        out_specs=pl.BlockSpec((_BLK, _D), lambda i: (i, 0)),
        out_shape=jax.ShapeDtypeStruct((_NPAD, _D), jnp.float32),
    )(h, acc, wa, ba, wb, bb)


def _tc_final_body(h_ref, acc_ref, wa_ref, ba_ref, wb_ref, bb_ref,
                   batch_ref, wh_ref, bh_ref, wo_ref, bo_ref, out_ref,
                   sums_ref, cnt_ref):
    i = pl.program_id(0)
    t = h_ref[...] + acc_ref[0] + acc_ref[1]
    u = jnp.maximum(
        jnp.dot(t, wa_ref[...], preferred_element_type=jnp.float32)
        + ba_ref[...], 0.0)
    h3 = jnp.maximum(
        jnp.dot(u, wb_ref[...], preferred_element_type=jnp.float32)
        + bb_ref[...], 0.0)
    seg = lax.broadcasted_iota(jnp.int32, (_G, _BLK), 0)
    bvec = jnp.broadcast_to(batch_ref[0], (_G, _BLK))
    mask = (seg == bvec).astype(jnp.float32)

    @pl.when(i == 0)
    def _():
        sums_ref[...] = jnp.zeros((_G, _D), jnp.float32)
        cnt_ref[...] = jnp.zeros((_G, _D), jnp.float32)

    sums_ref[...] += jnp.dot(mask, h3, preferred_element_type=jnp.float32)
    cnt_ref[...] += jnp.broadcast_to(
        jnp.sum(mask, axis=1, keepdims=True), (_G, _D))

    @pl.when(i == _N // _BLK - 1)
    def _():
        pooled = sums_ref[...] / jnp.maximum(cnt_ref[...], 1.0)
        hid = jnp.maximum(
            jnp.dot(pooled, wh_ref[...], preferred_element_type=jnp.float32)
            + bh_ref[...], 0.0)
        out_ref[...] = (
            jnp.dot(hid, wo_ref[...], preferred_element_type=jnp.float32)
            + bo_ref[...])


def _tc_final(h, acc, wa, ba, wb, bb, batch_r, wh, bh, wo, bo):
    return pl.pallas_call(
        _tc_final_body,
        grid=(_N // _BLK,),
        in_specs=[
            pl.BlockSpec((_BLK, _D), lambda i: (i, 0)),
            pl.BlockSpec((_NC, _BLK, _D), lambda i: (0, i, 0)),
            pl.BlockSpec((_D, _D), lambda i: (0, 0)),
            pl.BlockSpec((1, _D), lambda i: (0, 0)),
            pl.BlockSpec((_D, _D), lambda i: (0, 0)),
            pl.BlockSpec((1, _D), lambda i: (0, 0)),
            pl.BlockSpec((1, 1, _BLK), lambda i: (i, 0, 0)),
            pl.BlockSpec((_D, _D), lambda i: (0, 0)),
            pl.BlockSpec((1, _D), lambda i: (0, 0)),
            pl.BlockSpec((_D, _D), lambda i: (0, 0)),
            pl.BlockSpec((1, _D), lambda i: (0, 0)),
        ],
        out_specs=pl.BlockSpec((_G, _D), lambda i: (0, 0)),
        out_shape=jax.ShapeDtypeStruct((_G, _D), jnp.float32),
        scratch_shapes=[
            pltpu.VMEM((_G, _D), jnp.float32),
            pltpu.VMEM((_G, _D), jnp.float32),
        ],
    )(h, acc, wa, ba, wb, bb, batch_r, wh, bh, wo, bo)


def kernel(x, edge_index, batch, W0, b0, W1a, b1a, W1b, b1b,
           W2a, b2a, W2b, b2b, Wh, bh, Wo, bo):
    pad = _EPAD - _E
    nh = _NS * _CHH * _LN
    src_flat = jnp.concatenate(
        [edge_index[0], jnp.full((pad,), _N, jnp.int32)])
    pad_dst = _N + 1 + (jnp.arange(pad, dtype=jnp.int32) % (_NACC - _N - 1))
    dst_flat = jnp.concatenate([edge_index[1], pad_dst])
    src_h = src_flat[:nh].reshape(_NS, _CHH, _LN)
    src_l = src_flat[nh:].reshape(_NS, _CHL, _LN)
    dst_h = dst_flat[:nh].reshape(_NS, _CHH, _LN)
    dst_l = dst_flat[nh:].reshape(_NS, _CHL, _LN)
    zeros1 = jnp.zeros((_NACC,), jnp.float32)
    zeros2 = jnp.zeros((_NACC, _D), jnp.float32)
    b0r = b0.reshape(1, _D)
    b1ar, b1br = b1a.reshape(1, _D), b1b.reshape(1, _D)
    b2ar, b2br = b2a.reshape(1, _D), b2b.reshape(1, _D)
    bhr, bor = bh.reshape(1, _D), bo.reshape(1, _D)
    batch_r = batch.reshape(_N // _BLK, 1, _BLK)

    deg_parts = _sc_degree_kernel()(dst_h, dst_l, zeros1)
    deg = deg_parts[0, :_N] + deg_parts[1, :_N] + 1.0
    invb = jnp.broadcast_to(lax.rsqrt(deg)[:, None], (_N, _D))

    hs, selfterm = _tc_gcn_pre(x, invb, W0, b0r)
    acc0 = _sc_edge_scatter_kernel()(hs, src_h, dst_h, src_l, dst_l, zeros2)
    h1 = _tc_gcn_post(acc0, selfterm, invb)
    acc1 = _sc_edge_scatter_kernel()(h1, src_h, dst_h, src_l, dst_l, zeros2)
    h2 = _tc_gin(h1, acc1, W1a, b1ar, W1b, b1br)
    acc2 = _sc_edge_scatter_kernel()(h2, src_h, dst_h, src_l, dst_l, zeros2)
    return _tc_final(h2, acc2, W2a, b2ar, W2b, b2br, batch_r,
                     Wh, bhr, Wo, bor)

# --- scband reference (transcript-rebuilt; emitter-appended) ---
"""Pipeline reference for scband-gcngraph-encoder-18940805775859 (READ-ONLY COPY).

The authoritative reference and input builder live on the scoring server;
editing this copy changes nothing except your own understanding.
"""

import jax, jax.numpy as jnp
import numpy as np

N = 10000
E = 320000
D = 128
G = 64


def setup_inputs(seed: int = 0):
    key = jax.random.key(seed)
    ks = jax.random.split(key, 20)
    s = 1.0 / np.sqrt(D)
    inp = {}
    inp['x'] = jax.random.normal(ks[0], (N, D), dtype=jnp.float32)
    inp['edge_index'] = jax.random.randint(ks[1], (2, E), 0, N, dtype=jnp.int32)
    inp['batch'] = jnp.sort(jax.random.randint(ks[2], (N,), 0, G, dtype=jnp.int32))
    # GCNConv conv_0 params
    inp['W0'] = jax.random.normal(ks[3], (D, D), dtype=jnp.float32) * s
    inp['b0'] = jnp.zeros((D,), dtype=jnp.float32)
    # GIN layer 1 MLP params
    inp['W1a'] = jax.random.normal(ks[4], (D, D), dtype=jnp.float32) * s
    inp['b1a'] = jnp.zeros((D,), dtype=jnp.float32)
    inp['W1b'] = jax.random.normal(ks[5], (D, D), dtype=jnp.float32) * s
    inp['b1b'] = jnp.zeros((D,), dtype=jnp.float32)
    # GIN layer 2 MLP params
    inp['W2a'] = jax.random.normal(ks[6], (D, D), dtype=jnp.float32) * s
    inp['b2a'] = jnp.zeros((D,), dtype=jnp.float32)
    inp['W2b'] = jax.random.normal(ks[7], (D, D), dtype=jnp.float32) * s
    inp['b2b'] = jnp.zeros((D,), dtype=jnp.float32)
    # mol_hidden1 (post-pool) and mol_hidden2
    inp['Wh'] = jax.random.normal(ks[8], (D, D), dtype=jnp.float32) * s
    inp['bh'] = jnp.zeros((D,), dtype=jnp.float32)
    inp['Wo'] = jax.random.normal(ks[9], (D, D), dtype=jnp.float32) * s
    inp['bo'] = jnp.zeros((D,), dtype=jnp.float32)
    return inp


def _gcn_conv(x, edge_index, W, b):
    # PyG GCNConv: add self-loops, symmetric normalization, linear transform
    src, dst = edge_index[0], edge_index[1]
    n = x.shape[0]
    loop = jnp.arange(n, dtype=src.dtype)
    s_idx = jnp.concatenate([src, loop])
    d_idx = jnp.concatenate([dst, loop])
    deg = jnp.zeros((n,), x.dtype).at[d_idx].add(1.0)
    inv_sqrt = jax.lax.rsqrt(jnp.maximum(deg, 1.0))
    h = x @ W
    coef = inv_sqrt[s_idx] * inv_sqrt[d_idx]
    out = jnp.zeros_like(h).at[d_idx].add(coef[:, None] * h[s_idx])
    return out + b


def _gin_conv(x, edge_index, W1, b1, W2, b2):
    # GIN: MLP((1+eps)*x + sum_neighbors), eps=0, MLP = Lin-ReLU-Lin
    src, dst = edge_index[0], edge_index[1]
    agg = jnp.zeros_like(x).at[dst].add(x[src])
    h = x + agg
    h = jax.nn.relu(h @ W1 + b1)
    return h @ W2 + b2


def reference(x, edge_index, batch, W0, b0, W1a, b1a, W1b, b1b, W2a, b2a, W2b, b2b, Wh, bh, Wo, bo):
    h = jax.nn.relu(_gcn_conv(x, edge_index, W0, b0))
    h = jax.nn.relu(_gin_conv(h, edge_index, W1a, b1a, W1b, b1b))
    h = jax.nn.relu(_gin_conv(h, edge_index, W2a, b2a, W2b, b2b))
    # global_mean_pool over batch index
    sums = jax.ops.segment_sum(h, batch, num_segments=G)
    cnt = jax.ops.segment_sum(jnp.ones((h.shape[0], 1), h.dtype), batch, num_segments=G)
    pooled = sums / jnp.maximum(cnt, 1.0)
    hid = jax.nn.relu(pooled @ Wh + bh)
    out = hid @ Wo + bo
    return out

if __name__ == "__main__":
    import jax
    _d = setup_inputs()
    print(jax.jit(kernel)(*tuple(_d.values())))

</pallas_src>

<mosaic_0001>
#map = affine_map<(d0, d1) -> (0, 0)>
#map1 = affine_map<(d0, d1) -> (0, 0, 0)>
module attributes {stable_mosaic.version = 14 : i64} {
  func.func @_sc_edge_scatter_body(%arg0: i32, %arg1: i32, %arg2: memref<10008x128xf32, #tpu.memory_space<hbm>>, %arg3: memref<16x110x128xi32, #tpu.memory_space<hbm>>, %arg4: memref<16x110x128xi32, #tpu.memory_space<hbm>>, %arg5: memref<16x48x128xi32, #tpu.memory_space<hbm>>, %arg6: memref<16x48x128xi32, #tpu.memory_space<hbm>>, %arg7: memref<10112x128xf32, #tpu.memory_space<hbm>>, %arg8: memref<2x10112x128xf32, #tpu.memory_space<hbm>>, %arg9: memref<110x128xi32, #tpu.memory_space<vmem>>, %arg10: memref<110x128xi32, #tpu.memory_space<vmem>>, %arg11: memref<128x128xf32, #tpu.memory_space<vmem>>, %arg12: memref<10112x128xf32, #tpu.memory_space<vmem_shared>>, %arg13: memref<!tpu.dma_semaphore, #tpu.memory_space<semaphore_mem>>) attributes {dimension_semantics = [#tpu.dimension_semantics<core_parallel>, #tpu.dimension_semantics<subcore_parallel>], iteration_bounds = array<i64: 2, 16>, scalar_prefetch = 0 : i64, scratch_operands = 5 : i64, tpu.core_type = #tpu.core_type<sc_vector_subcore>, window_params = [{transform_indices = #map}, {transform_indices = #map1}, {transform_indices = #map1}, {transform_indices = #map1}, {transform_indices = #map1}, {transform_indices = #map}, {transform_indices = #map1}]} {
    %eq3A = arith.constant 0 : i32
    %eq3A_0 = arith.cmpi eq, %arg1, %eq3A : i32
    %convert_element_type3A = arith.extui %eq3A_0 : i1 to i32
    %cond3A = arith.constant 0 : i32
    %cond3A_1 = arith.cmpi ne, %convert_element_type3A, %cond3A : i32
    scf.if %cond3A_1 {
      "tpu.region"() ({
        %run_scoped3A = tpu.sem_alloc : memref<!tpu.dma_semaphore, #tpu.memory_space<semaphore_mem>>
        tpu.enqueue_dma source(%arg7 : memref<10112x128xf32, #tpu.memory_space<hbm>>) target(%arg12 : memref<10112x128xf32, #tpu.memory_space<vmem_shared>>) target_semaphore(%run_scoped3A : memref<!tpu.dma_semaphore, #tpu.memory_space<semaphore_mem>>)
        tpu.wait_dma2 semaphore(%run_scoped3A : memref<!tpu.dma_semaphore, #tpu.memory_space<semaphore_mem>>) src(%arg7 : memref<10112x128xf32, #tpu.memory_space<hbm>>) dst(%arg12 : memref<10112x128xf32, #tpu.memory_space<vmem_shared>>)
        tpu.yield
      }) : () -> ()
    } else {
    }
    %eq3A_2 = arith.constant 0 : i32
    %eq3A_3 = arith.cmpi eq, %arg0, %eq3A_2 : i32
    %convert_element_type3A_4 = arith.extui %eq3A_3 : i1 to i32
    %cond3A_5 = arith.constant 0 : i32
    %cond3A_6 = arith.cmpi ne, %convert_element_type3A_4, %cond3A_5 : i32
    scf.if %cond3A_6 {
      "tpu.region"() ({
        %run_scoped3A = tpu.sem_alloc : memref<!tpu.dma_semaphore, #tpu.memory_space<semaphore_mem>>
        %dma_start3A = arith.constant 0 : i32
        %dma_start3A_24 = arith.constant 0 : i32
        %dma_start3A_25 = tpu.memref_slice %arg3[%arg1, %dma_start3A, %dma_start3A_24] : memref<16x110x128xi32, #tpu.memory_space<hbm>> -> memref<1x110x128xi32, #tpu.memory_space<hbm>>
        %dma_start3A_26 = tpu.memref_squeeze %dma_start3A_25 : memref<1x110x128xi32, #tpu.memory_space<hbm>> -> memref<110x128xi32, #tpu.memory_space<hbm>>
        %dma_start3A_27 = arith.constant 0 : i32
        %dma_start3A_28 = arith.constant 0 : i32
        %dma_start3A_29 = tpu.memref_slice %arg3[%arg1, %dma_start3A_27, %dma_start3A_28] : memref<16x110x128xi32, #tpu.memory_space<hbm>> -> memref<1x110x128xi32, #tpu.memory_space<hbm>>
        %dma_start3A_30 = tpu.memref_squeeze %dma_start3A_29 : memref<1x110x128xi32, #tpu.memory_space<hbm>> -> memref<110x128xi32, #tpu.memory_space<hbm>>
        tpu.enqueue_dma source(%dma_start3A_30 : memref<110x128xi32, #tpu.memory_space<hbm>>) target(%arg9 : memref<110x128xi32, #tpu.memory_space<vmem>>) target_semaphore(%run_scoped3A : memref<!tpu.dma_semaphore, #tpu.memory_space<semaphore_mem>>)
        %dma_wait3A = arith.constant 0 : i32
        %dma_wait3A_31 = arith.constant 0 : i32
        %dma_wait3A_32 = tpu.memref_slice %arg3[%arg1, %dma_wait3A, %dma_wait3A_31] : memref<16x110x128xi32, #tpu.memory_space<hbm>> -> memref<1x110x128xi32, #tpu.memory_space<hbm>>
        %dma_wait3A_33 = tpu.memref_squeeze %dma_wait3A_32 : memref<1x110x128xi32, #tpu.memory_space<hbm>> -> memref<110x128xi32, #tpu.memory_space<hbm>>
        %dma_wait3A_34 = arith.constant 0 : i32
        %dma_wait3A_35 = arith.constant 0 : i32
        %dma_wait3A_36 = tpu.memref_slice %arg3[%arg1, %dma_wait3A_34, %dma_wait3A_35] : memref<16x110x128xi32, #tpu.memory_space<hbm>> -> memref<1x110x128xi32, #tpu.memory_space<hbm>>
        %dma_wait3A_37 = tpu.memref_squeeze %dma_wait3A_36 : memref<1x110x128xi32, #tpu.memory_space<hbm>> -> memref<110x128xi32, #tpu.memory_space<hbm>>
        tpu.wait_dma2 semaphore(%run_scoped3A : memref<!tpu.dma_semaphore, #tpu.memory_space<semaphore_mem>>) src(%dma_wait3A_37 : memref<110x128xi32, #tpu.memory_space<hbm>>) dst(%arg9 : memref<110x128xi32, #tpu.memory_space<vmem>>)
        tpu.yield
      }) : () -> ()
      "tpu.region"() ({
        %run_scoped3A = tpu.sem_alloc : memref<!tpu.dma_semaphore, #tpu.memory_space<semaphore_mem>>
        %dma_start3A = arith.constant 0 : i32
        %dma_start3A_24 = arith.constant 0 : i32
        %dma_start3A_25 = tpu.memref_slice %arg4[%arg1, %dma_start3A, %dma_start3A_24] : memref<16x110x128xi32, #tpu.memory_space<hbm>> -> memref<1x110x128xi32, #tpu.memory_space<hbm>>
        %dma_start3A_26 = tpu.memref_squeeze %dma_start3A_25 : memref<1x110x128xi32, #tpu.memory_space<hbm>> -> memref<110x128xi32, #tpu.memory_space<hbm>>
        %dma_start3A_27 = arith.constant 0 : i32
        %dma_start3A_28 = arith.constant 0 : i32
        %dma_start3A_29 = tpu.memref_slice %arg4[%arg1, %dma_start3A_27, %dma_start3A_28] : memref<16x110x128xi32, #tpu.memory_space<hbm>> -> memref<1x110x128xi32, #tpu.memory_space<hbm>>
        %dma_start3A_30 = tpu.memref_squeeze %dma_start3A_29 : memref<1x110x128xi32, #tpu.memory_space<hbm>> -> memref<110x128xi32, #tpu.memory_space<hbm>>
        tpu.enqueue_dma source(%dma_start3A_30 : memref<110x128xi32, #tpu.memory_space<hbm>>) target(%arg10 : memref<110x128xi32, #tpu.memory_space<vmem>>) target_semaphore(%run_scoped3A : memref<!tpu.dma_semaphore, #tpu.memory_space<semaphore_mem>>)
        %dma_wait3A = arith.constant 0 : i32
        %dma_wait3A_31 = arith.constant 0 : i32
        %dma_wait3A_32 = tpu.memref_slice %arg4[%arg1, %dma_wait3A, %dma_wait3A_31] : memref<16x110x128xi32, #tpu.memory_space<hbm>> -> memref<1x110x128xi32, #tpu.memory_space<hbm>>
        %dma_wait3A_33 = tpu.memref_squeeze %dma_wait3A_32 : memref<1x110x128xi32, #tpu.memory_space<hbm>> -> memref<110x128xi32, #tpu.memory_space<hbm>>
        %dma_wait3A_34 = arith.constant 0 : i32
        %dma_wait3A_35 = arith.constant 0 : i32
        %dma_wait3A_36 = tpu.memref_slice %arg4[%arg1, %dma_wait3A_34, %dma_wait3A_35] : memref<16x110x128xi32, #tpu.memory_space<hbm>> -> memref<1x110x128xi32, #tpu.memory_space<hbm>>
        %dma_wait3A_37 = tpu.memref_squeeze %dma_wait3A_36 : memref<1x110x128xi32, #tpu.memory_space<hbm>> -> memref<110x128xi32, #tpu.memory_space<hbm>>
        tpu.wait_dma2 semaphore(%run_scoped3A : memref<!tpu.dma_semaphore, #tpu.memory_space<semaphore_mem>>) src(%dma_wait3A_37 : memref<110x128xi32, #tpu.memory_space<hbm>>) dst(%arg10 : memref<110x128xi32, #tpu.memory_space<vmem>>)
        tpu.yield
      }) : () -> ()
    } else {
    }
    %eq3A_7 = arith.constant 1 : i32
    %eq3A_8 = arith.cmpi eq, %arg0, %eq3A_7 : i32
    %convert_element_type3A_9 = arith.extui %eq3A_8 : i1 to i32
    %cond3A_10 = arith.constant 0 : i32
    %cond3A_11 = arith.cmpi ne, %convert_element_type3A_9, %cond3A_10 : i32
    scf.if %cond3A_11 {
      "tpu.region"() ({
        %run_scoped3A = tpu.sem_alloc : memref<!tpu.dma_semaphore, #tpu.memory_space<semaphore_mem>>
        %dma_start3A = arith.constant 0 : i32
        %dma_start3A_24 = arith.constant 0 : i32
        %dma_start3A_25 = tpu.memref_slice %arg9[%dma_start3A, %dma_start3A_24] : memref<110x128xi32, #tpu.memory_space<vmem>> -> memref<48x128xi32, #tpu.memory_space<vmem>>
        %dma_start3A_26 = arith.constant 0 : i32
        %dma_start3A_27 = arith.constant 0 : i32
        %dma_start3A_28 = tpu.memref_slice %arg5[%arg1, %dma_start3A_26, %dma_start3A_27] : memref<16x48x128xi32, #tpu.memory_space<hbm>> -> memref<1x48x128xi32, #tpu.memory_space<hbm>>
        %dma_start3A_29 = tpu.memref_squeeze %dma_start3A_28 : memref<1x48x128xi32, #tpu.memory_space<hbm>> -> memref<48x128xi32, #tpu.memory_space<hbm>>
        %dma_start3A_30 = arith.constant 0 : i32
        %dma_start3A_31 = arith.constant 0 : i32
        %dma_start3A_32 = tpu.memref_slice %arg9[%dma_start3A_30, %dma_start3A_31] : memref<110x128xi32, #tpu.memory_space<vmem>> -> memref<48x128xi32, #tpu.memory_space<vmem>>
        %dma_start3A_33 = arith.constant 0 : i32
        %dma_start3A_34 = arith.constant 0 : i32
        %dma_start3A_35 = tpu.memref_slice %arg5[%arg1, %dma_start3A_33, %dma_start3A_34] : memref<16x48x128xi32, #tpu.memory_space<hbm>> -> memref<1x48x128xi32, #tpu.memory_space<hbm>>
        %dma_start3A_36 = tpu.memref_squeeze %dma_start3A_35 : memref<1x48x128xi32, #tpu.memory_space<hbm>> -> memref<48x128xi32, #tpu.memory_space<hbm>>
        tpu.enqueue_dma source(%dma_start3A_36 : memref<48x128xi32, #tpu.memory_space<hbm>>) target(%dma_start3A_32 : memref<48x128xi32, #tpu.memory_space<vmem>>) target_semaphore(%run_scoped3A : memref<!tpu.dma_semaphore, #tpu.memory_space<semaphore_mem>>)
        %dma_wait3A = arith.constant 0 : i32
        %dma_wait3A_37 = arith.constant 0 : i32
        %dma_wait3A_38 = tpu.memref_slice %arg9[%dma_wait3A, %dma_wait3A_37] : memref<110x128xi32, #tpu.memory_space<vmem>> -> memref<48x128xi32, #tpu.memory_space<vmem>>
        %dma_wait3A_39 = arith.constant 0 : i32
        %dma_wait3A_40 = arith.constant 0 : i32
        %dma_wait3A_41 = tpu.memref_slice %arg5[%arg1, %dma_wait3A_39, %dma_wait3A_40] : memref<16x48x128xi32, #tpu.memory_space<hbm>> -> memref<1x48x128xi32, #tpu.memory_space<hbm>>
        %dma_wait3A_42 = tpu.memref_squeeze %dma_wait3A_41 : memref<1x48x128xi32, #tpu.memory_space<hbm>> -> memref<48x128xi32, #tpu.memory_space<hbm>>
        %dma_wait3A_43 = arith.constant 0 : i32
        %dma_wait3A_44 = arith.constant 0 : i32
        %dma_wait3A_45 = tpu.memref_slice %arg9[%dma_wait3A_43, %dma_wait3A_44] : memref<110x128xi32, #tpu.memory_space<vmem>> -> memref<48x128xi32, #tpu.memory_space<vmem>>
        %dma_wait3A_46 = arith.constant 0 : i32
        %dma_wait3A_47 = arith.constant 0 : i32
        %dma_wait3A_48 = tpu.memref_slice %arg5[%arg1, %dma_wait3A_46, %dma_wait3A_47] : memref<16x48x128xi32, #tpu.memory_space<hbm>> -> memref<1x48x128xi32, #tpu.memory_space<hbm>>
        %dma_wait3A_49 = tpu.memref_squeeze %dma_wait3A_48 : memref<1x48x128xi32, #tpu.memory_space<hbm>> -> memref<48x128xi32, #tpu.memory_space<hbm>>
        tpu.wait_dma2 semaphore(%run_scoped3A : memref<!tpu.dma_semaphore, #tpu.memory_space<semaphore_mem>>) src(%dma_wait3A_49 : memref<48x128xi32, #tpu.memory_space<hbm>>) dst(%dma_wait3A_45 : memref<48x128xi32, #tpu.memory_space<vmem>>)
        tpu.yield
      }) : () -> ()
      "tpu.region"() ({
        %run_scoped3A = tpu.sem_alloc : memref<!tpu.dma_semaphore, #tpu.memory_space<semaphore_mem>>
        %dma_start3A = arith.constant 0 : i32
        %dma_start3A_24 = arith.constant 0 : i32
        %dma_start3A_25 = tpu.memref_slice %arg10[%dma_start3A, %dma_start3A_24] : memref<110x128xi32, #tpu.memory_space<vmem>> -> memref<48x128xi32, #tpu.memory_space<vmem>>
        %dma_start3A_26 = arith.constant 0 : i32
        %dma_start3A_27 = arith.constant 0 : i32
        %dma_start3A_28 = tpu.memref_slice %arg6[%arg1, %dma_start3A_26, %dma_start3A_27] : memref<16x48x128xi32, #tpu.memory_space<hbm>> -> memref<1x48x128xi32, #tpu.memory_space<hbm>>
        %dma_start3A_29 = tpu.memref_squeeze %dma_start3A_28 : memref<1x48x128xi32, #tpu.memory_space<hbm>> -> memref<48x128xi32, #tpu.memory_space<hbm>>
        %dma_start3A_30 = arith.constant 0 : i32
        %dma_start3A_31 = arith.constant 0 : i32
        %dma_start3A_32 = tpu.memref_slice %arg10[%dma_start3A_30, %dma_start3A_31] : memref<110x128xi32, #tpu.memory_space<vmem>> -> memref<48x128xi32, #tpu.memory_space<vmem>>
        %dma_start3A_33 = arith.constant 0 : i32
        %dma_start3A_34 = arith.constant 0 : i32
        %dma_start3A_35 = tpu.memref_slice %arg6[%arg1, %dma_start3A_33, %dma_start3A_34] : memref<16x48x128xi32, #tpu.memory_space<hbm>> -> memref<1x48x128xi32, #tpu.memory_space<hbm>>
        %dma_start3A_36 = tpu.memref_squeeze %dma_start3A_35 : memref<1x48x128xi32, #tpu.memory_space<hbm>> -> memref<48x128xi32, #tpu.memory_space<hbm>>
        tpu.enqueue_dma source(%dma_start3A_36 : memref<48x128xi32, #tpu.memory_space<hbm>>) target(%dma_start3A_32 : memref<48x128xi32, #tpu.memory_space<vmem>>) target_semaphore(%run_scoped3A : memref<!tpu.dma_semaphore, #tpu.memory_space<semaphore_mem>>)
        %dma_wait3A = arith.constant 0 : i32
        %dma_wait3A_37 = arith.constant 0 : i32
        %dma_wait3A_38 = tpu.memref_slice %arg10[%dma_wait3A, %dma_wait3A_37] : memref<110x128xi32, #tpu.memory_space<vmem>> -> memref<48x128xi32, #tpu.memory_space<vmem>>
        %dma_wait3A_39 = arith.constant 0 : i32
        %dma_wait3A_40 = arith.constant 0 : i32
        %dma_wait3A_41 = tpu.memref_slice %arg6[%arg1, %dma_wait3A_39, %dma_wait3A_40] : memref<16x48x128xi32, #tpu.memory_space<hbm>> -> memref<1x48x128xi32, #tpu.memory_space<hbm>>
        %dma_wait3A_42 = tpu.memref_squeeze %dma_wait3A_41 : memref<1x48x128xi32, #tpu.memory_space<hbm>> -> memref<48x128xi32, #tpu.memory_space<hbm>>
        %dma_wait3A_43 = arith.constant 0 : i32
        %dma_wait3A_44 = arith.constant 0 : i32
        %dma_wait3A_45 = tpu.memref_slice %arg10[%dma_wait3A_43, %dma_wait3A_44] : memref<110x128xi32, #tpu.memory_space<vmem>> -> memref<48x128xi32, #tpu.memory_space<vmem>>
        %dma_wait3A_46 = arith.constant 0 : i32
        %dma_wait3A_47 = arith.constant 0 : i32
        %dma_wait3A_48 = tpu.memref_slice %arg6[%arg1, %dma_wait3A_46, %dma_wait3A_47] : memref<16x48x128xi32, #tpu.memory_space<hbm>> -> memref<1x48x128xi32, #tpu.memory_space<hbm>>
        %dma_wait3A_49 = tpu.memref_squeeze %dma_wait3A_48 : memref<1x48x128xi32, #tpu.memory_space<hbm>> -> memref<48x128xi32, #tpu.memory_space<hbm>>
        tpu.wait_dma2 semaphore(%run_scoped3A : memref<!tpu.dma_semaphore, #tpu.memory_space<semaphore_mem>>) src(%dma_wait3A_49 : memref<48x128xi32, #tpu.memory_space<hbm>>) dst(%dma_wait3A_45 : memref<48x128xi32, #tpu.memory_space<vmem>>)
        tpu.yield
      }) : () -> ()
    } else {
    }
    %barrier3A = arith.constant 0 : index
    tpu.barrier barrier_id(%barrier3A)
    %eq3A_12 = arith.constant 0 : i32
    %eq3A_13 = arith.cmpi eq, %arg0, %eq3A_12 : i32
    %convert_element_type3A_14 = arith.extui %eq3A_13 : i1 to i32
    %cond3A_15 = arith.constant 0 : i32
    %cond3A_16 = arith.cmpi ne, %convert_element_type3A_14, %cond3A_15 : i32
    scf.if %cond3A_16 {
      %scan3A = arith.constant 0 : i32
      %scan3A_24 = arith.constant 0 : i32
      %scan3A_25 = arith.constant 110 : i32
      %scan3A_26 = arith.addi %scan3A_24, %scan3A_25 : i32
      %scan3A_27 = arith.constant 1 : i32
      %scan3A_28 = scf.for %scan3A_30 = %scan3A_24 to %scan3A_26 step %scan3A_27 iter_args(%scan3A_31 = %scan3A) -> (i32)  : i32 {
        %dma_start3A = arith.constant 0 : i32
        %dma_start3A_32 = tpu.memref_slice %arg9[%scan3A_30, %dma_start3A] : memref<110x128xi32, #tpu.memory_space<vmem>> -> memref<1x128xi32, #tpu.memory_space<vmem>>
        %dma_start3A_33 = tpu.memref_squeeze %dma_start3A_32 : memref<1x128xi32, #tpu.memory_space<vmem>> -> memref<128xi32, #tpu.memory_space<vmem>>
        %dma_start3A_34 = arith.constant 0 : i32
        %dma_start3A_35 = arith.constant 0 : i32
        %dma_start3A_36 = tpu.memref_slice %arg2[%dma_start3A_34, %dma_start3A_35] : memref<10008x128xf32, #tpu.memory_space<hbm>> -> memref<10008x128xf32, #tpu.memory_space<hbm>>
        tpu.enqueue_indirect_dma source(%dma_start3A_36 : memref<10008x128xf32, #tpu.memory_space<hbm>>) target(%arg11 : memref<128x128xf32, #tpu.memory_space<vmem>>) offsets(%dma_start3A_33 : memref<128xi32, #tpu.memory_space<vmem>>) semaphore(%arg13 : memref<!tpu.dma_semaphore, #tpu.memory_space<semaphore_mem>>)
        %dma_wait3A = arith.constant 0 : i32
        %dma_wait3A_37 = tpu.memref_slice %arg9[%scan3A_30, %dma_wait3A] : memref<110x128xi32, #tpu.memory_space<vmem>> -> memref<1x128xi32, #tpu.memory_space<vmem>>
        %dma_wait3A_38 = tpu.memref_squeeze %dma_wait3A_37 : memref<1x128xi32, #tpu.memory_space<vmem>> -> memref<128xi32, #tpu.memory_space<vmem>>
        %dma_wait3A_39 = arith.constant 0 : i32
        %dma_wait3A_40 = arith.constant 0 : i32
        %dma_wait3A_41 = tpu.memref_slice %arg2[%dma_wait3A_39, %dma_wait3A_40] : memref<10008x128xf32, #tpu.memory_space<hbm>> -> memref<10008x128xf32, #tpu.memory_space<hbm>>
        tpu.wait_indirect_dma semaphore(%arg13 : memref<!tpu.dma_semaphore, #tpu.memory_space<semaphore_mem>>) src(%dma_wait3A_41 : memref<10008x128xf32, #tpu.memory_space<hbm>>) dst(%arg11 : memref<128x128xf32, #tpu.memory_space<vmem>>)
        "tpu.region"() ({
          %run_scoped3A = tpu.sem_alloc : memref<!tpu.dma_semaphore, #tpu.memory_space<semaphore_mem>>
          %dma_start3A_43 = arith.constant 0 : i32
          %dma_start3A_44 = tpu.memref_slice %arg10[%scan3A_30, %dma_start3A_43] : memref<110x128xi32, #tpu.memory_space<vmem>> -> memref<1x128xi32, #tpu.memory_space<vmem>>
          %dma_start3A_45 = tpu.memref_squeeze %dma_start3A_44 : memref<1x128xi32, #tpu.memory_space<vmem>> -> memref<128xi32, #tpu.memory_space<vmem>>
          %dma_start3A_46 = arith.constant 0 : i32
          %dma_start3A_47 = arith.constant 0 : i32
          %dma_start3A_48 = tpu.memref_slice %arg12[%dma_start3A_46, %dma_start3A_47] : memref<10112x128xf32, #tpu.memory_space<vmem_shared>> -> memref<10112x128xf32, #tpu.memory_space<vmem_shared>>
          tpu.enqueue_indirect_dma source(%arg11 : memref<128x128xf32, #tpu.memory_space<vmem>>) target(%dma_start3A_48 : memref<10112x128xf32, #tpu.memory_space<vmem_shared>>) offsets(%dma_start3A_45 : memref<128xi32, #tpu.memory_space<vmem>>) semaphore(%run_scoped3A : memref<!tpu.dma_semaphore, #tpu.memory_space<semaphore_mem>>) {add = true}
          %dma_wait3A_49 = arith.constant 0 : i32
          %dma_wait3A_50 = tpu.memref_slice %arg10[%scan3A_30, %dma_wait3A_49] : memref<110x128xi32, #tpu.memory_space<vmem>> -> memref<1x128xi32, #tpu.memory_space<vmem>>
          %dma_wait3A_51 = tpu.memref_squeeze %dma_wait3A_50 : memref<1x128xi32, #tpu.memory_space<vmem>> -> memref<128xi32, #tpu.memory_space<vmem>>
          %dma_wait3A_52 = arith.constant 0 : i32
          %dma_wait3A_53 = arith.constant 0 : i32
          %dma_wait3A_54 = tpu.memref_slice %arg12[%dma_wait3A_52, %dma_wait3A_53] : memref<10112x128xf32, #tpu.memory_space<vmem_shared>> -> memref<10112x128xf32, #tpu.memory_space<vmem_shared>>
          tpu.wait_indirect_dma semaphore(%run_scoped3A : memref<!tpu.dma_semaphore, #tpu.memory_space<semaphore_mem>>) src(%arg11 : memref<128x128xf32, #tpu.memory_space<vmem>>) dst(%dma_wait3A_54 : memref<10112x128xf32, #tpu.memory_space<vmem_shared>>)
          tpu.yield
        }) : () -> ()
        %scan3A_42 = arith.constant 0 : i32
        scf.yield %scan3A_42 : i32
      }
      %scan3A_29 = arith.constant 110 : i32
    } else {
    }
    %eq3A_17 = arith.constant 1 : i32
    %eq3A_18 = arith.cmpi eq, %arg0, %eq3A_17 : i32
    %convert_element_type3A_19 = arith.extui %eq3A_18 : i1 to i32
    %cond3A_20 = arith.constant 0 : i32
    %cond3A_21 = arith.cmpi ne, %convert_element_type3A_19, %cond3A_20 : i32
    scf.if %cond3A_21 {
      %scan3A = arith.constant 0 : i32
      %scan3A_24 = arith.constant 0 : i32
      %scan3A_25 = arith.constant 48 : i32
      %scan3A_26 = arith.addi %scan3A_24, %scan3A_25 : i32
      %scan3A_27 = arith.constant 1 : i32
      %scan3A_28 = scf.for %scan3A_30 = %scan3A_24 to %scan3A_26 step %scan3A_27 iter_args(%scan3A_31 = %scan3A) -> (i32)  : i32 {
        %dma_start3A = arith.constant 0 : i32
        %dma_start3A_32 = tpu.memref_slice %arg9[%scan3A_30, %dma_start3A] : memref<110x128xi32, #tpu.memory_space<vmem>> -> memref<1x128xi32, #tpu.memory_space<vmem>>
        %dma_start3A_33 = tpu.memref_squeeze %dma_start3A_32 : memref<1x128xi32, #tpu.memory_space<vmem>> -> memref<128xi32, #tpu.memory_space<vmem>>
        %dma_start3A_34 = arith.constant 0 : i32
        %dma_start3A_35 = arith.constant 0 : i32
        %dma_start3A_36 = tpu.memref_slice %arg2[%dma_start3A_34, %dma_start3A_35] : memref<10008x128xf32, #tpu.memory_space<hbm>> -> memref<10008x128xf32, #tpu.memory_space<hbm>>
        tpu.enqueue_indirect_dma source(%dma_start3A_36 : memref<10008x128xf32, #tpu.memory_space<hbm>>) target(%arg11 : memref<128x128xf32, #tpu.memory_space<vmem>>) offsets(%dma_start3A_33 : memref<128xi32, #tpu.memory_space<vmem>>) semaphore(%arg13 : memref<!tpu.dma_semaphore, #tpu.memory_space<semaphore_mem>>)
        %dma_wait3A = arith.constant 0 : i32
        %dma_wait3A_37 = tpu.memref_slice %arg9[%scan3A_30, %dma_wait3A] : memref<110x128xi32, #tpu.memory_space<vmem>> -> memref<1x128xi32, #tpu.memory_space<vmem>>
        %dma_wait3A_38 = tpu.memref_squeeze %dma_wait3A_37 : memref<1x128xi32, #tpu.memory_space<vmem>> -> memref<128xi32, #tpu.memory_space<vmem>>
        %dma_wait3A_39 = arith.constant 0 : i32
        %dma_wait3A_40 = arith.constant 0 : i32
        %dma_wait3A_41 = tpu.memref_slice %arg2[%dma_wait3A_39, %dma_wait3A_40] : memref<10008x128xf32, #tpu.memory_space<hbm>> -> memref<10008x128xf32, #tpu.memory_space<hbm>>
        tpu.wait_indirect_dma semaphore(%arg13 : memref<!tpu.dma_semaphore, #tpu.memory_space<semaphore_mem>>) src(%dma_wait3A_41 : memref<10008x128xf32, #tpu.memory_space<hbm>>) dst(%arg11 : memref<128x128xf32, #tpu.memory_space<vmem>>)
        "tpu.region"() ({
          %run_scoped3A = tpu.sem_alloc : memref<!tpu.dma_semaphore, #tpu.memory_space<semaphore_mem>>
          %dma_start3A_43 = arith.constant 0 : i32
          %dma_start3A_44 = tpu.memref_slice %arg10[%scan3A_30, %dma_start3A_43] : memref<110x128xi32, #tpu.memory_space<vmem>> -> memref<1x128xi32, #tpu.memory_space<vmem>>
          %dma_start3A_45 = tpu.memref_squeeze %dma_start3A_44 : memref<1x128xi32, #tpu.memory_space<vmem>> -> memref<128xi32, #tpu.memory_space<vmem>>
          %dma_start3A_46 = arith.constant 0 : i32
          %dma_start3A_47 = arith.constant 0 : i32
          %dma_start3A_48 = tpu.memref_slice %arg12[%dma_start3A_46, %dma_start3A_47] : memref<10112x128xf32, #tpu.memory_space<vmem_shared>> -> memref<10112x128xf32, #tpu.memory_space<vmem_shared>>
          tpu.enqueue_indirect_dma source(%arg11 : memref<128x128xf32, #tpu.memory_space<vmem>>) target(%dma_start3A_48 : memref<10112x128xf32, #tpu.memory_space<vmem_shared>>) offsets(%dma_start3A_45 : memref<128xi32, #tpu.memory_space<vmem>>) semaphore(%run_scoped3A : memref<!tpu.dma_semaphore, #tpu.memory_space<semaphore_mem>>) {add = true}
          %dma_wait3A_49 = arith.constant 0 : i32
          %dma_wait3A_50 = tpu.memref_slice %arg10[%scan3A_30, %dma_wait3A_49] : memref<110x128xi32, #tpu.memory_space<vmem>> -> memref<1x128xi32, #tpu.memory_space<vmem>>
          %dma_wait3A_51 = tpu.memref_squeeze %dma_wait3A_50 : memref<1x128xi32, #tpu.memory_space<vmem>> -> memref<128xi32, #tpu.memory_space<vmem>>
          %dma_wait3A_52 = arith.constant 0 : i32
          %dma_wait3A_53 = arith.constant 0 : i32
          %dma_wait3A_54 = tpu.memref_slice %arg12[%dma_wait3A_52, %dma_wait3A_53] : memref<10112x128xf32, #tpu.memory_space<vmem_shared>> -> memref<10112x128xf32, #tpu.memory_space<vmem_shared>>
          tpu.wait_indirect_dma semaphore(%run_scoped3A : memref<!tpu.dma_semaphore, #tpu.memory_space<semaphore_mem>>) src(%arg11 : memref<128x128xf32, #tpu.memory_space<vmem>>) dst(%dma_wait3A_54 : memref<10112x128xf32, #tpu.memory_space<vmem_shared>>)
          tpu.yield
        }) : () -> ()
        %scan3A_42 = arith.constant 0 : i32
        scf.yield %scan3A_42 : i32
      }
      %scan3A_29 = arith.constant 48 : i32
    } else {
    }
    %barrier3A_22 = arith.constant 0 : index
    tpu.barrier barrier_id(%barrier3A_22)
    %mul3A = arith.constant 632 : i32
    %mul3A_23 = arith.muli %arg1, %mul3A : i32
    "tpu.region"() ({
      %run_scoped3A = tpu.sem_alloc : memref<!tpu.dma_semaphore, #tpu.memory_space<semaphore_mem>>
      %dma_start3A = arith.constant 0 : i32
      %dma_start3A_24 = arith.constant 0 : i32
      %dma_start3A_25 = tpu.memref_slice %arg8[%arg0, %dma_start3A, %dma_start3A_24] : memref<2x10112x128xf32, #tpu.memory_space<hbm>> -> memref<1x10112x128xf32, #tpu.memory_space<hbm>>
      %dma_start3A_26 = tpu.memref_squeeze %dma_start3A_25 : memref<1x10112x128xf32, #tpu.memory_space<hbm>> -> memref<10112x128xf32, #tpu.memory_space<hbm>>
      %dma_start3A_27 = arith.constant 0 : i32
      %dma_start3A_28 = tpu.memref_slice %dma_start3A_26[%mul3A_23, %dma_start3A_27] : memref<10112x128xf32, #tpu.memory_space<hbm>> -> memref<632x128xf32, #tpu.memory_space<hbm>>
      %dma_start3A_29 = arith.constant 0 : i32
      %dma_start3A_30 = tpu.memref_slice %arg12[%mul3A_23, %dma_start3A_29] : memref<10112x128xf32, #tpu.memory_space<vmem_shared>> -> memref<632x128xf32, #tpu.memory_space<vmem_shared>>
      tpu.enqueue_dma source(%dma_start3A_30 : memref<632x128xf32, #tpu.memory_space<vmem_shared>>) target(%dma_start3A_28 : memref<632x128xf32, #tpu.memory_space<hbm>>) target_semaphore(%run_scoped3A : memref<!tpu.dma_semaphore, #tpu.memory_space<semaphore_mem>>)
      %dma_wait3A = arith.constant 0 : i32
      %dma_wait3A_31 = arith.constant 0 : i32
      %dma_wait3A_32 = tpu.memref_slice %arg8[%arg0, %dma_wait3A, %dma_wait3A_31] : memref<2x10112x128xf32, #tpu.memory_space<hbm>> -> memref<1x10112x128xf32, #tpu.memory_space<hbm>>
      %dma_wait3A_33 = tpu.memref_squeeze %dma_wait3A_32 : memref<1x10112x128xf32, #tpu.memory_space<hbm>> -> memref<10112x128xf32, #tpu.memory_space<hbm>>
      %dma_wait3A_34 = arith.constant 0 : i32
      %dma_wait3A_35 = tpu.memref_slice %dma_wait3A_33[%mul3A_23, %dma_wait3A_34] : memref<10112x128xf32, #tpu.memory_space<hbm>> -> memref<632x128xf32, #tpu.memory_space<hbm>>
      %dma_wait3A_36 = arith.constant 0 : i32
      %dma_wait3A_37 = tpu.memref_slice %arg12[%mul3A_23, %dma_wait3A_36] : memref<10112x128xf32, #tpu.memory_space<vmem_shared>> -> memref<632x128xf32, #tpu.memory_space<vmem_shared>>
      tpu.wait_dma2 semaphore(%run_scoped3A : memref<!tpu.dma_semaphore, #tpu.memory_space<semaphore_mem>>) src(%dma_wait3A_37 : memref<632x128xf32, #tpu.memory_space<vmem_shared>>) dst(%dma_wait3A_35 : memref<632x128xf32, #tpu.memory_space<hbm>>)
      tpu.yield
    }) : () -> ()
    return
  }
}

#map = affine_map<(d0, d1) -> (0, 0, 0)>
#map1 = affine_map<(d0, d1) -> (0)>
#map2 = affine_map<(d0, d1) -> (0, 0)>
module attributes {stable_mosaic.version = 14 : i64} {
  func.func @_sc_degree_body(%arg0: i32, %arg1: i32, %arg2: memref<16x110x128xi32, #tpu.memory_space<hbm>>, %arg3: memref<16x48x128xi32, #tpu.memory_space<hbm>>, %arg4: memref<10112xf32, #tpu.memory_space<hbm>>, %arg5: memref<2x10112xf32, #tpu.memory_space<hbm>>, %arg6: memref<110x128xi32, #tpu.memory_space<vmem>>, %arg7: memref<128xf32, #tpu.memory_space<vmem>>, %arg8: memref<10112xf32, #tpu.memory_space<vmem_shared>>) attributes {dimension_semantics = [#tpu.dimension_semantics<core_parallel>, #tpu.dimension_semantics<subcore_parallel>], iteration_bounds = array<i64: 2, 16>, scalar_prefetch = 0 : i64, scratch_operands = 3 : i64, tpu.core_type = #tpu.core_type<sc_vector_subcore>, window_params = [{transform_indices = #map}, {transform_indices = #map}, {transform_indices = #map1}, {transform_indices = #map2}]} {
    %broadcast_in_dim3A = arith.constant 1.000000e+00 : f32
    %broadcast_in_dim3A_0 = vector.broadcast %broadcast_in_dim3A : f32 to vector<16xf32>
    %swap3A = arith.constant 0 : index
    %swap3A_1 = tpu.vector_load %arg7[%swap3A] {strides = array<i32>} : memref<128xf32, #tpu.memory_space<vmem>>, vector<16xf32>,
    %swap3A_2 = vector.shape_cast %swap3A_1 : vector<16xf32> to vector<16xf32>
    %swap3A_3 = vector.shape_cast %broadcast_in_dim3A_0 : vector<16xf32> to vector<16xf32>
    tpu.vector_store %arg7[%swap3A], %swap3A_3 {strides = array<i32>} : memref<128xf32, #tpu.memory_space<vmem>>, vector<16xf32>,
    %broadcast_in_dim3A_4 = arith.constant 1.000000e+00 : f32
    %broadcast_in_dim3A_5 = vector.broadcast %broadcast_in_dim3A_4 : f32 to vector<16xf32>
    %swap3A_6 = arith.constant 16 : index
    %swap3A_7 = tpu.vector_load %arg7[%swap3A_6] {strides = array<i32>} : memref<128xf32, #tpu.memory_space<vmem>>, vector<16xf32>,
    %swap3A_8 = vector.shape_cast %swap3A_7 : vector<16xf32> to vector<16xf32>
    %swap3A_9 = vector.shape_cast %broadcast_in_dim3A_5 : vector<16xf32> to vector<16xf32>
    tpu.vector_store %arg7[%swap3A_6], %swap3A_9 {strides = array<i32>} : memref<128xf32, #tpu.memory_space<vmem>>, vector<16xf32>,
    %broadcast_in_dim3A_10 = arith.constant 1.000000e+00 : f32
    %broadcast_in_dim3A_11 = vector.broadcast %broadcast_in_dim3A_10 : f32 to vector<16xf32>
    %swap3A_12 = arith.constant 32 : index
    %swap3A_13 = tpu.vector_load %arg7[%swap3A_12] {strides = array<i32>} : memref<128xf32, #tpu.memory_space<vmem>>, vector<16xf32>,
    %swap3A_14 = vector.shape_cast %swap3A_13 : vector<16xf32> to vector<16xf32>
    %swap3A_15 = vector.shape_cast %broadcast_in_dim3A_11 : vector<16xf32> to vector<16xf32>
    tpu.vector_store %arg7[%swap3A_12], %swap3A_15 {strides = array<i32>} : memref<128xf32, #tpu.memory_space<vmem>>, vector<16xf32>,
    %broadcast_in_dim3A_16 = arith.constant 1.000000e+00 : f32
    %broadcast_in_dim3A_17 = vector.broadcast %broadcast_in_dim3A_16 : f32 to vector<16xf32>
    %swap3A_18 = arith.constant 48 : index
    %swap3A_19 = tpu.vector_load %arg7[%swap3A_18] {strides = array<i32>} : memref<128xf32, #tpu.memory_space<vmem>>, vector<16xf32>,
    %swap3A_20 = vector.shape_cast %swap3A_19 : vector<16xf32> to vector<16xf32>
    %swap3A_21 = vector.shape_cast %broadcast_in_dim3A_17 : vector<16xf32> to vector<16xf32>
    tpu.vector_store %arg7[%swap3A_18], %swap3A_21 {strides = array<i32>} : memref<128xf32, #tpu.memory_space<vmem>>, vector<16xf32>,
    %broadcast_in_dim3A_22 = arith.constant 1.000000e+00 : f32
    %broadcast_in_dim3A_23 = vector.broadcast %broadcast_in_dim3A_22 : f32 to vector<16xf32>
    %swap3A_24 = arith.constant 64 : index
    %swap3A_25 = tpu.vector_load %arg7[%swap3A_24] {strides = array<i32>} : memref<128xf32, #tpu.memory_space<vmem>>, vector<16xf32>,
    %swap3A_26 = vector.shape_cast %swap3A_25 : vector<16xf32> to vector<16xf32>
    %swap3A_27 = vector.shape_cast %broadcast_in_dim3A_23 : vector<16xf32> to vector<16xf32>
    tpu.vector_store %arg7[%swap3A_24], %swap3A_27 {strides = array<i32>} : memref<128xf32, #tpu.memory_space<vmem>>, vector<16xf32>,
    %broadcast_in_dim3A_28 = arith.constant 1.000000e+00 : f32
    %broadcast_in_dim3A_29 = vector.broadcast %broadcast_in_dim3A_28 : f32 to vector<16xf32>
    %swap3A_30 = arith.constant 80 : index
    %swap3A_31 = tpu.vector_load %arg7[%swap3A_30] {strides = array<i32>} : memref<128xf32, #tpu.memory_space<vmem>>, vector<16xf32>,
    %swap3A_32 = vector.shape_cast %swap3A_31 : vector<16xf32> to vector<16xf32>
    %swap3A_33 = vector.shape_cast %broadcast_in_dim3A_29 : vector<16xf32> to vector<16xf32>
    tpu.vector_store %arg7[%swap3A_30], %swap3A_33 {strides = array<i32>} : memref<128xf32, #tpu.memory_space<vmem>>, vector<16xf32>,
    %broadcast_in_dim3A_34 = arith.constant 1.000000e+00 : f32
    %broadcast_in_dim3A_35 = vector.broadcast %broadcast_in_dim3A_34 : f32 to vector<16xf32>
    %swap3A_36 = arith.constant 96 : index
    %swap3A_37 = tpu.vector_load %arg7[%swap3A_36] {strides = array<i32>} : memref<128xf32, #tpu.memory_space<vmem>>, vector<16xf32>,
    %swap3A_38 = vector.shape_cast %swap3A_37 : vector<16xf32> to vector<16xf32>
    %swap3A_39 = vector.shape_cast %broadcast_in_dim3A_35 : vector<16xf32> to vector<16xf32>
    tpu.vector_store %arg7[%swap3A_36], %swap3A_39 {strides = array<i32>} : memref<128xf32, #tpu.memory_space<vmem>>, vector<16xf32>,
    %broadcast_in_dim3A_40 = arith.constant 1.000000e+00 : f32
    %broadcast_in_dim3A_41 = vector.broadcast %broadcast_in_dim3A_40 : f32 to vector<16xf32>
    %swap3A_42 = arith.constant 112 : index
    %swap3A_43 = tpu.vector_load %arg7[%swap3A_42] {strides = array<i32>} : memref<128xf32, #tpu.memory_space<vmem>>, vector<16xf32>,
    %swap3A_44 = vector.shape_cast %swap3A_43 : vector<16xf32> to vector<16xf32>
    %swap3A_45 = vector.shape_cast %broadcast_in_dim3A_41 : vector<16xf32> to vector<16xf32>
    tpu.vector_store %arg7[%swap3A_42], %swap3A_45 {strides = array<i32>} : memref<128xf32, #tpu.memory_space<vmem>>, vector<16xf32>,
    %eq3A = arith.constant 0 : i32
    %eq3A_46 = arith.cmpi eq, %arg1, %eq3A : i32
    %convert_element_type3A = arith.extui %eq3A_46 : i1 to i32
    %cond3A = arith.constant 0 : i32
    %cond3A_47 = arith.cmpi ne, %convert_element_type3A, %cond3A : i32
    scf.if %cond3A_47 {
      "tpu.region"() ({
        %run_scoped3A = tpu.sem_alloc : memref<!tpu.dma_semaphore, #tpu.memory_space<semaphore_mem>>
        tpu.enqueue_dma source(%arg4 : memref<10112xf32, #tpu.memory_space<hbm>>) target(%arg8 : memref<10112xf32, #tpu.memory_space<vmem_shared>>) target_semaphore(%run_scoped3A : memref<!tpu.dma_semaphore, #tpu.memory_space<semaphore_mem>>)
        tpu.wait_dma2 semaphore(%run_scoped3A : memref<!tpu.dma_semaphore, #tpu.memory_space<semaphore_mem>>) src(%arg4 : memref<10112xf32, #tpu.memory_space<hbm>>) dst(%arg8 : memref<10112xf32, #tpu.memory_space<vmem_shared>>)
        tpu.yield
      }) : () -> ()
    } else {
    }
    %eq3A_48 = arith.constant 0 : i32
    %eq3A_49 = arith.cmpi eq, %arg0, %eq3A_48 : i32
    %convert_element_type3A_50 = arith.extui %eq3A_49 : i1 to i32
    %cond3A_51 = arith.constant 0 : i32
    %cond3A_52 = arith.cmpi ne, %convert_element_type3A_50, %cond3A_51 : i32
    scf.if %cond3A_52 {
      "tpu.region"() ({
        %run_scoped3A = tpu.sem_alloc : memref<!tpu.dma_semaphore, #tpu.memory_space<semaphore_mem>>
        %dma_start3A = arith.constant 0 : i32
        %dma_start3A_74 = arith.constant 0 : i32
        %dma_start3A_75 = tpu.memref_slice %arg2[%arg1, %dma_start3A, %dma_start3A_74] : memref<16x110x128xi32, #tpu.memory_space<hbm>> -> memref<1x110x128xi32, #tpu.memory_space<hbm>>
        %dma_start3A_76 = tpu.memref_squeeze %dma_start3A_75 : memref<1x110x128xi32, #tpu.memory_space<hbm>> -> memref<110x128xi32, #tpu.memory_space<hbm>>
        %dma_start3A_77 = arith.constant 0 : i32
        %dma_start3A_78 = arith.constant 0 : i32
        %dma_start3A_79 = tpu.memref_slice %arg2[%arg1, %dma_start3A_77, %dma_start3A_78] : memref<16x110x128xi32, #tpu.memory_space<hbm>> -> memref<1x110x128xi32, #tpu.memory_space<hbm>>
        %dma_start3A_80 = tpu.memref_squeeze %dma_start3A_79 : memref<1x110x128xi32, #tpu.memory_space<hbm>> -> memref<110x128xi32, #tpu.memory_space<hbm>>
        tpu.enqueue_dma source(%dma_start3A_80 : memref<110x128xi32, #tpu.memory_space<hbm>>) target(%arg6 : memref<110x128xi32, #tpu.memory_space<vmem>>) target_semaphore(%run_scoped3A : memref<!tpu.dma_semaphore, #tpu.memory_space<semaphore_mem>>)
        %dma_wait3A = arith.constant 0 : i32
        %dma_wait3A_81 = arith.constant 0 : i32
        %dma_wait3A_82 = tpu.memref_slice %arg2[%arg1, %dma_wait3A, %dma_wait3A_81] : memref<16x110x128xi32, #tpu.memory_space<hbm>> -> memref<1x110x128xi32, #tpu.memory_space<hbm>>
        %dma_wait3A_83 = tpu.memref_squeeze %dma_wait3A_82 : memref<1x110x128xi32, #tpu.memory_space<hbm>> -> memref<110x128xi32, #tpu.memory_space<hbm>>
        %dma_wait3A_84 = arith.constant 0 : i32
        %dma_wait3A_85 = arith.constant 0 : i32
        %dma_wait3A_86 = tpu.memref_slice %arg2[%arg1, %dma_wait3A_84, %dma_wait3A_85] : memref<16x110x128xi32, #tpu.memory_space<hbm>> -> memref<1x110x128xi32, #tpu.memory_space<hbm>>
        %dma_wait3A_87 = tpu.memref_squeeze %dma_wait3A_86 : memref<1x110x128xi32, #tpu.memory_space<hbm>> -> memref<110x128xi32, #tpu.memory_space<hbm>>
        tpu.wait_dma2 semaphore(%run_scoped3A : memref<!tpu.dma_semaphore, #tpu.memory_space<semaphore_mem>>) src(%dma_wait3A_87 : memref<110x128xi32, #tpu.memory_space<hbm>>) dst(%arg6 : memref<110x128xi32, #tpu.memory_space<vmem>>)
        tpu.yield
      }) : () -> ()
    } else {
    }
    %eq3A_53 = arith.constant 1 : i32
    %eq3A_54 = arith.cmpi eq, %arg0, %eq3A_53 : i32
    %convert_element_type3A_55 = arith.extui %eq3A_54 : i1 to i32
    %cond3A_56 = arith.constant 0 : i32
    %cond3A_57 = arith.cmpi ne, %convert_element_type3A_55, %cond3A_56 : i32
    scf.if %cond3A_57 {
      "tpu.region"() ({
        %run_scoped3A = tpu.sem_alloc : memref<!tpu.dma_semaphore, #tpu.memory_space<semaphore_mem>>
        %dma_start3A = arith.constant 0 : i32
        %dma_start3A_74 = arith.constant 0 : i32
        %dma_start3A_75 = tpu.memref_slice %arg6[%dma_start3A, %dma_start3A_74] : memref<110x128xi32, #tpu.memory_space<vmem>> -> memref<48x128xi32, #tpu.memory_space<vmem>>
        %dma_start3A_76 = arith.constant 0 : i32
        %dma_start3A_77 = arith.constant 0 : i32
        %dma_start3A_78 = tpu.memref_slice %arg3[%arg1, %dma_start3A_76, %dma_start3A_77] : memref<16x48x128xi32, #tpu.memory_space<hbm>> -> memref<1x48x128xi32, #tpu.memory_space<hbm>>
        %dma_start3A_79 = tpu.memref_squeeze %dma_start3A_78 : memref<1x48x128xi32, #tpu.memory_space<hbm>> -> memref<48x128xi32, #tpu.memory_space<hbm>>
        %dma_start3A_80 = arith.constant 0 : i32
        %dma_start3A_81 = arith.constant 0 : i32
        %dma_start3A_82 = tpu.memref_slice %arg6[%dma_start3A_80, %dma_start3A_81] : memref<110x128xi32, #tpu.memory_space<vmem>> -> memref<48x128xi32, #tpu.memory_space<vmem>>
        %dma_start3A_83 = arith.constant 0 : i32
        %dma_start3A_84 = arith.constant 0 : i32
        %dma_start3A_85 = tpu.memref_slice %arg3[%arg1, %dma_start3A_83, %dma_start3A_84] : memref<16x48x128xi32, #tpu.memory_space<hbm>> -> memref<1x48x128xi32, #tpu.memory_space<hbm>>
        %dma_start3A_86 = tpu.memref_squeeze %dma_start3A_85 : memref<1x48x128xi32, #tpu.memory_space<hbm>> -> memref<48x128xi32, #tpu.memory_space<hbm>>
        tpu.enqueue_dma source(%dma_start3A_86 : memref<48x128xi32, #tpu.memory_space<hbm>>) target(%dma_start3A_82 : memref<48x128xi32, #tpu.memory_space<vmem>>) target_semaphore(%run_scoped3A : memref<!tpu.dma_semaphore, #tpu.memory_space<semaphore_mem>>)
        %dma_wait3A = arith.constant 0 : i32
        %dma_wait3A_87 = arith.constant 0 : i32
        %dma_wait3A_88 = tpu.memref_slice %arg6[%dma_wait3A, %dma_wait3A_87] : memref<110x128xi32, #tpu.memory_space<vmem>> -> memref<48x128xi32, #tpu.memory_space<vmem>>
        %dma_wait3A_89 = arith.constant 0 : i32
        %dma_wait3A_90 = arith.constant 0 : i32
        %dma_wait3A_91 = tpu.memref_slice %arg3[%arg1, %dma_wait3A_89, %dma_wait3A_90] : memref<16x48x128xi32, #tpu.memory_space<hbm>> -> memref<1x48x128xi32, #tpu.memory_space<hbm>>
        %dma_wait3A_92 = tpu.memref_squeeze %dma_wait3A_91 : memref<1x48x128xi32, #tpu.memory_space<hbm>> -> memref<48x128xi32, #tpu.memory_space<hbm>>
        %dma_wait3A_93 = arith.constant 0 : i32
        %dma_wait3A_94 = arith.constant 0 : i32
        %dma_wait3A_95 = tpu.memref_slice %arg6[%dma_wait3A_93, %dma_wait3A_94] : memref<110x128xi32, #tpu.memory_space<vmem>> -> memref<48x128xi32, #tpu.memory_space<vmem>>
        %dma_wait3A_96 = arith.constant 0 : i32
        %dma_wait3A_97 = arith.constant 0 : i32
        %dma_wait3A_98 = tpu.memref_slice %arg3[%arg1, %dma_wait3A_96, %dma_wait3A_97] : memref<16x48x128xi32, #tpu.memory_space<hbm>> -> memref<1x48x128xi32, #tpu.memory_space<hbm>>
        %dma_wait3A_99 = tpu.memref_squeeze %dma_wait3A_98 : memref<1x48x128xi32, #tpu.memory_space<hbm>> -> memref<48x128xi32, #tpu.memory_space<hbm>>
        tpu.wait_dma2 semaphore(%run_scoped3A : memref<!tpu.dma_semaphore, #tpu.memory_space<semaphore_mem>>) src(%dma_wait3A_99 : memref<48x128xi32, #tpu.memory_space<hbm>>) dst(%dma_wait3A_95 : memref<48x128xi32, #tpu.memory_space<vmem>>)
        tpu.yield
      }) : () -> ()
    } else {
    }
    %barrier3A = arith.constant 0 : index
    tpu.barrier barrier_id(%barrier3A)
    %eq3A_58 = arith.constant 0 : i32
    %eq3A_59 = arith.cmpi eq, %arg0, %eq3A_58 : i32
    %convert_element_type3A_60 = arith.extui %eq3A_59 : i1 to i32
    %cond3A_61 = arith.constant 0 : i32
    %cond3A_62 = arith.cmpi ne, %convert_element_type3A_60, %cond3A_61 : i32
    scf.if %cond3A_62 {
      %scan3A = arith.constant 0 : i32
      %scan3A_74 = arith.constant 0 : i32
      %scan3A_75 = arith.constant 110 : i32
      %scan3A_76 = arith.addi %scan3A_74, %scan3A_75 : i32
      %scan3A_77 = arith.constant 1 : i32
      %scan3A_78 = scf.for %scan3A_80 = %scan3A_74 to %scan3A_76 step %scan3A_77 iter_args(%scan3A_81 = %scan3A) -> (i32)  : i32 {
        "tpu.region"() ({
          %run_scoped3A = tpu.sem_alloc : memref<!tpu.dma_semaphore, #tpu.memory_space<semaphore_mem>>
          %dma_start3A = arith.constant 0 : i32
          %dma_start3A_83 = tpu.memref_slice %arg6[%scan3A_80, %dma_start3A] : memref<110x128xi32, #tpu.memory_space<vmem>> -> memref<1x128xi32, #tpu.memory_space<vmem>>
          %dma_start3A_84 = tpu.memref_squeeze %dma_start3A_83 : memref<1x128xi32, #tpu.memory_space<vmem>> -> memref<128xi32, #tpu.memory_space<vmem>>
          %dma_start3A_85 = arith.constant 0 : i32
          %dma_start3A_86 = tpu.memref_slice %arg8[%dma_start3A_85] : memref<10112xf32, #tpu.memory_space<vmem_shared>> -> memref<10112xf32, #tpu.memory_space<vmem_shared>>
          tpu.enqueue_indirect_dma source(%arg7 : memref<128xf32, #tpu.memory_space<vmem>>) target(%dma_start3A_86 : memref<10112xf32, #tpu.memory_space<vmem_shared>>) offsets(%dma_start3A_84 : memref<128xi32, #tpu.memory_space<vmem>>) semaphore(%run_scoped3A : memref<!tpu.dma_semaphore, #tpu.memory_space<semaphore_mem>>) {add = true}
          %dma_wait3A = arith.constant 0 : i32
          %dma_wait3A_87 = tpu.memref_slice %arg6[%scan3A_80, %dma_wait3A] : memref<110x128xi32, #tpu.memory_space<vmem>> -> memref<1x128xi32, #tpu.memory_space<vmem>>
          %dma_wait3A_88 = tpu.memref_squeeze %dma_wait3A_87 : memref<1x128xi32, #tpu.memory_space<vmem>> -> memref<128xi32, #tpu.memory_space<vmem>>
          %dma_wait3A_89 = arith.constant 0 : i32
          %dma_wait3A_90 = tpu.memref_slice %arg8[%dma_wait3A_89] : memref<10112xf32, #tpu.memory_space<vmem_shared>> -> memref<10112xf32, #tpu.memory_space<vmem_shared>>
          tpu.wait_indirect_dma semaphore(%run_scoped3A : memref<!tpu.dma_semaphore, #tpu.memory_space<semaphore_mem>>) src(%arg7 : memref<128xf32, #tpu.memory_space<vmem>>) dst(%dma_wait3A_90 : memref<10112xf32, #tpu.memory_space<vmem_shared>>)
          tpu.yield
        }) : () -> ()
        %scan3A_82 = arith.constant 0 : i32
        scf.yield %scan3A_82 : i32
      }
      %scan3A_79 = arith.constant 110 : i32
    } else {
    }
    %eq3A_63 = arith.constant 1 : i32
    %eq3A_64 = arith.cmpi eq, %arg0, %eq3A_63 : i32
    %convert_element_type3A_65 = arith.extui %eq3A_64 : i1 to i32
    %cond3A_66 = arith.constant 0 : i32
    %cond3A_67 = arith.cmpi ne, %convert_element_type3A_65, %cond3A_66 : i32
    scf.if %cond3A_67 {
      %scan3A = arith.constant 0 : i32
      %scan3A_74 = arith.constant 0 : i32
      %scan3A_75 = arith.constant 48 : i32
      %scan3A_76 = arith.addi %scan3A_74, %scan3A_75 : i32
      %scan3A_77 = arith.constant 1 : i32
      %scan3A_78 = scf.for %scan3A_80 = %scan3A_74 to %scan3A_76 step %scan3A_77 iter_args(%scan3A_81 = %scan3A) -> (i32)  : i32 {
        "tpu.region"() ({
          %run_scoped3A = tpu.sem_alloc : memref<!tpu.dma_semaphore, #tpu.memory_space<semaphore_mem>>
          %dma_start3A = arith.constant 0 : i32
          %dma_start3A_83 = tpu.memref_slice %arg6[%scan3A_80, %dma_start3A] : memref<110x128xi32, #tpu.memory_space<vmem>> -> memref<1x128xi32, #tpu.memory_space<vmem>>
          %dma_start3A_84 = tpu.memref_squeeze %dma_start3A_83 : memref<1x128xi32, #tpu.memory_space<vmem>> -> memref<128xi32, #tpu.memory_space<vmem>>
          %dma_start3A_85 = arith.constant 0 : i32
          %dma_start3A_86 = tpu.memref_slice %arg8[%dma_start3A_85] : memref<10112xf32, #tpu.memory_space<vmem_shared>> -> memref<10112xf32, #tpu.memory_space<vmem_shared>>
          tpu.enqueue_indirect_dma source(%arg7 : memref<128xf32, #tpu.memory_space<vmem>>) target(%dma_start3A_86 : memref<10112xf32, #tpu.memory_space<vmem_shared>>) offsets(%dma_start3A_84 : memref<128xi32, #tpu.memory_space<vmem>>) semaphore(%run_scoped3A : memref<!tpu.dma_semaphore, #tpu.memory_space<semaphore_mem>>) {add = true}
          %dma_wait3A = arith.constant 0 : i32
          %dma_wait3A_87 = tpu.memref_slice %arg6[%scan3A_80, %dma_wait3A] : memref<110x128xi32, #tpu.memory_space<vmem>> -> memref<1x128xi32, #tpu.memory_space<vmem>>
          %dma_wait3A_88 = tpu.memref_squeeze %dma_wait3A_87 : memref<1x128xi32, #tpu.memory_space<vmem>> -> memref<128xi32, #tpu.memory_space<vmem>>
          %dma_wait3A_89 = arith.constant 0 : i32
          %dma_wait3A_90 = tpu.memref_slice %arg8[%dma_wait3A_89] : memref<10112xf32, #tpu.memory_space<vmem_shared>> -> memref<10112xf32, #tpu.memory_space<vmem_shared>>
          tpu.wait_indirect_dma semaphore(%run_scoped3A : memref<!tpu.dma_semaphore, #tpu.memory_space<semaphore_mem>>) src(%arg7 : memref<128xf32, #tpu.memory_space<vmem>>) dst(%dma_wait3A_90 : memref<10112xf32, #tpu.memory_space<vmem_shared>>)
          tpu.yield
        }) : () -> ()
        %scan3A_82 = arith.constant 0 : i32
        scf.yield %scan3A_82 : i32
      }
      %scan3A_79 = arith.constant 48 : i32
    } else {
    }
    %barrier3A_68 = arith.constant 0 : index
    tpu.barrier barrier_id(%barrier3A_68)
    %eq3A_69 = arith.constant 0 : i32
    %eq3A_70 = arith.cmpi eq, %arg1, %eq3A_69 : i32
    %convert_element_type3A_71 = arith.extui %eq3A_70 : i1 to i32
    %cond3A_72 = arith.constant 0 : i32
    %cond3A_73 = arith.cmpi ne, %convert_element_type3A_71, %cond3A_72 : i32
    scf.if %cond3A_73 {
      "tpu.region"() ({
        %run_scoped3A = tpu.sem_alloc : memref<!tpu.dma_semaphore, #tpu.memory_space<semaphore_mem>>
        %dma_start3A = arith.constant 0 : i32
        %dma_start3A_74 = tpu.memref_slice %arg5[%arg0, %dma_start3A] : memref<2x10112xf32, #tpu.memory_space<hbm>> -> memref<1x10112xf32, #tpu.memory_space<hbm>>
        %dma_start3A_75 = tpu.memref_squeeze %dma_start3A_74 : memref<1x10112xf32, #tpu.memory_space<hbm>> -> memref<10112xf32, #tpu.memory_space<hbm>>
        tpu.enqueue_dma source(%arg8 : memref<10112xf32, #tpu.memory_space<vmem_shared>>) target(%dma_start3A_75 : memref<10112xf32, #tpu.memory_space<hbm>>) target_semaphore(%run_scoped3A : memref<!tpu.dma_semaphore, #tpu.memory_space<semaphore_mem>>)
        %dma_wait3A = arith.constant 0 : i32
        %dma_wait3A_76 = tpu.memref_slice %arg5[%arg0, %dma_wait3A] : memref<2x10112xf32, #tpu.memory_space<hbm>> -> memref<1x10112xf32, #tpu.memory_space<hbm>>
        %dma_wait3A_77 = tpu.memref_squeeze %dma_wait3A_76 : memref<1x10112xf32, #tpu.memory_space<hbm>> -> memref<10112xf32, #tpu.memory_space<hbm>>
        tpu.wait_dma2 semaphore(%run_scoped3A : memref<!tpu.dma_semaphore, #tpu.memory_space<semaphore_mem>>) src(%arg8 : memref<10112xf32, #tpu.memory_space<vmem_shared>>) dst(%dma_wait3A_77 : memref<10112xf32, #tpu.memory_space<hbm>>)
        tpu.yield
      }) : () -> ()
    } else {
    }
    return
  }
}

#map = affine_map<(d0, d1) -> (0, 0)>
#map1 = affine_map<(d0, d1) -> (0, 0, 0)>
module attributes {stable_mosaic.version = 14 : i64} {
  func.func @_sc_edge_scatter_body(%arg0: i32, %arg1: i32, %arg2: memref<10008x128xf32, #tpu.memory_space<hbm>>, %arg3: memref<16x110x128xi32, #tpu.memory_space<hbm>>, %arg4: memref<16x110x128xi32, #tpu.memory_space<hbm>>, %arg5: memref<16x48x128xi32, #tpu.memory_space<hbm>>, %arg6: memref<16x48x128xi32, #tpu.memory_space<hbm>>, %arg7: memref<10112x128xf32, #tpu.memory_space<hbm>>, %arg8: memref<2x10112x128xf32, #tpu.memory_space<hbm>>, %arg9: memref<110x128xi32, #tpu.memory_space<vmem>>, %arg10: memref<110x128xi32, #tpu.memory_space<vmem>>, %arg11: memref<128x128xf32, #tpu.memory_space<vmem>>, %arg12: memref<10112x128xf32, #tpu.memory_space<vmem_shared>>, %arg13: memref<!tpu.dma_semaphore, #tpu.memory_space<semaphore_mem>>) attributes {dimension_semantics = [#tpu.dimension_semantics<core_parallel>, #tpu.dimension_semantics<subcore_parallel>], iteration_bounds = array<i64: 2, 16>, scalar_prefetch = 0 : i64, scratch_operands = 5 : i64, tpu.core_type = #tpu.core_type<sc_vector_subcore>, window_params = [{transform_indices = #map}, {transform_indices = #map1}, {transform_indices = #map1}, {transform_indices = #map1}, {transform_indices = #map1}, {transform_indices = #map}, {transform_indices = #map1}]} {
    %eq3A = arith.constant 0 : i32
    %eq3A_0 = arith.cmpi eq, %arg1, %eq3A : i32
    %convert_element_type3A = arith.extui %eq3A_0 : i1 to i32
    %cond3A = arith.constant 0 : i32
    %cond3A_1 = arith.cmpi ne, %convert_element_type3A, %cond3A : i32
    scf.if %cond3A_1 {
      "tpu.region"() ({
        %run_scoped3A = tpu.sem_alloc : memref<!tpu.dma_semaphore, #tpu.memory_space<semaphore_mem>>
        tpu.enqueue_dma source(%arg7 : memref<10112x128xf32, #tpu.memory_space<hbm>>) target(%arg12 : memref<10112x128xf32, #tpu.memory_space<vmem_shared>>) target_semaphore(%run_scoped3A : memref<!tpu.dma_semaphore, #tpu.memory_space<semaphore_mem>>)
        tpu.wait_dma2 semaphore(%run_scoped3A : memref<!tpu.dma_semaphore, #tpu.memory_space<semaphore_mem>>) src(%arg7 : memref<10112x128xf32, #tpu.memory_space<hbm>>) dst(%arg12 : memref<10112x128xf32, #tpu.memory_space<vmem_shared>>)
        tpu.yield
      }) : () -> ()
    } else {
    }
    %eq3A_2 = arith.constant 0 : i32
    %eq3A_3 = arith.cmpi eq, %arg0, %eq3A_2 : i32
    %convert_element_type3A_4 = arith.extui %eq3A_3 : i1 to i32
    %cond3A_5 = arith.constant 0 : i32
    %cond3A_6 = arith.cmpi ne, %convert_element_type3A_4, %cond3A_5 : i32
    scf.if %cond3A_6 {
      "tpu.region"() ({
        %run_scoped3A = tpu.sem_alloc : memref<!tpu.dma_semaphore, #tpu.memory_space<semaphore_mem>>
        %dma_start3A = arith.constant 0 : i32
        %dma_start3A_24 = arith.constant 0 : i32
        %dma_start3A_25 = tpu.memref_slice %arg3[%arg1, %dma_start3A, %dma_start3A_24] : memref<16x110x128xi32, #tpu.memory_space<hbm>> -> memref<1x110x128xi32, #tpu.memory_space<hbm>>
        %dma_start3A_26 = tpu.memref_squeeze %dma_start3A_25 : memref<1x110x128xi32, #tpu.memory_space<hbm>> -> memref<110x128xi32, #tpu.memory_space<hbm>>
        %dma_start3A_27 = arith.constant 0 : i32
        %dma_start3A_28 = arith.constant 0 : i32
        %dma_start3A_29 = tpu.memref_slice %arg3[%arg1, %dma_start3A_27, %dma_start3A_28] : memref<16x110x128xi32, #tpu.memory_space<hbm>> -> memref<1x110x128xi32, #tpu.memory_space<hbm>>
        %dma_start3A_30 = tpu.memref_squeeze %dma_start3A_29 : memref<1x110x128xi32, #tpu.memory_space<hbm>> -> memref<110x128xi32, #tpu.memory_space<hbm>>
        tpu.enqueue_dma source(%dma_start3A_30 : memref<110x128xi32, #tpu.memory_space<hbm>>) target(%arg9 : memref<110x128xi32, #tpu.memory_space<vmem>>) target_semaphore(%run_scoped3A : memref<!tpu.dma_semaphore, #tpu.memory_space<semaphore_mem>>)
        %dma_wait3A = arith.constant 0 : i32
        %dma_wait3A_31 = arith.constant 0 : i32
        %dma_wait3A_32 = tpu.memref_slice %arg3[%arg1, %dma_wait3A, %dma_wait3A_31] : memref<16x110x128xi32, #tpu.memory_space<hbm>> -> memref<1x110x128xi32, #tpu.memory_space<hbm>>
        %dma_wait3A_33 = tpu.memref_squeeze %dma_wait3A_32 : memref<1x110x128xi32, #tpu.memory_space<hbm>> -> memref<110x128xi32, #tpu.memory_space<hbm>>
        %dma_wait3A_34 = arith.constant 0 : i32
        %dma_wait3A_35 = arith.constant 0 : i32
        %dma_wait3A_36 = tpu.memref_slice %arg3[%arg1, %dma_wait3A_34, %dma_wait3A_35] : memref<16x110x128xi32, #tpu.memory_space<hbm>> -> memref<1x110x128xi32, #tpu.memory_space<hbm>>
        %dma_wait3A_37 = tpu.memref_squeeze %dma_wait3A_36 : memref<1x110x128xi32, #tpu.memory_space<hbm>> -> memref<110x128xi32, #tpu.memory_space<hbm>>
        tpu.wait_dma2 semaphore(%run_scoped3A : memref<!tpu.dma_semaphore, #tpu.memory_space<semaphore_mem>>) src(%dma_wait3A_37 : memref<110x128xi32, #tpu.memory_space<hbm>>) dst(%arg9 : memref<110x128xi32, #tpu.memory_space<vmem>>)
        tpu.yield
      }) : () -> ()
      "tpu.region"() ({
        %run_scoped3A = tpu.sem_alloc : memref<!tpu.dma_semaphore, #tpu.memory_space<semaphore_mem>>
        %dma_start3A = arith.constant 0 : i32
        %dma_start3A_24 = arith.constant 0 : i32
        %dma_start3A_25 = tpu.memref_slice %arg4[%arg1, %dma_start3A, %dma_start3A_24] : memref<16x110x128xi32, #tpu.memory_space<hbm>> -> memref<1x110x128xi32, #tpu.memory_space<hbm>>
        %dma_start3A_26 = tpu.memref_squeeze %dma_start3A_25 : memref<1x110x128xi32, #tpu.memory_space<hbm>> -> memref<110x128xi32, #tpu.memory_space<hbm>>
        %dma_start3A_27 = arith.constant 0 : i32
        %dma_start3A_28 = arith.constant 0 : i32
        %dma_start3A_29 = tpu.memref_slice %arg4[%arg1, %dma_start3A_27, %dma_start3A_28] : memref<16x110x128xi32, #tpu.memory_space<hbm>> -> memref<1x110x128xi32, #tpu.memory_space<hbm>>
        %dma_start3A_30 = tpu.memref_squeeze %dma_start3A_29 : memref<1x110x128xi32, #tpu.memory_space<hbm>> -> memref<110x128xi32, #tpu.memory_space<hbm>>
        tpu.enqueue_dma source(%dma_start3A_30 : memref<110x128xi32, #tpu.memory_space<hbm>>) target(%arg10 : memref<110x128xi32, #tpu.memory_space<vmem>>) target_semaphore(%run_scoped3A : memref<!tpu.dma_semaphore, #tpu.memory_space<semaphore_mem>>)
        %dma_wait3A = arith.constant 0 : i32
        %dma_wait3A_31 = arith.constant 0 : i32
        %dma_wait3A_32 = tpu.memref_slice %arg4[%arg1, %dma_wait3A, %dma_wait3A_31] : memref<16x110x128xi32, #tpu.memory_space<hbm>> -> memref<1x110x128xi32, #tpu.memory_space<hbm>>
        %dma_wait3A_33 = tpu.memref_squeeze %dma_wait3A_32 : memref<1x110x128xi32, #tpu.memory_space<hbm>> -> memref<110x128xi32, #tpu.memory_space<hbm>>
        %dma_wait3A_34 = arith.constant 0 : i32
        %dma_wait3A_35 = arith.constant 0 : i32
        %dma_wait3A_36 = tpu.memref_slice %arg4[%arg1, %dma_wait3A_34, %dma_wait3A_35] : memref<16x110x128xi32, #tpu.memory_space<hbm>> -> memref<1x110x128xi32, #tpu.memory_space<hbm>>
        %dma_wait3A_37 = tpu.memref_squeeze %dma_wait3A_36 : memref<1x110x128xi32, #tpu.memory_space<hbm>> -> memref<110x128xi32, #tpu.memory_space<hbm>>
        tpu.wait_dma2 semaphore(%run_scoped3A : memref<!tpu.dma_semaphore, #tpu.memory_space<semaphore_mem>>) src(%dma_wait3A_37 : memref<110x128xi32, #tpu.memory_space<hbm>>) dst(%arg10 : memref<110x128xi32, #tpu.memory_space<vmem>>)
        tpu.yield
      }) : () -> ()
    } else {
    }
    %eq3A_7 = arith.constant 1 : i32
    %eq3A_8 = arith.cmpi eq, %arg0, %eq3A_7 : i32
    %convert_element_type3A_9 = arith.extui %eq3A_8 : i1 to i32
    %cond3A_10 = arith.constant 0 : i32
    %cond3A_11 = arith.cmpi ne, %convert_element_type3A_9, %cond3A_10 : i32
    scf.if %cond3A_11 {
      "tpu.region"() ({
        %run_scoped3A = tpu.sem_alloc : memref<!tpu.dma_semaphore, #tpu.memory_space<semaphore_mem>>
        %dma_start3A = arith.constant 0 : i32
        %dma_start3A_24 = arith.constant 0 : i32
        %dma_start3A_25 = tpu.memref_slice %arg9[%dma_start3A, %dma_start3A_24] : memref<110x128xi32, #tpu.memory_space<vmem>> -> memref<48x128xi32, #tpu.memory_space<vmem>>
        %dma_start3A_26 = arith.constant 0 : i32
        %dma_start3A_27 = arith.constant 0 : i32
        %dma_start3A_28 = tpu.memref_slice %arg5[%arg1, %dma_start3A_26, %dma_start3A_27] : memref<16x48x128xi32, #tpu.memory_space<hbm>> -> memref<1x48x128xi32, #tpu.memory_space<hbm>>
        %dma_start3A_29 = tpu.memref_squeeze %dma_start3A_28 : memref<1x48x128xi32, #tpu.memory_space<hbm>> -> memref<48x128xi32, #tpu.memory_space<hbm>>
        %dma_start3A_30 = arith.constant 0 : i32
        %dma_start3A_31 = arith.constant 0 : i32
        %dma_start3A_32 = tpu.memref_slice %arg9[%dma_start3A_30, %dma_start3A_31] : memref<110x128xi32, #tpu.memory_space<vmem>> -> memref<48x128xi32, #tpu.memory_space<vmem>>
        %dma_start3A_33 = arith.constant 0 : i32
        %dma_start3A_34 = arith.constant 0 : i32
        %dma_start3A_35 = tpu.memref_slice %arg5[%arg1, %dma_start3A_33, %dma_start3A_34] : memref<16x48x128xi32, #tpu.memory_space<hbm>> -> memref<1x48x128xi32, #tpu.memory_space<hbm>>
        %dma_start3A_36 = tpu.memref_squeeze %dma_start3A_35 : memref<1x48x128xi32, #tpu.memory_space<hbm>> -> memref<48x128xi32, #tpu.memory_space<hbm>>
        tpu.enqueue_dma source(%dma_start3A_36 : memref<48x128xi32, #tpu.memory_space<hbm>>) target(%dma_start3A_32 : memref<48x128xi32, #tpu.memory_space<vmem>>) target_semaphore(%run_scoped3A : memref<!tpu.dma_semaphore, #tpu.memory_space<semaphore_mem>>)
        %dma_wait3A = arith.constant 0 : i32
        %dma_wait3A_37 = arith.constant 0 : i32
        %dma_wait3A_38 = tpu.memref_slice %arg9[%dma_wait3A, %dma_wait3A_37] : memref<110x128xi32, #tpu.memory_space<vmem>> -> memref<48x128xi32, #tpu.memory_space<vmem>>
        %dma_wait3A_39 = arith.constant 0 : i32
        %dma_wait3A_40 = arith.constant 0 : i32
        %dma_wait3A_41 = tpu.memref_slice %arg5[%arg1, %dma_wait3A_39, %dma_wait3A_40] : memref<16x48x128xi32, #tpu.memory_space<hbm>> -> memref<1x48x128xi32, #tpu.memory_space<hbm>>
        %dma_wait3A_42 = tpu.memref_squeeze %dma_wait3A_41 : memref<1x48x128xi32, #tpu.memory_space<hbm>> -> memref<48x128xi32, #tpu.memory_space<hbm>>
        %dma_wait3A_43 = arith.constant 0 : i32
        %dma_wait3A_44 = arith.constant 0 : i32
        %dma_wait3A_45 = tpu.memref_slice %arg9[%dma_wait3A_43, %dma_wait3A_44] : memref<110x128xi32, #tpu.memory_space<vmem>> -> memref<48x128xi32, #tpu.memory_space<vmem>>
        %dma_wait3A_46 = arith.constant 0 : i32
        %dma_wait3A_47 = arith.constant 0 : i32
        %dma_wait3A_48 = tpu.memref_slice %arg5[%arg1, %dma_wait3A_46, %dma_wait3A_47] : memref<16x48x128xi32, #tpu.memory_space<hbm>> -> memref<1x48x128xi32, #tpu.memory_space<hbm>>
        %dma_wait3A_49 = tpu.memref_squeeze %dma_wait3A_48 : memref<1x48x128xi32, #tpu.memory_space<hbm>> -> memref<48x128xi32, #tpu.memory_space<hbm>>
        tpu.wait_dma2 semaphore(%run_scoped3A : memref<!tpu.dma_semaphore, #tpu.memory_space<semaphore_mem>>) src(%dma_wait3A_49 : memref<48x128xi32, #tpu.memory_space<hbm>>) dst(%dma_wait3A_45 : memref<48x128xi32, #tpu.memory_space<vmem>>)
        tpu.yield
      }) : () -> ()
      "tpu.region"() ({
        %run_scoped3A = tpu.sem_alloc : memref<!tpu.dma_semaphore, #tpu.memory_space<semaphore_mem>>
        %dma_start3A = arith.constant 0 : i32
        %dma_start3A_24 = arith.constant 0 : i32
        %dma_start3A_25 = tpu.memref_slice %arg10[%dma_start3A, %dma_start3A_24] : memref<110x128xi32, #tpu.memory_space<vmem>> -> memref<48x128xi32, #tpu.memory_space<vmem>>
        %dma_start3A_26 = arith.constant 0 : i32
        %dma_start3A_27 = arith.constant 0 : i32
        %dma_start3A_28 = tpu.memref_slice %arg6[%arg1, %dma_start3A_26, %dma_start3A_27] : memref<16x48x128xi32, #tpu.memory_space<hbm>> -> memref<1x48x128xi32, #tpu.memory_space<hbm>>
        %dma_start3A_29 = tpu.memref_squeeze %dma_start3A_28 : memref<1x48x128xi32, #tpu.memory_space<hbm>> -> memref<48x128xi32, #tpu.memory_space<hbm>>
        %dma_start3A_30 = arith.constant 0 : i32
        %dma_start3A_31 = arith.constant 0 : i32
        %dma_start3A_32 = tpu.memref_slice %arg10[%dma_start3A_30, %dma_start3A_31] : memref<110x128xi32, #tpu.memory_space<vmem>> -> memref<48x128xi32, #tpu.memory_space<vmem>>
        %dma_start3A_33 = arith.constant 0 : i32
        %dma_start3A_34 = arith.constant 0 : i32
        %dma_start3A_35 = tpu.memref_slice %arg6[%arg1, %dma_start3A_33, %dma_start3A_34] : memref<16x48x128xi32, #tpu.memory_space<hbm>> -> memref<1x48x128xi32, #tpu.memory_space<hbm>>
        %dma_start3A_36 = tpu.memref_squeeze %dma_start3A_35 : memref<1x48x128xi32, #tpu.memory_space<hbm>> -> memref<48x128xi32, #tpu.memory_space<hbm>>
        tpu.enqueue_dma source(%dma_start3A_36 : memref<48x128xi32, #tpu.memory_space<hbm>>) target(%dma_start3A_32 : memref<48x128xi32, #tpu.memory_space<vmem>>) target_semaphore(%run_scoped3A : memref<!tpu.dma_semaphore, #tpu.memory_space<semaphore_mem>>)
        %dma_wait3A = arith.constant 0 : i32
        %dma_wait3A_37 = arith.constant 0 : i32
        %dma_wait3A_38 = tpu.memref_slice %arg10[%dma_wait3A, %dma_wait3A_37] : memref<110x128xi32, #tpu.memory_space<vmem>> -> memref<48x128xi32, #tpu.memory_space<vmem>>
        %dma_wait3A_39 = arith.constant 0 : i32
        %dma_wait3A_40 = arith.constant 0 : i32
        %dma_wait3A_41 = tpu.memref_slice %arg6[%arg1, %dma_wait3A_39, %dma_wait3A_40] : memref<16x48x128xi32, #tpu.memory_space<hbm>> -> memref<1x48x128xi32, #tpu.memory_space<hbm>>
        %dma_wait3A_42 = tpu.memref_squeeze %dma_wait3A_41 : memref<1x48x128xi32, #tpu.memory_space<hbm>> -> memref<48x128xi32, #tpu.memory_space<hbm>>
        %dma_wait3A_43 = arith.constant 0 : i32
        %dma_wait3A_44 = arith.constant 0 : i32
        %dma_wait3A_45 = tpu.memref_slice %arg10[%dma_wait3A_43, %dma_wait3A_44] : memref<110x128xi32, #tpu.memory_space<vmem>> -> memref<48x128xi32, #tpu.memory_space<vmem>>
        %dma_wait3A_46 = arith.constant 0 : i32
        %dma_wait3A_47 = arith.constant 0 : i32
        %dma_wait3A_48 = tpu.memref_slice %arg6[%arg1, %dma_wait3A_46, %dma_wait3A_47] : memref<16x48x128xi32, #tpu.memory_space<hbm>> -> memref<1x48x128xi32, #tpu.memory_space<hbm>>
        %dma_wait3A_49 = tpu.memref_squeeze %dma_wait3A_48 : memref<1x48x128xi32, #tpu.memory_space<hbm>> -> memref<48x128xi32, #tpu.memory_space<hbm>>
        tpu.wait_dma2 semaphore(%run_scoped3A : memref<!tpu.dma_semaphore, #tpu.memory_space<semaphore_mem>>) src(%dma_wait3A_49 : memref<48x128xi32, #tpu.memory_space<hbm>>) dst(%dma_wait3A_45 : memref<48x128xi32, #tpu.memory_space<vmem>>)
        tpu.yield
      }) : () -> ()
    } else {
    }
    %barrier3A = arith.constant 0 : index
    tpu.barrier barrier_id(%barrier3A)
    %eq3A_12 = arith.constant 0 : i32
    %eq3A_13 = arith.cmpi eq, %arg0, %eq3A_12 : i32
    %convert_element_type3A_14 = arith.extui %eq3A_13 : i1 to i32
    %cond3A_15 = arith.constant 0 : i32
    %cond3A_16 = arith.cmpi ne, %convert_element_type3A_14, %cond3A_15 : i32
    scf.if %cond3A_16 {
      %scan3A = arith.constant 0 : i32
      %scan3A_24 = arith.constant 0 : i32
      %scan3A_25 = arith.constant 110 : i32
      %scan3A_26 = arith.addi %scan3A_24, %scan3A_25 : i32
      %scan3A_27 = arith.constant 1 : i32
      %scan3A_28 = scf.for %scan3A_30 = %scan3A_24 to %scan3A_26 step %scan3A_27 iter_args(%scan3A_31 = %scan3A) -> (i32)  : i32 {
        %dma_start3A = arith.constant 0 : i32
        %dma_start3A_32 = tpu.memref_slice %arg9[%scan3A_30, %dma_start3A] : memref<110x128xi32, #tpu.memory_space<vmem>> -> memref<1x128xi32, #tpu.memory_space<vmem>>
        %dma_start3A_33 = tpu.memref_squeeze %dma_start3A_32 : memref<1x128xi32, #tpu.memory_space<vmem>> -> memref<128xi32, #tpu.memory_space<vmem>>
        %dma_start3A_34 = arith.constant 0 : i32
        %dma_start3A_35 = arith.constant 0 : i32
        %dma_start3A_36 = tpu.memref_slice %arg2[%dma_start3A_34, %dma_start3A_35] : memref<10008x128xf32, #tpu.memory_space<hbm>> -> memref<10008x128xf32, #tpu.memory_space<hbm>>
        tpu.enqueue_indirect_dma source(%dma_start3A_36 : memref<10008x128xf32, #tpu.memory_space<hbm>>) target(%arg11 : memref<128x128xf32, #tpu.memory_space<vmem>>) offsets(%dma_start3A_33 : memref<128xi32, #tpu.memory_space<vmem>>) semaphore(%arg13 : memref<!tpu.dma_semaphore, #tpu.memory_space<semaphore_mem>>)
        %dma_wait3A = arith.constant 0 : i32
        %dma_wait3A_37 = tpu.memref_slice %arg9[%scan3A_30, %dma_wait3A] : memref<110x128xi32, #tpu.memory_space<vmem>> -> memref<1x128xi32, #tpu.memory_space<vmem>>
        %dma_wait3A_38 = tpu.memref_squeeze %dma_wait3A_37 : memref<1x128xi32, #tpu.memory_space<vmem>> -> memref<128xi32, #tpu.memory_space<vmem>>
        %dma_wait3A_39 = arith.constant 0 : i32
        %dma_wait3A_40 = arith.constant 0 : i32
        %dma_wait3A_41 = tpu.memref_slice %arg2[%dma_wait3A_39, %dma_wait3A_40] : memref<10008x128xf32, #tpu.memory_space<hbm>> -> memref<10008x128xf32, #tpu.memory_space<hbm>>
        tpu.wait_indirect_dma semaphore(%arg13 : memref<!tpu.dma_semaphore, #tpu.memory_space<semaphore_mem>>) src(%dma_wait3A_41 : memref<10008x128xf32, #tpu.memory_space<hbm>>) dst(%arg11 : memref<128x128xf32, #tpu.memory_space<vmem>>)
        "tpu.region"() ({
          %run_scoped3A = tpu.sem_alloc : memref<!tpu.dma_semaphore, #tpu.memory_space<semaphore_mem>>
          %dma_start3A_43 = arith.constant 0 : i32
          %dma_start3A_44 = tpu.memref_slice %arg10[%scan3A_30, %dma_start3A_43] : memref<110x128xi32, #tpu.memory_space<vmem>> -> memref<1x128xi32, #tpu.memory_space<vmem>>
          %dma_start3A_45 = tpu.memref_squeeze %dma_start3A_44 : memref<1x128xi32, #tpu.memory_space<vmem>> -> memref<128xi32, #tpu.memory_space<vmem>>
          %dma_start3A_46 = arith.constant 0 : i32
          %dma_start3A_47 = arith.constant 0 : i32
          %dma_start3A_48 = tpu.memref_slice %arg12[%dma_start3A_46, %dma_start3A_47] : memref<10112x128xf32, #tpu.memory_space<vmem_shared>> -> memref<10112x128xf32, #tpu.memory_space<vmem_shared>>
          tpu.enqueue_indirect_dma source(%arg11 : memref<128x128xf32, #tpu.memory_space<vmem>>) target(%dma_start3A_48 : memref<10112x128xf32, #tpu.memory_space<vmem_shared>>) offsets(%dma_start3A_45 : memref<128xi32, #tpu.memory_space<vmem>>) semaphore(%run_scoped3A : memref<!tpu.dma_semaphore, #tpu.memory_space<semaphore_mem>>) {add = true}
          %dma_wait3A_49 = arith.constant 0 : i32
          %dma_wait3A_50 = tpu.memref_slice %arg10[%scan3A_30, %dma_wait3A_49] : memref<110x128xi32, #tpu.memory_space<vmem>> -> memref<1x128xi32, #tpu.memory_space<vmem>>
          %dma_wait3A_51 = tpu.memref_squeeze %dma_wait3A_50 : memref<1x128xi32, #tpu.memory_space<vmem>> -> memref<128xi32, #tpu.memory_space<vmem>>
          %dma_wait3A_52 = arith.constant 0 : i32
          %dma_wait3A_53 = arith.constant 0 : i32
          %dma_wait3A_54 = tpu.memref_slice %arg12[%dma_wait3A_52, %dma_wait3A_53] : memref<10112x128xf32, #tpu.memory_space<vmem_shared>> -> memref<10112x128xf32, #tpu.memory_space<vmem_shared>>
          tpu.wait_indirect_dma semaphore(%run_scoped3A : memref<!tpu.dma_semaphore, #tpu.memory_space<semaphore_mem>>) src(%arg11 : memref<128x128xf32, #tpu.memory_space<vmem>>) dst(%dma_wait3A_54 : memref<10112x128xf32, #tpu.memory_space<vmem_shared>>)
          tpu.yield
        }) : () -> ()
        %scan3A_42 = arith.constant 0 : i32
        scf.yield %scan3A_42 : i32
      }
      %scan3A_29 = arith.constant 110 : i32
    } else {
    }
    %eq3A_17 = arith.constant 1 : i32
    %eq3A_18 = arith.cmpi eq, %arg0, %eq3A_17 : i32
    %convert_element_type3A_19 = arith.extui %eq3A_18 : i1 to i32
    %cond3A_20 = arith.constant 0 : i32
    %cond3A_21 = arith.cmpi ne, %convert_element_type3A_19, %cond3A_20 : i32
    scf.if %cond3A_21 {
      %scan3A = arith.constant 0 : i32
      %scan3A_24 = arith.constant 0 : i32
      %scan3A_25 = arith.constant 48 : i32
      %scan3A_26 = arith.addi %scan3A_24, %scan3A_25 : i32
      %scan3A_27 = arith.constant 1 : i32
      %scan3A_28 = scf.for %scan3A_30 = %scan3A_24 to %scan3A_26 step %scan3A_27 iter_args(%scan3A_31 = %scan3A) -> (i32)  : i32 {
        %dma_start3A = arith.constant 0 : i32
        %dma_start3A_32 = tpu.memref_slice %arg9[%scan3A_30, %dma_start3A] : memref<110x128xi32, #tpu.memory_space<vmem>> -> memref<1x128xi32, #tpu.memory_space<vmem>>
        %dma_start3A_33 = tpu.memref_squeeze %dma_start3A_32 : memref<1x128xi32, #tpu.memory_space<vmem>> -> memref<128xi32, #tpu.memory_space<vmem>>
        %dma_start3A_34 = arith.constant 0 : i32
        %dma_start3A_35 = arith.constant 0 : i32
        %dma_start3A_36 = tpu.memref_slice %arg2[%dma_start3A_34, %dma_start3A_35] : memref<10008x128xf32, #tpu.memory_space<hbm>> -> memref<10008x128xf32, #tpu.memory_space<hbm>>
        tpu.enqueue_indirect_dma source(%dma_start3A_36 : memref<10008x128xf32, #tpu.memory_space<hbm>>) target(%arg11 : memref<128x128xf32, #tpu.memory_space<vmem>>) offsets(%dma_start3A_33 : memref<128xi32, #tpu.memory_space<vmem>>) semaphore(%arg13 : memref<!tpu.dma_semaphore, #tpu.memory_space<semaphore_mem>>)
        %dma_wait3A = arith.constant 0 : i32
        %dma_wait3A_37 = tpu.memref_slice %arg9[%scan3A_30, %dma_wait3A] : memref<110x128xi32, #tpu.memory_space<vmem>> -> memref<1x128xi32, #tpu.memory_space<vmem>>
        %dma_wait3A_38 = tpu.memref_squeeze %dma_wait3A_37 : memref<1x128xi32, #tpu.memory_space<vmem>> -> memref<128xi32, #tpu.memory_space<vmem>>
        %dma_wait3A_39 = arith.constant 0 : i32
        %dma_wait3A_40 = arith.constant 0 : i32
        %dma_wait3A_41 = tpu.memref_slice %arg2[%dma_wait3A_39, %dma_wait3A_40] : memref<10008x128xf32, #tpu.memory_space<hbm>> -> memref<10008x128xf32, #tpu.memory_space<hbm>>
        tpu.wait_indirect_dma semaphore(%arg13 : memref<!tpu.dma_semaphore, #tpu.memory_space<semaphore_mem>>) src(%dma_wait3A_41 : memref<10008x128xf32, #tpu.memory_space<hbm>>) dst(%arg11 : memref<128x128xf32, #tpu.memory_space<vmem>>)
        "tpu.region"() ({
          %run_scoped3A = tpu.sem_alloc : memref<!tpu.dma_semaphore, #tpu.memory_space<semaphore_mem>>
          %dma_start3A_43 = arith.constant 0 : i32
          %dma_start3A_44 = tpu.memref_slice %arg10[%scan3A_30, %dma_start3A_43] : memref<110x128xi32, #tpu.memory_space<vmem>> -> memref<1x128xi32, #tpu.memory_space<vmem>>
          %dma_start3A_45 = tpu.memref_squeeze %dma_start3A_44 : memref<1x128xi32, #tpu.memory_space<vmem>> -> memref<128xi32, #tpu.memory_space<vmem>>
          %dma_start3A_46 = arith.constant 0 : i32
          %dma_start3A_47 = arith.constant 0 : i32
          %dma_start3A_48 = tpu.memref_slice %arg12[%dma_start3A_46, %dma_start3A_47] : memref<10112x128xf32, #tpu.memory_space<vmem_shared>> -> memref<10112x128xf32, #tpu.memory_space<vmem_shared>>
          tpu.enqueue_indirect_dma source(%arg11 : memref<128x128xf32, #tpu.memory_space<vmem>>) target(%dma_start3A_48 : memref<10112x128xf32, #tpu.memory_space<vmem_shared>>) offsets(%dma_start3A_45 : memref<128xi32, #tpu.memory_space<vmem>>) semaphore(%run_scoped3A : memref<!tpu.dma_semaphore, #tpu.memory_space<semaphore_mem>>) {add = true}
          %dma_wait3A_49 = arith.constant 0 : i32
          %dma_wait3A_50 = tpu.memref_slice %arg10[%scan3A_30, %dma_wait3A_49] : memref<110x128xi32, #tpu.memory_space<vmem>> -> memref<1x128xi32, #tpu.memory_space<vmem>>
          %dma_wait3A_51 = tpu.memref_squeeze %dma_wait3A_50 : memref<1x128xi32, #tpu.memory_space<vmem>> -> memref<128xi32, #tpu.memory_space<vmem>>
          %dma_wait3A_52 = arith.constant 0 : i32
          %dma_wait3A_53 = arith.constant 0 : i32
          %dma_wait3A_54 = tpu.memref_slice %arg12[%dma_wait3A_52, %dma_wait3A_53] : memref<10112x128xf32, #tpu.memory_space<vmem_shared>> -> memref<10112x128xf32, #tpu.memory_space<vmem_shared>>
          tpu.wait_indirect_dma semaphore(%run_scoped3A : memref<!tpu.dma_semaphore, #tpu.memory_space<semaphore_mem>>) src(%arg11 : memref<128x128xf32, #tpu.memory_space<vmem>>) dst(%dma_wait3A_54 : memref<10112x128xf32, #tpu.memory_space<vmem_shared>>)
          tpu.yield
        }) : () -> ()
        %scan3A_42 = arith.constant 0 : i32
        scf.yield %scan3A_42 : i32
      }
      %scan3A_29 = arith.constant 48 : i32
    } else {
    }
    %barrier3A_22 = arith.constant 0 : index
    tpu.barrier barrier_id(%barrier3A_22)
    %mul3A = arith.constant 632 : i32
    %mul3A_23 = arith.muli %arg1, %mul3A : i32
    "tpu.region"() ({
      %run_scoped3A = tpu.sem_alloc : memref<!tpu.dma_semaphore, #tpu.memory_space<semaphore_mem>>
      %dma_start3A = arith.constant 0 : i32
      %dma_start3A_24 = arith.constant 0 : i32
      %dma_start3A_25 = tpu.memref_slice %arg8[%arg0, %dma_start3A, %dma_start3A_24] : memref<2x10112x128xf32, #tpu.memory_space<hbm>> -> memref<1x10112x128xf32, #tpu.memory_space<hbm>>
      %dma_start3A_26 = tpu.memref_squeeze %dma_start3A_25 : memref<1x10112x128xf32, #tpu.memory_space<hbm>> -> memref<10112x128xf32, #tpu.memory_space<hbm>>
      %dma_start3A_27 = arith.constant 0 : i32
      %dma_start3A_28 = tpu.memref_slice %dma_start3A_26[%mul3A_23, %dma_start3A_27] : memref<10112x128xf32, #tpu.memory_space<hbm>> -> memref<632x128xf32, #tpu.memory_space<hbm>>
      %dma_start3A_29 = arith.constant 0 : i32
      %dma_start3A_30 = tpu.memref_slice %arg12[%mul3A_23, %dma_start3A_29] : memref<10112x128xf32, #tpu.memory_space<vmem_shared>> -> memref<632x128xf32, #tpu.memory_space<vmem_shared>>
      tpu.enqueue_dma source(%dma_start3A_30 : memref<632x128xf32, #tpu.memory_space<vmem_shared>>) target(%dma_start3A_28 : memref<632x128xf32, #tpu.memory_space<hbm>>) target_semaphore(%run_scoped3A : memref<!tpu.dma_semaphore, #tpu.memory_space<semaphore_mem>>)
      %dma_wait3A = arith.constant 0 : i32
      %dma_wait3A_31 = arith.constant 0 : i32
      %dma_wait3A_32 = tpu.memref_slice %arg8[%arg0, %dma_wait3A, %dma_wait3A_31] : memref<2x10112x128xf32, #tpu.memory_space<hbm>> -> memref<1x10112x128xf32, #tpu.memory_space<hbm>>
      %dma_wait3A_33 = tpu.memref_squeeze %dma_wait3A_32 : memref<1x10112x128xf32, #tpu.memory_space<hbm>> -> memref<10112x128xf32, #tpu.memory_space<hbm>>
      %dma_wait3A_34 = arith.constant 0 : i32
      %dma_wait3A_35 = tpu.memref_slice %dma_wait3A_33[%mul3A_23, %dma_wait3A_34] : memref<10112x128xf32, #tpu.memory_space<hbm>> -> memref<632x128xf32, #tpu.memory_space<hbm>>
      %dma_wait3A_36 = arith.constant 0 : i32
      %dma_wait3A_37 = tpu.memref_slice %arg12[%mul3A_23, %dma_wait3A_36] : memref<10112x128xf32, #tpu.memory_space<vmem_shared>> -> memref<632x128xf32, #tpu.memory_space<vmem_shared>>
      tpu.wait_dma2 semaphore(%run_scoped3A : memref<!tpu.dma_semaphore, #tpu.memory_space<semaphore_mem>>) src(%dma_wait3A_37 : memref<632x128xf32, #tpu.memory_space<vmem_shared>>) dst(%dma_wait3A_35 : memref<632x128xf32, #tpu.memory_space<hbm>>)
      tpu.yield
    }) : () -> ()
    return
  }
}

#map = affine_map<(d0, d1) -> (0, 0)>
#map1 = affine_map<(d0, d1) -> (0, 0, 0)>
module attributes {stable_mosaic.version = 14 : i64} {
  func.func @_sc_edge_scatter_body(%arg0: i32, %arg1: i32, %arg2: memref<10008x128xf32, #tpu.memory_space<hbm>>, %arg3: memref<16x110x128xi32, #tpu.memory_space<hbm>>, %arg4: memref<16x110x128xi32, #tpu.memory_space<hbm>>, %arg5: memref<16x48x128xi32, #tpu.memory_space<hbm>>, %arg6: memref<16x48x128xi32, #tpu.memory_space<hbm>>, %arg7: memref<10112x128xf32, #tpu.memory_space<hbm>>, %arg8: memref<2x10112x128xf32, #tpu.memory_space<hbm>>, %arg9: memref<110x128xi32, #tpu.memory_space<vmem>>, %arg10: memref<110x128xi32, #tpu.memory_space<vmem>>, %arg11: memref<128x128xf32, #tpu.memory_space<vmem>>, %arg12: memref<10112x128xf32, #tpu.memory_space<vmem_shared>>, %arg13: memref<!tpu.dma_semaphore, #tpu.memory_space<semaphore_mem>>) attributes {dimension_semantics = [#tpu.dimension_semantics<core_parallel>, #tpu.dimension_semantics<subcore_parallel>], iteration_bounds = array<i64: 2, 16>, scalar_prefetch = 0 : i64, scratch_operands = 5 : i64, tpu.core_type = #tpu.core_type<sc_vector_subcore>, window_params = [{transform_indices = #map}, {transform_indices = #map1}, {transform_indices = #map1}, {transform_indices = #map1}, {transform_indices = #map1}, {transform_indices = #map}, {transform_indices = #map1}]} {
    %eq3A = arith.constant 0 : i32
    %eq3A_0 = arith.cmpi eq, %arg1, %eq3A : i32
    %convert_element_type3A = arith.extui %eq3A_0 : i1 to i32
    %cond3A = arith.constant 0 : i32
    %cond3A_1 = arith.cmpi ne, %convert_element_type3A, %cond3A : i32
    scf.if %cond3A_1 {
      "tpu.region"() ({
        %run_scoped3A = tpu.sem_alloc : memref<!tpu.dma_semaphore, #tpu.memory_space<semaphore_mem>>
        tpu.enqueue_dma source(%arg7 : memref<10112x128xf32, #tpu.memory_space<hbm>>) target(%arg12 : memref<10112x128xf32, #tpu.memory_space<vmem_shared>>) target_semaphore(%run_scoped3A : memref<!tpu.dma_semaphore, #tpu.memory_space<semaphore_mem>>)
        tpu.wait_dma2 semaphore(%run_scoped3A : memref<!tpu.dma_semaphore, #tpu.memory_space<semaphore_mem>>) src(%arg7 : memref<10112x128xf32, #tpu.memory_space<hbm>>) dst(%arg12 : memref<10112x128xf32, #tpu.memory_space<vmem_shared>>)
        tpu.yield
      }) : () -> ()
    } else {
    }
    %eq3A_2 = arith.constant 0 : i32
    %eq3A_3 = arith.cmpi eq, %arg0, %eq3A_2 : i32
    %convert_element_type3A_4 = arith.extui %eq3A_3 : i1 to i32
    %cond3A_5 = arith.constant 0 : i32
    %cond3A_6 = arith.cmpi ne, %convert_element_type3A_4, %cond3A_5 : i32
    scf.if %cond3A_6 {
      "tpu.region"() ({
        %run_scoped3A = tpu.sem_alloc : memref<!tpu.dma_semaphore, #tpu.memory_space<semaphore_mem>>
        %dma_start3A = arith.constant 0 : i32
        %dma_start3A_24 = arith.constant 0 : i32
        %dma_start3A_25 = tpu.memref_slice %arg3[%arg1, %dma_start3A, %dma_start3A_24] : memref<16x110x128xi32, #tpu.memory_space<hbm>> -> memref<1x110x128xi32, #tpu.memory_space<hbm>>
        %dma_start3A_26 = tpu.memref_squeeze %dma_start3A_25 : memref<1x110x128xi32, #tpu.memory_space<hbm>> -> memref<110x128xi32, #tpu.memory_space<hbm>>
        %dma_start3A_27 = arith.constant 0 : i32
        %dma_start3A_28 = arith.constant 0 : i32
        %dma_start3A_29 = tpu.memref_slice %arg3[%arg1, %dma_start3A_27, %dma_start3A_28] : memref<16x110x128xi32, #tpu.memory_space<hbm>> -> memref<1x110x128xi32, #tpu.memory_space<hbm>>
        %dma_start3A_30 = tpu.memref_squeeze %dma_start3A_29 : memref<1x110x128xi32, #tpu.memory_space<hbm>> -> memref<110x128xi32, #tpu.memory_space<hbm>>
        tpu.enqueue_dma source(%dma_start3A_30 : memref<110x128xi32, #tpu.memory_space<hbm>>) target(%arg9 : memref<110x128xi32, #tpu.memory_space<vmem>>) target_semaphore(%run_scoped3A : memref<!tpu.dma_semaphore, #tpu.memory_space<semaphore_mem>>)
        %dma_wait3A = arith.constant 0 : i32
        %dma_wait3A_31 = arith.constant 0 : i32
        %dma_wait3A_32 = tpu.memref_slice %arg3[%arg1, %dma_wait3A, %dma_wait3A_31] : memref<16x110x128xi32, #tpu.memory_space<hbm>> -> memref<1x110x128xi32, #tpu.memory_space<hbm>>
        %dma_wait3A_33 = tpu.memref_squeeze %dma_wait3A_32 : memref<1x110x128xi32, #tpu.memory_space<hbm>> -> memref<110x128xi32, #tpu.memory_space<hbm>>
        %dma_wait3A_34 = arith.constant 0 : i32
        %dma_wait3A_35 = arith.constant 0 : i32
        %dma_wait3A_36 = tpu.memref_slice %arg3[%arg1, %dma_wait3A_34, %dma_wait3A_35] : memref<16x110x128xi32, #tpu.memory_space<hbm>> -> memref<1x110x128xi32, #tpu.memory_space<hbm>>
        %dma_wait3A_37 = tpu.memref_squeeze %dma_wait3A_36 : memref<1x110x128xi32, #tpu.memory_space<hbm>> -> memref<110x128xi32, #tpu.memory_space<hbm>>
        tpu.wait_dma2 semaphore(%run_scoped3A : memref<!tpu.dma_semaphore, #tpu.memory_space<semaphore_mem>>) src(%dma_wait3A_37 : memref<110x128xi32, #tpu.memory_space<hbm>>) dst(%arg9 : memref<110x128xi32, #tpu.memory_space<vmem>>)
        tpu.yield
      }) : () -> ()
      "tpu.region"() ({
        %run_scoped3A = tpu.sem_alloc : memref<!tpu.dma_semaphore, #tpu.memory_space<semaphore_mem>>
        %dma_start3A = arith.constant 0 : i32
        %dma_start3A_24 = arith.constant 0 : i32
        %dma_start3A_25 = tpu.memref_slice %arg4[%arg1, %dma_start3A, %dma_start3A_24] : memref<16x110x128xi32, #tpu.memory_space<hbm>> -> memref<1x110x128xi32, #tpu.memory_space<hbm>>
        %dma_start3A_26 = tpu.memref_squeeze %dma_start3A_25 : memref<1x110x128xi32, #tpu.memory_space<hbm>> -> memref<110x128xi32, #tpu.memory_space<hbm>>
        %dma_start3A_27 = arith.constant 0 : i32
        %dma_start3A_28 = arith.constant 0 : i32
        %dma_start3A_29 = tpu.memref_slice %arg4[%arg1, %dma_start3A_27, %dma_start3A_28] : memref<16x110x128xi32, #tpu.memory_space<hbm>> -> memref<1x110x128xi32, #tpu.memory_space<hbm>>
        %dma_start3A_30 = tpu.memref_squeeze %dma_start3A_29 : memref<1x110x128xi32, #tpu.memory_space<hbm>> -> memref<110x128xi32, #tpu.memory_space<hbm>>
        tpu.enqueue_dma source(%dma_start3A_30 : memref<110x128xi32, #tpu.memory_space<hbm>>) target(%arg10 : memref<110x128xi32, #tpu.memory_space<vmem>>) target_semaphore(%run_scoped3A : memref<!tpu.dma_semaphore, #tpu.memory_space<semaphore_mem>>)
        %dma_wait3A = arith.constant 0 : i32
        %dma_wait3A_31 = arith.constant 0 : i32
        %dma_wait3A_32 = tpu.memref_slice %arg4[%arg1, %dma_wait3A, %dma_wait3A_31] : memref<16x110x128xi32, #tpu.memory_space<hbm>> -> memref<1x110x128xi32, #tpu.memory_space<hbm>>
        %dma_wait3A_33 = tpu.memref_squeeze %dma_wait3A_32 : memref<1x110x128xi32, #tpu.memory_space<hbm>> -> memref<110x128xi32, #tpu.memory_space<hbm>>
        %dma_wait3A_34 = arith.constant 0 : i32
        %dma_wait3A_35 = arith.constant 0 : i32
        %dma_wait3A_36 = tpu.memref_slice %arg4[%arg1, %dma_wait3A_34, %dma_wait3A_35] : memref<16x110x128xi32, #tpu.memory_space<hbm>> -> memref<1x110x128xi32, #tpu.memory_space<hbm>>
        %dma_wait3A_37 = tpu.memref_squeeze %dma_wait3A_36 : memref<1x110x128xi32, #tpu.memory_space<hbm>> -> memref<110x128xi32, #tpu.memory_space<hbm>>
        tpu.wait_dma2 semaphore(%run_scoped3A : memref<!tpu.dma_semaphore, #tpu.memory_space<semaphore_mem>>) src(%dma_wait3A_37 : memref<110x128xi32, #tpu.memory_space<hbm>>) dst(%arg10 : memref<110x128xi32, #tpu.memory_space<vmem>>)
        tpu.yield
      }) : () -> ()
    } else {
    }
    %eq3A_7 = arith.constant 1 : i32
    %eq3A_8 = arith.cmpi eq, %arg0, %eq3A_7 : i32
    %convert_element_type3A_9 = arith.extui %eq3A_8 : i1 to i32
    %cond3A_10 = arith.constant 0 : i32
    %cond3A_11 = arith.cmpi ne, %convert_element_type3A_9, %cond3A_10 : i32
    scf.if %cond3A_11 {
      "tpu.region"() ({
        %run_scoped3A = tpu.sem_alloc : memref<!tpu.dma_semaphore, #tpu.memory_space<semaphore_mem>>
        %dma_start3A = arith.constant 0 : i32
        %dma_start3A_24 = arith.constant 0 : i32
        %dma_start3A_25 = tpu.memref_slice %arg9[%dma_start3A, %dma_start3A_24] : memref<110x128xi32, #tpu.memory_space<vmem>> -> memref<48x128xi32, #tpu.memory_space<vmem>>
        %dma_start3A_26 = arith.constant 0 : i32
        %dma_start3A_27 = arith.constant 0 : i32
        %dma_start3A_28 = tpu.memref_slice %arg5[%arg1, %dma_start3A_26, %dma_start3A_27] : memref<16x48x128xi32, #tpu.memory_space<hbm>> -> memref<1x48x128xi32, #tpu.memory_space<hbm>>
        %dma_start3A_29 = tpu.memref_squeeze %dma_start3A_28 : memref<1x48x128xi32, #tpu.memory_space<hbm>> -> memref<48x128xi32, #tpu.memory_space<hbm>>
        %dma_start3A_30 = arith.constant 0 : i32
        %dma_start3A_31 = arith.constant 0 : i32
        %dma_start3A_32 = tpu.memref_slice %arg9[%dma_start3A_30, %dma_start3A_31] : memref<110x128xi32, #tpu.memory_space<vmem>> -> memref<48x128xi32, #tpu.memory_space<vmem>>
        %dma_start3A_33 = arith.constant 0 : i32
        %dma_start3A_34 = arith.constant 0 : i32
        %dma_start3A_35 = tpu.memref_slice %arg5[%arg1, %dma_start3A_33, %dma_start3A_34] : memref<16x48x128xi32, #tpu.memory_space<hbm>> -> memref<1x48x128xi32, #tpu.memory_space<hbm>>
        %dma_start3A_36 = tpu.memref_squeeze %dma_start3A_35 : memref<1x48x128xi32, #tpu.memory_space<hbm>> -> memref<48x128xi32, #tpu.memory_space<hbm>>
        tpu.enqueue_dma source(%dma_start3A_36 : memref<48x128xi32, #tpu.memory_space<hbm>>) target(%dma_start3A_32 : memref<48x128xi32, #tpu.memory_space<vmem>>) target_semaphore(%run_scoped3A : memref<!tpu.dma_semaphore, #tpu.memory_space<semaphore_mem>>)
        %dma_wait3A = arith.constant 0 : i32
        %dma_wait3A_37 = arith.constant 0 : i32
        %dma_wait3A_38 = tpu.memref_slice %arg9[%dma_wait3A, %dma_wait3A_37] : memref<110x128xi32, #tpu.memory_space<vmem>> -> memref<48x128xi32, #tpu.memory_space<vmem>>
        %dma_wait3A_39 = arith.constant 0 : i32
        %dma_wait3A_40 = arith.constant 0 : i32
        %dma_wait3A_41 = tpu.memref_slice %arg5[%arg1, %dma_wait3A_39, %dma_wait3A_40] : memref<16x48x128xi32, #tpu.memory_space<hbm>> -> memref<1x48x128xi32, #tpu.memory_space<hbm>>
        %dma_wait3A_42 = tpu.memref_squeeze %dma_wait3A_41 : memref<1x48x128xi32, #tpu.memory_space<hbm>> -> memref<48x128xi32, #tpu.memory_space<hbm>>
        %dma_wait3A_43 = arith.constant 0 : i32
        %dma_wait3A_44 = arith.constant 0 : i32
        %dma_wait3A_45 = tpu.memref_slice %arg9[%dma_wait3A_43, %dma_wait3A_44] : memref<110x128xi32, #tpu.memory_space<vmem>> -> memref<48x128xi32, #tpu.memory_space<vmem>>
        %dma_wait3A_46 = arith.constant 0 : i32
        %dma_wait3A_47 = arith.constant 0 : i32
        %dma_wait3A_48 = tpu.memref_slice %arg5[%arg1, %dma_wait3A_46, %dma_wait3A_47] : memref<16x48x128xi32, #tpu.memory_space<hbm>> -> memref<1x48x128xi32, #tpu.memory_space<hbm>>
        %dma_wait3A_49 = tpu.memref_squeeze %dma_wait3A_48 : memref<1x48x128xi32, #tpu.memory_space<hbm>> -> memref<48x128xi32, #tpu.memory_space<hbm>>
        tpu.wait_dma2 semaphore(%run_scoped3A : memref<!tpu.dma_semaphore, #tpu.memory_space<semaphore_mem>>) src(%dma_wait3A_49 : memref<48x128xi32, #tpu.memory_space<hbm>>) dst(%dma_wait3A_45 : memref<48x128xi32, #tpu.memory_space<vmem>>)
        tpu.yield
      }) : () -> ()
      "tpu.region"() ({
        %run_scoped3A = tpu.sem_alloc : memref<!tpu.dma_semaphore, #tpu.memory_space<semaphore_mem>>
        %dma_start3A = arith.constant 0 : i32
        %dma_start3A_24 = arith.constant 0 : i32
        %dma_start3A_25 = tpu.memref_slice %arg10[%dma_start3A, %dma_start3A_24] : memref<110x128xi32, #tpu.memory_space<vmem>> -> memref<48x128xi32, #tpu.memory_space<vmem>>
        %dma_start3A_26 = arith.constant 0 : i32
        %dma_start3A_27 = arith.constant 0 : i32
        %dma_start3A_28 = tpu.memref_slice %arg6[%arg1, %dma_start3A_26, %dma_start3A_27] : memref<16x48x128xi32, #tpu.memory_space<hbm>> -> memref<1x48x128xi32, #tpu.memory_space<hbm>>
        %dma_start3A_29 = tpu.memref_squeeze %dma_start3A_28 : memref<1x48x128xi32, #tpu.memory_space<hbm>> -> memref<48x128xi32, #tpu.memory_space<hbm>>
        %dma_start3A_30 = arith.constant 0 : i32
        %dma_start3A_31 = arith.constant 0 : i32
        %dma_start3A_32 = tpu.memref_slice %arg10[%dma_start3A_30, %dma_start3A_31] : memref<110x128xi32, #tpu.memory_space<vmem>> -> memref<48x128xi32, #tpu.memory_space<vmem>>
        %dma_start3A_33 = arith.constant 0 : i32
        %dma_start3A_34 = arith.constant 0 : i32
        %dma_start3A_35 = tpu.memref_slice %arg6[%arg1, %dma_start3A_33, %dma_start3A_34] : memref<16x48x128xi32, #tpu.memory_space<hbm>> -> memref<1x48x128xi32, #tpu.memory_space<hbm>>
        %dma_start3A_36 = tpu.memref_squeeze %dma_start3A_35 : memref<1x48x128xi32, #tpu.memory_space<hbm>> -> memref<48x128xi32, #tpu.memory_space<hbm>>
        tpu.enqueue_dma source(%dma_start3A_36 : memref<48x128xi32, #tpu.memory_space<hbm>>) target(%dma_start3A_32 : memref<48x128xi32, #tpu.memory_space<vmem>>) target_semaphore(%run_scoped3A : memref<!tpu.dma_semaphore, #tpu.memory_space<semaphore_mem>>)
        %dma_wait3A = arith.constant 0 : i32
        %dma_wait3A_37 = arith.constant 0 : i32
        %dma_wait3A_38 = tpu.memref_slice %arg10[%dma_wait3A, %dma_wait3A_37] : memref<110x128xi32, #tpu.memory_space<vmem>> -> memref<48x128xi32, #tpu.memory_space<vmem>>
        %dma_wait3A_39 = arith.constant 0 : i32
        %dma_wait3A_40 = arith.constant 0 : i32
        %dma_wait3A_41 = tpu.memref_slice %arg6[%arg1, %dma_wait3A_39, %dma_wait3A_40] : memref<16x48x128xi32, #tpu.memory_space<hbm>> -> memref<1x48x128xi32, #tpu.memory_space<hbm>>
        %dma_wait3A_42 = tpu.memref_squeeze %dma_wait3A_41 : memref<1x48x128xi32, #tpu.memory_space<hbm>> -> memref<48x128xi32, #tpu.memory_space<hbm>>
        %dma_wait3A_43 = arith.constant 0 : i32
        %dma_wait3A_44 = arith.constant 0 : i32
        %dma_wait3A_45 = tpu.memref_slice %arg10[%dma_wait3A_43, %dma_wait3A_44] : memref<110x128xi32, #tpu.memory_space<vmem>> -> memref<48x128xi32, #tpu.memory_space<vmem>>
        %dma_wait3A_46 = arith.constant 0 : i32
        %dma_wait3A_47 = arith.constant 0 : i32
        %dma_wait3A_48 = tpu.memref_slice %arg6[%arg1, %dma_wait3A_46, %dma_wait3A_47] : memref<16x48x128xi32, #tpu.memory_space<hbm>> -> memref<1x48x128xi32, #tpu.memory_space<hbm>>
        %dma_wait3A_49 = tpu.memref_squeeze %dma_wait3A_48 : memref<1x48x128xi32, #tpu.memory_space<hbm>> -> memref<48x128xi32, #tpu.memory_space<hbm>>
        tpu.wait_dma2 semaphore(%run_scoped3A : memref<!tpu.dma_semaphore, #tpu.memory_space<semaphore_mem>>) src(%dma_wait3A_49 : memref<48x128xi32, #tpu.memory_space<hbm>>) dst(%dma_wait3A_45 : memref<48x128xi32, #tpu.memory_space<vmem>>)
        tpu.yield
      }) : () -> ()
    } else {
    }
    %barrier3A = arith.constant 0 : index
    tpu.barrier barrier_id(%barrier3A)
    %eq3A_12 = arith.constant 0 : i32
    %eq3A_13 = arith.cmpi eq, %arg0, %eq3A_12 : i32
    %convert_element_type3A_14 = arith.extui %eq3A_13 : i1 to i32
    %cond3A_15 = arith.constant 0 : i32
    %cond3A_16 = arith.cmpi ne, %convert_element_type3A_14, %cond3A_15 : i32
    scf.if %cond3A_16 {
      %scan3A = arith.constant 0 : i32
      %scan3A_24 = arith.constant 0 : i32
      %scan3A_25 = arith.constant 110 : i32
      %scan3A_26 = arith.addi %scan3A_24, %scan3A_25 : i32
      %scan3A_27 = arith.constant 1 : i32
      %scan3A_28 = scf.for %scan3A_30 = %scan3A_24 to %scan3A_26 step %scan3A_27 iter_args(%scan3A_31 = %scan3A) -> (i32)  : i32 {
        %dma_start3A = arith.constant 0 : i32
        %dma_start3A_32 = tpu.memref_slice %arg9[%scan3A_30, %dma_start3A] : memref<110x128xi32, #tpu.memory_space<vmem>> -> memref<1x128xi32, #tpu.memory_space<vmem>>
        %dma_start3A_33 = tpu.memref_squeeze %dma_start3A_32 : memref<1x128xi32, #tpu.memory_space<vmem>> -> memref<128xi32, #tpu.memory_space<vmem>>
        %dma_start3A_34 = arith.constant 0 : i32
        %dma_start3A_35 = arith.constant 0 : i32
        %dma_start3A_36 = tpu.memref_slice %arg2[%dma_start3A_34, %dma_start3A_35] : memref<10008x128xf32, #tpu.memory_space<hbm>> -> memref<10008x128xf32, #tpu.memory_space<hbm>>
        tpu.enqueue_indirect_dma source(%dma_start3A_36 : memref<10008x128xf32, #tpu.memory_space<hbm>>) target(%arg11 : memref<128x128xf32, #tpu.memory_space<vmem>>) offsets(%dma_start3A_33 : memref<128xi32, #tpu.memory_space<vmem>>) semaphore(%arg13 : memref<!tpu.dma_semaphore, #tpu.memory_space<semaphore_mem>>)
        %dma_wait3A = arith.constant 0 : i32
        %dma_wait3A_37 = tpu.memref_slice %arg9[%scan3A_30, %dma_wait3A] : memref<110x128xi32, #tpu.memory_space<vmem>> -> memref<1x128xi32, #tpu.memory_space<vmem>>
        %dma_wait3A_38 = tpu.memref_squeeze %dma_wait3A_37 : memref<1x128xi32, #tpu.memory_space<vmem>> -> memref<128xi32, #tpu.memory_space<vmem>>
        %dma_wait3A_39 = arith.constant 0 : i32
        %dma_wait3A_40 = arith.constant 0 : i32
        %dma_wait3A_41 = tpu.memref_slice %arg2[%dma_wait3A_39, %dma_wait3A_40] : memref<10008x128xf32, #tpu.memory_space<hbm>> -> memref<10008x128xf32, #tpu.memory_space<hbm>>
        tpu.wait_indirect_dma semaphore(%arg13 : memref<!tpu.dma_semaphore, #tpu.memory_space<semaphore_mem>>) src(%dma_wait3A_41 : memref<10008x128xf32, #tpu.memory_space<hbm>>) dst(%arg11 : memref<128x128xf32, #tpu.memory_space<vmem>>)
        "tpu.region"() ({
          %run_scoped3A = tpu.sem_alloc : memref<!tpu.dma_semaphore, #tpu.memory_space<semaphore_mem>>
          %dma_start3A_43 = arith.constant 0 : i32
          %dma_start3A_44 = tpu.memref_slice %arg10[%scan3A_30, %dma_start3A_43] : memref<110x128xi32, #tpu.memory_space<vmem>> -> memref<1x128xi32, #tpu.memory_space<vmem>>
          %dma_start3A_45 = tpu.memref_squeeze %dma_start3A_44 : memref<1x128xi32, #tpu.memory_space<vmem>> -> memref<128xi32, #tpu.memory_space<vmem>>
          %dma_start3A_46 = arith.constant 0 : i32
          %dma_start3A_47 = arith.constant 0 : i32
          %dma_start3A_48 = tpu.memref_slice %arg12[%dma_start3A_46, %dma_start3A_47] : memref<10112x128xf32, #tpu.memory_space<vmem_shared>> -> memref<10112x128xf32, #tpu.memory_space<vmem_shared>>
          tpu.enqueue_indirect_dma source(%arg11 : memref<128x128xf32, #tpu.memory_space<vmem>>) target(%dma_start3A_48 : memref<10112x128xf32, #tpu.memory_space<vmem_shared>>) offsets(%dma_start3A_45 : memref<128xi32, #tpu.memory_space<vmem>>) semaphore(%run_scoped3A : memref<!tpu.dma_semaphore, #tpu.memory_space<semaphore_mem>>) {add = true}
          %dma_wait3A_49 = arith.constant 0 : i32
          %dma_wait3A_50 = tpu.memref_slice %arg10[%scan3A_30, %dma_wait3A_49] : memref<110x128xi32, #tpu.memory_space<vmem>> -> memref<1x128xi32, #tpu.memory_space<vmem>>
          %dma_wait3A_51 = tpu.memref_squeeze %dma_wait3A_50 : memref<1x128xi32, #tpu.memory_space<vmem>> -> memref<128xi32, #tpu.memory_space<vmem>>
          %dma_wait3A_52 = arith.constant 0 : i32
          %dma_wait3A_53 = arith.constant 0 : i32
          %dma_wait3A_54 = tpu.memref_slice %arg12[%dma_wait3A_52, %dma_wait3A_53] : memref<10112x128xf32, #tpu.memory_space<vmem_shared>> -> memref<10112x128xf32, #tpu.memory_space<vmem_shared>>
          tpu.wait_indirect_dma semaphore(%run_scoped3A : memref<!tpu.dma_semaphore, #tpu.memory_space<semaphore_mem>>) src(%arg11 : memref<128x128xf32, #tpu.memory_space<vmem>>) dst(%dma_wait3A_54 : memref<10112x128xf32, #tpu.memory_space<vmem_shared>>)
          tpu.yield
        }) : () -> ()
        %scan3A_42 = arith.constant 0 : i32
        scf.yield %scan3A_42 : i32
      }
      %scan3A_29 = arith.constant 110 : i32
    } else {
    }
    %eq3A_17 = arith.constant 1 : i32
    %eq3A_18 = arith.cmpi eq, %arg0, %eq3A_17 : i32
    %convert_element_type3A_19 = arith.extui %eq3A_18 : i1 to i32
    %cond3A_20 = arith.constant 0 : i32
    %cond3A_21 = arith.cmpi ne, %convert_element_type3A_19, %cond3A_20 : i32
    scf.if %cond3A_21 {
      %scan3A = arith.constant 0 : i32
      %scan3A_24 = arith.constant 0 : i32
      %scan3A_25 = arith.constant 48 : i32
      %scan3A_26 = arith.addi %scan3A_24, %scan3A_25 : i32
      %scan3A_27 = arith.constant 1 : i32
      %scan3A_28 = scf.for %scan3A_30 = %scan3A_24 to %scan3A_26 step %scan3A_27 iter_args(%scan3A_31 = %scan3A) -> (i32)  : i32 {
        %dma_start3A = arith.constant 0 : i32
        %dma_start3A_32 = tpu.memref_slice %arg9[%scan3A_30, %dma_start3A] : memref<110x128xi32, #tpu.memory_space<vmem>> -> memref<1x128xi32, #tpu.memory_space<vmem>>
        %dma_start3A_33 = tpu.memref_squeeze %dma_start3A_32 : memref<1x128xi32, #tpu.memory_space<vmem>> -> memref<128xi32, #tpu.memory_space<vmem>>
        %dma_start3A_34 = arith.constant 0 : i32
        %dma_start3A_35 = arith.constant 0 : i32
        %dma_start3A_36 = tpu.memref_slice %arg2[%dma_start3A_34, %dma_start3A_35] : memref<10008x128xf32, #tpu.memory_space<hbm>> -> memref<10008x128xf32, #tpu.memory_space<hbm>>
        tpu.enqueue_indirect_dma source(%dma_start3A_36 : memref<10008x128xf32, #tpu.memory_space<hbm>>) target(%arg11 : memref<128x128xf32, #tpu.memory_space<vmem>>) offsets(%dma_start3A_33 : memref<128xi32, #tpu.memory_space<vmem>>) semaphore(%arg13 : memref<!tpu.dma_semaphore, #tpu.memory_space<semaphore_mem>>)
        %dma_wait3A = arith.constant 0 : i32
        %dma_wait3A_37 = tpu.memref_slice %arg9[%scan3A_30, %dma_wait3A] : memref<110x128xi32, #tpu.memory_space<vmem>> -> memref<1x128xi32, #tpu.memory_space<vmem>>
        %dma_wait3A_38 = tpu.memref_squeeze %dma_wait3A_37 : memref<1x128xi32, #tpu.memory_space<vmem>> -> memref<128xi32, #tpu.memory_space<vmem>>
        %dma_wait3A_39 = arith.constant 0 : i32
        %dma_wait3A_40 = arith.constant 0 : i32
        %dma_wait3A_41 = tpu.memref_slice %arg2[%dma_wait3A_39, %dma_wait3A_40] : memref<10008x128xf32, #tpu.memory_space<hbm>> -> memref<10008x128xf32, #tpu.memory_space<hbm>>
        tpu.wait_indirect_dma semaphore(%arg13 : memref<!tpu.dma_semaphore, #tpu.memory_space<semaphore_mem>>) src(%dma_wait3A_41 : memref<10008x128xf32, #tpu.memory_space<hbm>>) dst(%arg11 : memref<128x128xf32, #tpu.memory_space<vmem>>)
        "tpu.region"() ({
          %run_scoped3A = tpu.sem_alloc : memref<!tpu.dma_semaphore, #tpu.memory_space<semaphore_mem>>
          %dma_start3A_43 = arith.constant 0 : i32
          %dma_start3A_44 = tpu.memref_slice %arg10[%scan3A_30, %dma_start3A_43] : memref<110x128xi32, #tpu.memory_space<vmem>> -> memref<1x128xi32, #tpu.memory_space<vmem>>
          %dma_start3A_45 = tpu.memref_squeeze %dma_start3A_44 : memref<1x128xi32, #tpu.memory_space<vmem>> -> memref<128xi32, #tpu.memory_space<vmem>>
          %dma_start3A_46 = arith.constant 0 : i32
          %dma_start3A_47 = arith.constant 0 : i32
          %dma_start3A_48 = tpu.memref_slice %arg12[%dma_start3A_46, %dma_start3A_47] : memref<10112x128xf32, #tpu.memory_space<vmem_shared>> -> memref<10112x128xf32, #tpu.memory_space<vmem_shared>>
          tpu.enqueue_indirect_dma source(%arg11 : memref<128x128xf32, #tpu.memory_space<vmem>>) target(%dma_start3A_48 : memref<10112x128xf32, #tpu.memory_space<vmem_shared>>) offsets(%dma_start3A_45 : memref<128xi32, #tpu.memory_space<vmem>>) semaphore(%run_scoped3A : memref<!tpu.dma_semaphore, #tpu.memory_space<semaphore_mem>>) {add = true}
          %dma_wait3A_49 = arith.constant 0 : i32
          %dma_wait3A_50 = tpu.memref_slice %arg10[%scan3A_30, %dma_wait3A_49] : memref<110x128xi32, #tpu.memory_space<vmem>> -> memref<1x128xi32, #tpu.memory_space<vmem>>
          %dma_wait3A_51 = tpu.memref_squeeze %dma_wait3A_50 : memref<1x128xi32, #tpu.memory_space<vmem>> -> memref<128xi32, #tpu.memory_space<vmem>>
          %dma_wait3A_52 = arith.constant 0 : i32
          %dma_wait3A_53 = arith.constant 0 : i32
          %dma_wait3A_54 = tpu.memref_slice %arg12[%dma_wait3A_52, %dma_wait3A_53] : memref<10112x128xf32, #tpu.memory_space<vmem_shared>> -> memref<10112x128xf32, #tpu.memory_space<vmem_shared>>
          tpu.wait_indirect_dma semaphore(%run_scoped3A : memref<!tpu.dma_semaphore, #tpu.memory_space<semaphore_mem>>) src(%arg11 : memref<128x128xf32, #tpu.memory_space<vmem>>) dst(%dma_wait3A_54 : memref<10112x128xf32, #tpu.memory_space<vmem_shared>>)
          tpu.yield
        }) : () -> ()
        %scan3A_42 = arith.constant 0 : i32
        scf.yield %scan3A_42 : i32
      }
      %scan3A_29 = arith.constant 48 : i32
    } else {
    }
    %barrier3A_22 = arith.constant 0 : index
    tpu.barrier barrier_id(%barrier3A_22)
    %mul3A = arith.constant 632 : i32
    %mul3A_23 = arith.muli %arg1, %mul3A : i32
    "tpu.region"() ({
      %run_scoped3A = tpu.sem_alloc : memref<!tpu.dma_semaphore, #tpu.memory_space<semaphore_mem>>
      %dma_start3A = arith.constant 0 : i32
      %dma_start3A_24 = arith.constant 0 : i32
      %dma_start3A_25 = tpu.memref_slice %arg8[%arg0, %dma_start3A, %dma_start3A_24] : memref<2x10112x128xf32, #tpu.memory_space<hbm>> -> memref<1x10112x128xf32, #tpu.memory_space<hbm>>
      %dma_start3A_26 = tpu.memref_squeeze %dma_start3A_25 : memref<1x10112x128xf32, #tpu.memory_space<hbm>> -> memref<10112x128xf32, #tpu.memory_space<hbm>>
      %dma_start3A_27 = arith.constant 0 : i32
      %dma_start3A_28 = tpu.memref_slice %dma_start3A_26[%mul3A_23, %dma_start3A_27] : memref<10112x128xf32, #tpu.memory_space<hbm>> -> memref<632x128xf32, #tpu.memory_space<hbm>>
      %dma_start3A_29 = arith.constant 0 : i32
      %dma_start3A_30 = tpu.memref_slice %arg12[%mul3A_23, %dma_start3A_29] : memref<10112x128xf32, #tpu.memory_space<vmem_shared>> -> memref<632x128xf32, #tpu.memory_space<vmem_shared>>
      tpu.enqueue_dma source(%dma_start3A_30 : memref<632x128xf32, #tpu.memory_space<vmem_shared>>) target(%dma_start3A_28 : memref<632x128xf32, #tpu.memory_space<hbm>>) target_semaphore(%run_scoped3A : memref<!tpu.dma_semaphore, #tpu.memory_space<semaphore_mem>>)
      %dma_wait3A = arith.constant 0 : i32
      %dma_wait3A_31 = arith.constant 0 : i32
      %dma_wait3A_32 = tpu.memref_slice %arg8[%arg0, %dma_wait3A, %dma_wait3A_31] : memref<2x10112x128xf32, #tpu.memory_space<hbm>> -> memref<1x10112x128xf32, #tpu.memory_space<hbm>>
      %dma_wait3A_33 = tpu.memref_squeeze %dma_wait3A_32 : memref<1x10112x128xf32, #tpu.memory_space<hbm>> -> memref<10112x128xf32, #tpu.memory_space<hbm>>
      %dma_wait3A_34 = arith.constant 0 : i32
      %dma_wait3A_35 = tpu.memref_slice %dma_wait3A_33[%mul3A_23, %dma_wait3A_34] : memref<10112x128xf32, #tpu.memory_space<hbm>> -> memref<632x128xf32, #tpu.memory_space<hbm>>
      %dma_wait3A_36 = arith.constant 0 : i32
      %dma_wait3A_37 = tpu.memref_slice %arg12[%mul3A_23, %dma_wait3A_36] : memref<10112x128xf32, #tpu.memory_space<vmem_shared>> -> memref<632x128xf32, #tpu.memory_space<vmem_shared>>
      tpu.wait_dma2 semaphore(%run_scoped3A : memref<!tpu.dma_semaphore, #tpu.memory_space<semaphore_mem>>) src(%dma_wait3A_37 : memref<632x128xf32, #tpu.memory_space<vmem_shared>>) dst(%dma_wait3A_35 : memref<632x128xf32, #tpu.memory_space<hbm>>)
      tpu.yield
    }) : () -> ()
    return
  }
}

module attributes {stable_mosaic.version = 14 : i64} {
  func.func @_tc_gcn_pre_body(%arg0: i32, %arg1: memref<1000x128xf32, #tpu.memory_space<vmem>>, %arg2: memref<1000x128xf32, #tpu.memory_space<vmem>>, %arg3: memref<128x128xf32, #tpu.memory_space<vmem>>, %arg4: memref<1x128xf32, #tpu.memory_space<vmem>>, %arg5: memref<1000x128xf32, #tpu.memory_space<vmem>>, %arg6: memref<1000x128xf32, #tpu.memory_space<vmem>>) attributes {dimension_semantics = [#tpu.dimension_semantics<arbitrary>], iteration_bounds = array<i64: 10>, scalar_prefetch = 0 : i64, scratch_operands = 0 : i64, tpu.core_type = #tpu.core_type<tc>, window_params = [{transform_indices = @transform_0, window_bounds = array<i64: 1000, 128>}, {transform_indices = @transform_1, window_bounds = array<i64: 1000, 128>}, {pipeline_mode = #tpu.pipeline_mode<synchronous>, transform_indices = @transform_2, window_bounds = array<i64: 128, 128>}, {pipeline_mode = #tpu.pipeline_mode<synchronous>, transform_indices = @transform_3, window_bounds = array<i64: 1, 128>}, {transform_indices = @transform_4, window_bounds = array<i64: 1000, 128>}, {transform_indices = @transform_5, window_bounds = array<i64: 1000, 128>}]} {
    %get3A = arith.constant 0 : index
    %get3A_0 = arith.constant 0 : index
    %get3A_1 = vector.load %arg1[%get3A, %get3A_0] : memref<1000x128xf32, #tpu.memory_space<vmem>>, vector<1000x128xf32>
    %get3A_2 = arith.constant 0 : index
    %get3A_3 = arith.constant 0 : index
    %get3A_4 = vector.load %arg3[%get3A_2, %get3A_3] : memref<128x128xf32, #tpu.memory_space<vmem>>, vector<128x128xf32>
    %dot_general3A = arith.constant dense<0.000000e+00> : vector<1000x128xf32>
    %dot_general3A_5 = tpu.matmul %get3A_1, %get3A_4, %dot_general3A {dimension_numbers = #tpu.dot_dimension_numbers<[1], [0], [0], [1], [0, 0, 1, 1], [], []>, transpose_lhs_hint = false} : vector<1000x128xf32>, vector<128x128xf32>, vector<1000x128xf32> -> vector<1000x128xf32>
    %get3A_6 = arith.constant 0 : index
    %get3A_7 = arith.constant 0 : index
    %get3A_8 = vector.load %arg2[%get3A_6, %get3A_7] : memref<1000x128xf32, #tpu.memory_space<vmem>>, vector<1000x128xf32>
    %mul3A = arith.mulf %get3A_8, %dot_general3A_5 : vector<1000x128xf32>
    %swap3A = arith.constant 0 : index
    %swap3A_9 = arith.constant 0 : index
    %swap3A_10 = vector.load %arg5[%swap3A, %swap3A_9] : memref<1000x128xf32, #tpu.memory_space<vmem>>, vector<1000x128xf32>
    tpu.vector_store %arg5[%swap3A, %swap3A_9], %mul3A {strides = array<i32>} : memref<1000x128xf32, #tpu.memory_space<vmem>>, vector<1000x128xf32>,
    %mul3A_11 = arith.mulf %get3A_8, %get3A_8 : vector<1000x128xf32>
    %mul3A_12 = arith.mulf %mul3A_11, %dot_general3A_5 : vector<1000x128xf32>
    %get3A_13 = arith.constant 0 : index
    %get3A_14 = arith.constant 0 : index
    %get3A_15 = vector.load %arg4[%get3A_13, %get3A_14] : memref<1x128xf32, #tpu.memory_space<vmem>>, vector<1x128xf32>
    %add3A = vector.broadcast %get3A_15 : vector<1x128xf32> to vector<1000x128xf32>
    %add3A_16 = arith.addf %mul3A_12, %add3A : vector<1000x128xf32>
    %swap3A_17 = arith.constant 0 : index
    %swap3A_18 = arith.constant 0 : index
    %swap3A_19 = vector.load %arg6[%swap3A_17, %swap3A_18] : memref<1000x128xf32, #tpu.memory_space<vmem>>, vector<1000x128xf32>
    tpu.vector_store %arg6[%swap3A_17, %swap3A_18], %add3A_16 {strides = array<i32>} : memref<1000x128xf32, #tpu.memory_space<vmem>>, vector<1000x128xf32>,
    return
  }
  func.func @transform_0(%arg0: i32) -> (i32, i32) {
    %c0_i32 = arith.constant 0 : i32
    %c0_i32_0 = arith.constant 0 : i32
    return %arg0, %c0_i32 : i32, i32
  }
  func.func @transform_1(%arg0: i32) -> (i32, i32) {
    %c0_i32 = arith.constant 0 : i32
    %c0_i32_0 = arith.constant 0 : i32
    return %arg0, %c0_i32 : i32, i32
  }
  func.func @transform_2(%arg0: i32) -> (i32, i32) {
    %c0_i32 = arith.constant 0 : i32
    %c0_i32_0 = arith.constant 0 : i32
    %c0_i32_1 = arith.constant 0 : i32
    return %c0_i32, %c0_i32_0 : i32, i32
  }
  func.func @transform_3(%arg0: i32) -> (i32, i32) {
    %c0_i32 = arith.constant 0 : i32
    %c0_i32_0 = arith.constant 0 : i32
    %c0_i32_1 = arith.constant 0 : i32
    return %c0_i32, %c0_i32_0 : i32, i32
  }
  func.func @transform_4(%arg0: i32) -> (i32, i32) {
    %c0_i32 = arith.constant 0 : i32
    %c0_i32_0 = arith.constant 0 : i32
    return %arg0, %c0_i32 : i32, i32
  }
  func.func @transform_5(%arg0: i32) -> (i32, i32) {
    %c0_i32 = arith.constant 0 : i32
    %c0_i32_0 = arith.constant 0 : i32
    return %arg0, %c0_i32 : i32, i32
  }
}

module attributes {stable_mosaic.version = 14 : i64} {
  func.func @_tc_gcn_post_body(%arg0: i32, %arg1: memref<2x1000x128xf32, #tpu.memory_space<vmem>>, %arg2: memref<1000x128xf32, #tpu.memory_space<vmem>>, %arg3: memref<1000x128xf32, #tpu.memory_space<vmem>>, %arg4: memref<1000x128xf32, #tpu.memory_space<vmem>>) attributes {dimension_semantics = [#tpu.dimension_semantics<arbitrary>], iteration_bounds = array<i64: 10>, scalar_prefetch = 0 : i64, scratch_operands = 0 : i64, tpu.core_type = #tpu.core_type<tc>, window_params = [{transform_indices = @transform_0, window_bounds = array<i64: 2, 1000, 128>}, {transform_indices = @transform_1, window_bounds = array<i64: 1000, 128>}, {transform_indices = @transform_2, window_bounds = array<i64: 1000, 128>}, {transform_indices = @transform_3, window_bounds = array<i64: 1000, 128>}]} {
    %get3A = arith.constant 0 : index
    %get3A_0 = arith.constant 0 : index
    %get3A_1 = arith.constant 0 : index
    %get3A_2 = vector.load %arg1[%get3A, %get3A_0, %get3A_1] : memref<2x1000x128xf32, #tpu.memory_space<vmem>>, vector<1x1000x128xf32>
    %get3A_3 = vector.shape_cast %get3A_2 : vector<1x1000x128xf32> to vector<1000x128xf32>
    %get3A_4 = arith.constant 1 : index
    %get3A_5 = arith.constant 0 : index
    %get3A_6 = arith.constant 0 : index
    %get3A_7 = vector.load %arg1[%get3A_4, %get3A_5, %get3A_6] : memref<2x1000x128xf32, #tpu.memory_space<vmem>>, vector<1x1000x128xf32>
    %get3A_8 = vector.shape_cast %get3A_7 : vector<1x1000x128xf32> to vector<1000x128xf32>
    %add3A = arith.addf %get3A_3, %get3A_8 : vector<1000x128xf32>
    %get3A_9 = arith.constant 0 : index
    %get3A_10 = arith.constant 0 : index
    %get3A_11 = vector.load %arg3[%get3A_9, %get3A_10] : memref<1000x128xf32, #tpu.memory_space<vmem>>, vector<1000x128xf32>
    %mul3A = arith.mulf %get3A_11, %add3A : vector<1000x128xf32>
    %get3A_12 = arith.constant 0 : index
    %get3A_13 = arith.constant 0 : index
    %get3A_14 = vector.load %arg2[%get3A_12, %get3A_13] : memref<1000x128xf32, #tpu.memory_space<vmem>>, vector<1000x128xf32>
    %add3A_15 = arith.addf %mul3A, %get3A_14 : vector<1000x128xf32>
    %max3A = arith.constant 0.000000e+00 : f32
    %max3A_16 = vector.broadcast %max3A : f32 to vector<1000x128xf32>
    %max3A_17 = arith.maximumf %add3A_15, %max3A_16 : vector<1000x128xf32>
    %swap3A = arith.constant 0 : index
    %swap3A_18 = arith.constant 0 : index
    %swap3A_19 = vector.load %arg4[%swap3A, %swap3A_18] : memref<1000x128xf32, #tpu.memory_space<vmem>>, vector<1000x128xf32>
    tpu.vector_store %arg4[%swap3A, %swap3A_18], %max3A_17 {strides = array<i32>} : memref<1000x128xf32, #tpu.memory_space<vmem>>, vector<1000x128xf32>,
    return
  }
  func.func @transform_0(%arg0: i32) -> (i32, i32, i32) {
    %c0_i32 = arith.constant 0 : i32
    %c0_i32_0 = arith.constant 0 : i32
    %c0_i32_1 = arith.constant 0 : i32
    return %c0_i32, %arg0, %c0_i32_0 : i32, i32, i32
  }
  func.func @transform_1(%arg0: i32) -> (i32, i32) {
    %c0_i32 = arith.constant 0 : i32
    %c0_i32_0 = arith.constant 0 : i32
    return %arg0, %c0_i32 : i32, i32
  }
  func.func @transform_2(%arg0: i32) -> (i32, i32) {
    %c0_i32 = arith.constant 0 : i32
    %c0_i32_0 = arith.constant 0 : i32
    return %arg0, %c0_i32 : i32, i32
  }
  func.func @transform_3(%arg0: i32) -> (i32, i32) {
    %c0_i32 = arith.constant 0 : i32
    %c0_i32_0 = arith.constant 0 : i32
    return %arg0, %c0_i32 : i32, i32
  }
}

module attributes {stable_mosaic.version = 14 : i64} {
  func.func @_tc_gin_body(%arg0: i32, %arg1: memref<1000x128xf32, #tpu.memory_space<vmem>>, %arg2: memref<2x1000x128xf32, #tpu.memory_space<vmem>>, %arg3: memref<128x128xf32, #tpu.memory_space<vmem>>, %arg4: memref<1x128xf32, #tpu.memory_space<vmem>>, %arg5: memref<128x128xf32, #tpu.memory_space<vmem>>, %arg6: memref<1x128xf32, #tpu.memory_space<vmem>>, %arg7: memref<1000x128xf32, #tpu.memory_space<vmem>>) attributes {dimension_semantics = [#tpu.dimension_semantics<arbitrary>], iteration_bounds = array<i64: 10>, scalar_prefetch = 0 : i64, scratch_operands = 0 : i64, tpu.core_type = #tpu.core_type<tc>, window_params = [{transform_indices = @transform_0, window_bounds = array<i64: 1000, 128>}, {transform_indices = @transform_1, window_bounds = array<i64: 2, 1000, 128>}, {pipeline_mode = #tpu.pipeline_mode<synchronous>, transform_indices = @transform_2, window_bounds = array<i64: 128, 128>}, {pipeline_mode = #tpu.pipeline_mode<synchronous>, transform_indices = @transform_3, window_bounds = array<i64: 1, 128>}, {pipeline_mode = #tpu.pipeline_mode<synchronous>, transform_indices = @transform_4, window_bounds = array<i64: 128, 128>}, {pipeline_mode = #tpu.pipeline_mode<synchronous>, transform_indices = @transform_5, window_bounds = array<i64: 1, 128>}, {transform_indices = @transform_6, window_bounds = array<i64: 1000, 128>}]} {
    %get3A = arith.constant 0 : index
    %get3A_0 = arith.constant 0 : index
    %get3A_1 = vector.load %arg1[%get3A, %get3A_0] : memref<1000x128xf32, #tpu.memory_space<vmem>>, vector<1000x128xf32>
    %get3A_2 = arith.constant 0 : index
    %get3A_3 = arith.constant 0 : index
    %get3A_4 = arith.constant 0 : index
    %get3A_5 = vector.load %arg2[%get3A_2, %get3A_3, %get3A_4] : memref<2x1000x128xf32, #tpu.memory_space<vmem>>, vector<1x1000x128xf32>
    %get3A_6 = vector.shape_cast %get3A_5 : vector<1x1000x128xf32> to vector<1000x128xf32>
    %add3A = arith.addf %get3A_1, %get3A_6 : vector<1000x128xf32>
    %get3A_7 = arith.constant 1 : index
    %get3A_8 = arith.constant 0 : index
    %get3A_9 = arith.constant 0 : index
    %get3A_10 = vector.load %arg2[%get3A_7, %get3A_8, %get3A_9] : memref<2x1000x128xf32, #tpu.memory_space<vmem>>, vector<1x1000x128xf32>
    %get3A_11 = vector.shape_cast %get3A_10 : vector<1x1000x128xf32> to vector<1000x128xf32>
    %add3A_12 = arith.addf %add3A, %get3A_11 : vector<1000x128xf32>
    %get3A_13 = arith.constant 0 : index
    %get3A_14 = arith.constant 0 : index
    %get3A_15 = vector.load %arg3[%get3A_13, %get3A_14] : memref<128x128xf32, #tpu.memory_space<vmem>>, vector<128x128xf32>
    %dot_general3A = arith.constant dense<0.000000e+00> : vector<1000x128xf32>
    %dot_general3A_16 = tpu.matmul %add3A_12, %get3A_15, %dot_general3A {dimension_numbers = #tpu.dot_dimension_numbers<[1], [0], [0], [1], [0, 0, 1, 1], [], []>, transpose_lhs_hint = false} : vector<1000x128xf32>, vector<128x128xf32>, vector<1000x128xf32> -> vector<1000x128xf32>
    %get3A_17 = arith.constant 0 : index
    %get3A_18 = arith.constant 0 : index
    %get3A_19 = vector.load %arg4[%get3A_17, %get3A_18] : memref<1x128xf32, #tpu.memory_space<vmem>>, vector<1x128xf32>
    %add3A_20 = vector.broadcast %get3A_19 : vector<1x128xf32> to vector<1000x128xf32>
    %add3A_21 = arith.addf %dot_general3A_16, %add3A_20 : vector<1000x128xf32>
    %max3A = arith.constant 0.000000e+00 : f32
    %max3A_22 = vector.broadcast %max3A : f32 to vector<1000x128xf32>
    %max3A_23 = arith.maximumf %add3A_21, %max3A_22 : vector<1000x128xf32>
    %get3A_24 = arith.constant 0 : index
    %get3A_25 = arith.constant 0 : index
    %get3A_26 = vector.load %arg5[%get3A_24, %get3A_25] : memref<128x128xf32, #tpu.memory_space<vmem>>, vector<128x128xf32>
    %dot_general3A_27 = arith.constant dense<0.000000e+00> : vector<1000x128xf32>
    %dot_general3A_28 = tpu.matmul %max3A_23, %get3A_26, %dot_general3A_27 {dimension_numbers = #tpu.dot_dimension_numbers<[1], [0], [0], [1], [0, 0, 1, 1], [], []>, transpose_lhs_hint = false} : vector<1000x128xf32>, vector<128x128xf32>, vector<1000x128xf32> -> vector<1000x128xf32>
    %get3A_29 = arith.constant 0 : index
    %get3A_30 = arith.constant 0 : index
    %get3A_31 = vector.load %arg6[%get3A_29, %get3A_30] : memref<1x128xf32, #tpu.memory_space<vmem>>, vector<1x128xf32>
    %add3A_32 = vector.broadcast %get3A_31 : vector<1x128xf32> to vector<1000x128xf32>
    %add3A_33 = arith.addf %dot_general3A_28, %add3A_32 : vector<1000x128xf32>
    %max3A_34 = arith.constant 0.000000e+00 : f32
    %max3A_35 = vector.broadcast %max3A_34 : f32 to vector<1000x128xf32>
    %max3A_36 = arith.maximumf %add3A_33, %max3A_35 : vector<1000x128xf32>
    %swap3A = arith.constant 0 : index
    %swap3A_37 = arith.constant 0 : index
    %swap3A_38 = vector.load %arg7[%swap3A, %swap3A_37] : memref<1000x128xf32, #tpu.memory_space<vmem>>, vector<1000x128xf32>
    tpu.vector_store %arg7[%swap3A, %swap3A_37], %max3A_36 {strides = array<i32>} : memref<1000x128xf32, #tpu.memory_space<vmem>>, vector<1000x128xf32>,
    return
  }
  func.func @transform_0(%arg0: i32) -> (i32, i32) {
    %c0_i32 = arith.constant 0 : i32
    %c0_i32_0 = arith.constant 0 : i32
    return %arg0, %c0_i32 : i32, i32
  }
  func.func @transform_1(%arg0: i32) -> (i32, i32, i32) {
    %c0_i32 = arith.constant 0 : i32
    %c0_i32_0 = arith.constant 0 : i32
    %c0_i32_1 = arith.constant 0 : i32
    return %c0_i32, %arg0, %c0_i32_0 : i32, i32, i32
  }
  func.func @transform_2(%arg0: i32) -> (i32, i32) {
    %c0_i32 = arith.constant 0 : i32
    %c0_i32_0 = arith.constant 0 : i32
    %c0_i32_1 = arith.constant 0 : i32
    return %c0_i32, %c0_i32_0 : i32, i32
  }
  func.func @transform_3(%arg0: i32) -> (i32, i32) {
    %c0_i32 = arith.constant 0 : i32
    %c0_i32_0 = arith.constant 0 : i32
    %c0_i32_1 = arith.constant 0 : i32
    return %c0_i32, %c0_i32_0 : i32, i32
  }
  func.func @transform_4(%arg0: i32) -> (i32, i32) {
    %c0_i32 = arith.constant 0 : i32
    %c0_i32_0 = arith.constant 0 : i32
    %c0_i32_1 = arith.constant 0 : i32
    return %c0_i32, %c0_i32_0 : i32, i32
  }
  func.func @transform_5(%arg0: i32) -> (i32, i32) {
    %c0_i32 = arith.constant 0 : i32
    %c0_i32_0 = arith.constant 0 : i32
    %c0_i32_1 = arith.constant 0 : i32
    return %c0_i32, %c0_i32_0 : i32, i32
  }
  func.func @transform_6(%arg0: i32) -> (i32, i32) {
    %c0_i32 = arith.constant 0 : i32
    %c0_i32_0 = arith.constant 0 : i32
    return %arg0, %c0_i32 : i32, i32
  }
}

module attributes {stable_mosaic.version = 14 : i64} {
  func.func @_tc_final_body(%arg0: i32, %arg1: memref<1000x128xf32, #tpu.memory_space<vmem>>, %arg2: memref<2x1000x128xf32, #tpu.memory_space<vmem>>, %arg3: memref<128x128xf32, #tpu.memory_space<vmem>>, %arg4: memref<1x128xf32, #tpu.memory_space<vmem>>, %arg5: memref<128x128xf32, #tpu.memory_space<vmem>>, %arg6: memref<1x128xf32, #tpu.memory_space<vmem>>, %arg7: memref<1x1x1000xi32, #tpu.memory_space<vmem>>, %arg8: memref<128x128xf32, #tpu.memory_space<vmem>>, %arg9: memref<1x128xf32, #tpu.memory_space<vmem>>, %arg10: memref<128x128xf32, #tpu.memory_space<vmem>>, %arg11: memref<1x128xf32, #tpu.memory_space<vmem>>, %arg12: memref<64x128xf32, #tpu.memory_space<vmem>>, %arg13: memref<64x128xf32, #tpu.memory_space<vmem>>, %arg14: memref<64x128xf32, #tpu.memory_space<vmem>>) attributes {dimension_semantics = [#tpu.dimension_semantics<arbitrary>], iteration_bounds = array<i64: 10>, scalar_prefetch = 0 : i64, scratch_operands = 2 : i64, tpu.core_type = #tpu.core_type<tc>, window_params = [{transform_indices = @transform_0, window_bounds = array<i64: 1000, 128>}, {transform_indices = @transform_1, window_bounds = array<i64: 2, 1000, 128>}, {pipeline_mode = #tpu.pipeline_mode<synchronous>, transform_indices = @transform_2, window_bounds = array<i64: 128, 128>}, {pipeline_mode = #tpu.pipeline_mode<synchronous>, transform_indices = @transform_3, window_bounds = array<i64: 1, 128>}, {pipeline_mode = #tpu.pipeline_mode<synchronous>, transform_indices = @transform_4, window_bounds = array<i64: 128, 128>}, {pipeline_mode = #tpu.pipeline_mode<synchronous>, transform_indices = @transform_5, window_bounds = array<i64: 1, 128>}, {transform_indices = @transform_6, window_bounds = array<i64: 1, 1, 1000>}, {pipeline_mode = #tpu.pipeline_mode<synchronous>, transform_indices = @transform_7, window_bounds = array<i64: 128, 128>}, {pipeline_mode = #tpu.pipeline_mode<synchronous>, transform_indices = @transform_8, window_bounds = array<i64: 1, 128>}, {pipeline_mode = #tpu.pipeline_mode<synchronous>, transform_indices = @transform_9, window_bounds = array<i64: 128, 128>}, {pipeline_mode = #tpu.pipeline_mode<synchronous>, transform_indices = @transform_10, window_bounds = array<i64: 1, 128>}, {pipeline_mode = #tpu.pipeline_mode<synchronous>, transform_indices = @transform_11, window_bounds = array<i64: 64, 128>}]} {
    %get3A = arith.constant 0 : index
    %get3A_0 = arith.constant 0 : index
    %get3A_1 = vector.load %arg1[%get3A, %get3A_0] : memref<1000x128xf32, #tpu.memory_space<vmem>>, vector<1000x128xf32>
    %get3A_2 = arith.constant 0 : index
    %get3A_3 = arith.constant 0 : index
    %get3A_4 = arith.constant 0 : index
    %get3A_5 = vector.load %arg2[%get3A_2, %get3A_3, %get3A_4] : memref<2x1000x128xf32, #tpu.memory_space<vmem>>, vector<1x1000x128xf32>
    %get3A_6 = vector.shape_cast %get3A_5 : vector<1x1000x128xf32> to vector<1000x128xf32>
    %add3A = arith.addf %get3A_1, %get3A_6 : vector<1000x128xf32>
    %get3A_7 = arith.constant 1 : index
    %get3A_8 = arith.constant 0 : index
    %get3A_9 = arith.constant 0 : index
    %get3A_10 = vector.load %arg2[%get3A_7, %get3A_8, %get3A_9] : memref<2x1000x128xf32, #tpu.memory_space<vmem>>, vector<1x1000x128xf32>
    %get3A_11 = vector.shape_cast %get3A_10 : vector<1x1000x128xf32> to vector<1000x128xf32>
    %add3A_12 = arith.addf %add3A, %get3A_11 : vector<1000x128xf32>
    %get3A_13 = arith.constant 0 : index
    %get3A_14 = arith.constant 0 : index
    %get3A_15 = vector.load %arg3[%get3A_13, %get3A_14] : memref<128x128xf32, #tpu.memory_space<vmem>>, vector<128x128xf32>
    %dot_general3A = arith.constant dense<0.000000e+00> : vector<1000x128xf32>
    %dot_general3A_16 = tpu.matmul %add3A_12, %get3A_15, %dot_general3A {dimension_numbers = #tpu.dot_dimension_numbers<[1], [0], [0], [1], [0, 0, 1, 1], [], []>, transpose_lhs_hint = false} : vector<1000x128xf32>, vector<128x128xf32>, vector<1000x128xf32> -> vector<1000x128xf32>
    %get3A_17 = arith.constant 0 : index
    %get3A_18 = arith.constant 0 : index
    %get3A_19 = vector.load %arg4[%get3A_17, %get3A_18] : memref<1x128xf32, #tpu.memory_space<vmem>>, vector<1x128xf32>
    %add3A_20 = vector.broadcast %get3A_19 : vector<1x128xf32> to vector<1000x128xf32>
    %add3A_21 = arith.addf %dot_general3A_16, %add3A_20 : vector<1000x128xf32>
    %max3A = arith.constant 0.000000e+00 : f32
    %max3A_22 = vector.broadcast %max3A : f32 to vector<1000x128xf32>
    %max3A_23 = arith.maximumf %add3A_21, %max3A_22 : vector<1000x128xf32>
    %get3A_24 = arith.constant 0 : index
    %get3A_25 = arith.constant 0 : index
    %get3A_26 = vector.load %arg5[%get3A_24, %get3A_25] : memref<128x128xf32, #tpu.memory_space<vmem>>, vector<128x128xf32>
    %dot_general3A_27 = arith.constant dense<0.000000e+00> : vector<1000x128xf32>
    %dot_general3A_28 = tpu.matmul %max3A_23, %get3A_26, %dot_general3A_27 {dimension_numbers = #tpu.dot_dimension_numbers<[1], [0], [0], [1], [0, 0, 1, 1], [], []>, transpose_lhs_hint = false} : vector<1000x128xf32>, vector<128x128xf32>, vector<1000x128xf32> -> vector<1000x128xf32>
    %get3A_29 = arith.constant 0 : index
    %get3A_30 = arith.constant 0 : index
    %get3A_31 = vector.load %arg6[%get3A_29, %get3A_30] : memref<1x128xf32, #tpu.memory_space<vmem>>, vector<1x128xf32>
    %add3A_32 = vector.broadcast %get3A_31 : vector<1x128xf32> to vector<1000x128xf32>
    %add3A_33 = arith.addf %dot_general3A_28, %add3A_32 : vector<1000x128xf32>
    %max3A_34 = arith.constant 0.000000e+00 : f32
    %max3A_35 = vector.broadcast %max3A_34 : f32 to vector<1000x128xf32>
    %max3A_36 = arith.maximumf %add3A_33, %max3A_35 : vector<1000x128xf32>
    %iota3A = tpu.iota {dimensions = array<i32: 0>} : vector<64x1000xi32>
    %get3A_37 = arith.constant 0 : index
    %get3A_38 = arith.constant 0 : index
    %get3A_39 = arith.constant 0 : index
    %get3A_40 = vector.load %arg7[%get3A_37, %get3A_38, %get3A_39] : memref<1x1x1000xi32, #tpu.memory_space<vmem>>, vector<1x1x1000xi32>
    %get3A_41 = vector.shape_cast %get3A_40 : vector<1x1x1000xi32> to vector<1x1000xi32>
    %broadcast_in_dim3A = vector.shape_cast %get3A_41 : vector<1x1000xi32> to vector<1x1000xi32>
    %broadcast_in_dim3A_42 = vector.broadcast %broadcast_in_dim3A : vector<1x1000xi32> to vector<64x1000xi32>
    %eq3A = arith.cmpi eq, %iota3A, %broadcast_in_dim3A_42 : vector<64x1000xi32>
    %convert_element_type3A = arith.extui %eq3A : vector<64x1000xi1> to vector<64x1000xi32>
    %convert_element_type3A_43 = arith.sitofp %convert_element_type3A : vector<64x1000xi32> to vector<64x1000xf32>
    %eq3A_44 = arith.constant 0 : i32
    %eq3A_45 = arith.cmpi eq, %arg0, %eq3A_44 : i32
    %convert_element_type3A_46 = arith.extui %eq3A_45 : i1 to i32
    %cond3A = arith.constant 0 : i32
    %cond3A_47 = arith.cmpi ne, %convert_element_type3A_46, %cond3A : i32
    scf.if %cond3A_47 {
      %broadcast_in_dim3A_72 = arith.constant 0.000000e+00 : f32
      %broadcast_in_dim3A_73 = vector.broadcast %broadcast_in_dim3A_72 : f32 to vector<64x128xf32>
      %swap3A_74 = arith.constant 0 : index
      %swap3A_75 = arith.constant 0 : index
      %swap3A_76 = vector.load %arg13[%swap3A_74, %swap3A_75] : memref<64x128xf32, #tpu.memory_space<vmem>>, vector<64x128xf32>
      tpu.vector_store %arg13[%swap3A_74, %swap3A_75], %broadcast_in_dim3A_73 {strides = array<i32>} : memref<64x128xf32, #tpu.memory_space<vmem>>, vector<64x128xf32>,
      %broadcast_in_dim3A_77 = arith.constant 0.000000e+00 : f32
      %broadcast_in_dim3A_78 = vector.broadcast %broadcast_in_dim3A_77 : f32 to vector<64x128xf32>
      %swap3A_79 = arith.constant 0 : index
      %swap3A_80 = arith.constant 0 : index
      %swap3A_81 = vector.load %arg14[%swap3A_79, %swap3A_80] : memref<64x128xf32, #tpu.memory_space<vmem>>, vector<64x128xf32>
      tpu.vector_store %arg14[%swap3A_79, %swap3A_80], %broadcast_in_dim3A_78 {strides = array<i32>} : memref<64x128xf32, #tpu.memory_space<vmem>>, vector<64x128xf32>,
    } else {
    }
    %get3A_48 = arith.constant 0 : index
    %get3A_49 = arith.constant 0 : index
    %get3A_50 = vector.load %arg13[%get3A_48, %get3A_49] : memref<64x128xf32, #tpu.memory_space<vmem>>, vector<64x128xf32>
    %dot_general3A_51 = arith.constant dense<0.000000e+00> : vector<64x128xf32>
    %dot_general3A_52 = tpu.matmul %convert_element_type3A_43, %max3A_36, %dot_general3A_51 {dimension_numbers = #tpu.dot_dimension_numbers<[1], [0], [0], [1], [0, 0, 1, 1], [], []>, transpose_lhs_hint = false} : vector<64x1000xf32>, vector<1000x128xf32>, vector<64x128xf32> -> vector<64x128xf32>
    %add3A_53 = arith.addf %get3A_50, %dot_general3A_52 : vector<64x128xf32>
    %swap3A = arith.constant 0 : index
    %swap3A_54 = arith.constant 0 : index
    %swap3A_55 = vector.load %arg13[%swap3A, %swap3A_54] : memref<64x128xf32, #tpu.memory_space<vmem>>, vector<64x128xf32>
    tpu.vector_store %arg13[%swap3A, %swap3A_54], %add3A_53 {strides = array<i32>} : memref<64x128xf32, #tpu.memory_space<vmem>>, vector<64x128xf32>,
    %get3A_56 = arith.constant 0 : index
    %get3A_57 = arith.constant 0 : index
    %get3A_58 = vector.load %arg14[%get3A_56, %get3A_57] : memref<64x128xf32, #tpu.memory_space<vmem>>, vector<64x128xf32>
    %reduce_sum3A = arith.constant dense<0.000000e+00> : vector<64xf32>
    %reduce_sum3A_59 = vector.multi_reduction <add>, %convert_element_type3A_43, %reduce_sum3A [1] : vector<64x1000xf32> to vector<64xf32>
    %broadcast_in_dim3A_60 = vector.shape_cast %reduce_sum3A_59 : vector<64xf32> to vector<64x1xf32>
    %broadcast_in_dim3A_61 = vector.shape_cast %broadcast_in_dim3A_60 : vector<64x1xf32> to vector<64x1xf32>
    %broadcast_in_dim3A_62 = vector.broadcast %broadcast_in_dim3A_61 : vector<64x1xf32> to vector<64x128xf32>
    %add3A_63 = arith.addf %get3A_58, %broadcast_in_dim3A_62 : vector<64x128xf32>
    %swap3A_64 = arith.constant 0 : index
    %swap3A_65 = arith.constant 0 : index
    %swap3A_66 = vector.load %arg14[%swap3A_64, %swap3A_65] : memref<64x128xf32, #tpu.memory_space<vmem>>, vector<64x128xf32>
    tpu.vector_store %arg14[%swap3A_64, %swap3A_65], %add3A_63 {strides = array<i32>} : memref<64x128xf32, #tpu.memory_space<vmem>>, vector<64x128xf32>,
    %eq3A_67 = arith.constant 9 : i32
    %eq3A_68 = arith.cmpi eq, %arg0, %eq3A_67 : i32
    %convert_element_type3A_69 = arith.extui %eq3A_68 : i1 to i32
    %cond3A_70 = arith.constant 0 : i32
    %cond3A_71 = arith.cmpi ne, %convert_element_type3A_69, %cond3A_70 : i32
    scf.if %cond3A_71 {
      %get3A_72 = arith.constant 0 : index
      %get3A_73 = arith.constant 0 : index
      %get3A_74 = vector.load %arg13[%get3A_72, %get3A_73] : memref<64x128xf32, #tpu.memory_space<vmem>>, vector<64x128xf32>
      %get3A_75 = arith.constant 0 : index
      %get3A_76 = arith.constant 0 : index
      %get3A_77 = vector.load %arg14[%get3A_75, %get3A_76] : memref<64x128xf32, #tpu.memory_space<vmem>>, vector<64x128xf32>
      %max3A_78 = arith.constant 1.000000e+00 : f32
      %max3A_79 = vector.broadcast %max3A_78 : f32 to vector<64x128xf32>
      %max3A_80 = arith.maximumf %get3A_77, %max3A_79 : vector<64x128xf32>
      %div3A = arith.divf %get3A_74, %max3A_80 : vector<64x128xf32>
      %get3A_81 = arith.constant 0 : index
      %get3A_82 = arith.constant 0 : index
      %get3A_83 = vector.load %arg8[%get3A_81, %get3A_82] : memref<128x128xf32, #tpu.memory_space<vmem>>, vector<128x128xf32>
      %dot_general3A_84 = arith.constant dense<0.000000e+00> : vector<64x128xf32>
      %dot_general3A_85 = tpu.matmul %div3A, %get3A_83, %dot_general3A_84 {dimension_numbers = #tpu.dot_dimension_numbers<[1], [0], [0], [1], [0, 0, 1, 1], [], []>, transpose_lhs_hint = false} : vector<64x128xf32>, vector<128x128xf32>, vector<64x128xf32> -> vector<64x128xf32>
      %get3A_86 = arith.constant 0 : index
      %get3A_87 = arith.constant 0 : index
      %get3A_88 = vector.load %arg9[%get3A_86, %get3A_87] : memref<1x128xf32, #tpu.memory_space<vmem>>, vector<1x128xf32>
      %add3A_89 = vector.broadcast %get3A_88 : vector<1x128xf32> to vector<64x128xf32>
      %add3A_90 = arith.addf %dot_general3A_85, %add3A_89 : vector<64x128xf32>
      %max3A_91 = arith.constant 0.000000e+00 : f32
      %max3A_92 = vector.broadcast %max3A_91 : f32 to vector<64x128xf32>
      %max3A_93 = arith.maximumf %add3A_90, %max3A_92 : vector<64x128xf32>
      %get3A_94 = arith.constant 0 : index
      %get3A_95 = arith.constant 0 : index
      %get3A_96 = vector.load %arg10[%get3A_94, %get3A_95] : memref<128x128xf32, #tpu.memory_space<vmem>>, vector<128x128xf32>
      %dot_general3A_97 = arith.constant dense<0.000000e+00> : vector<64x128xf32>
      %dot_general3A_98 = tpu.matmul %max3A_93, %get3A_96, %dot_general3A_97 {dimension_numbers = #tpu.dot_dimension_numbers<[1], [0], [0], [1], [0, 0, 1, 1], [], []>, transpose_lhs_hint = false} : vector<64x128xf32>, vector<128x128xf32>, vector<64x128xf32> -> vector<64x128xf32>
      %get3A_99 = arith.constant 0 : index
      %get3A_100 = arith.constant 0 : index
      %get3A_101 = vector.load %arg11[%get3A_99, %get3A_100] : memref<1x128xf32, #tpu.memory_space<vmem>>, vector<1x128xf32>
      %add3A_102 = vector.broadcast %get3A_101 : vector<1x128xf32> to vector<64x128xf32>
      %add3A_103 = arith.addf %dot_general3A_98, %add3A_102 : vector<64x128xf32>
      %swap3A_104 = arith.constant 0 : index
      %swap3A_105 = arith.constant 0 : index
      %swap3A_106 = vector.load %arg12[%swap3A_104, %swap3A_105] : memref<64x128xf32, #tpu.memory_space<vmem>>, vector<64x128xf32>
      tpu.vector_store %arg12[%swap3A_104, %swap3A_105], %add3A_103 {strides = array<i32>} : memref<64x128xf32, #tpu.memory_space<vmem>>, vector<64x128xf32>,
    } else {
    }
    return
  }
  func.func @transform_0(%arg0: i32) -> (i32, i32) {
    %c0_i32 = arith.constant 0 : i32
    %c0_i32_0 = arith.constant 0 : i32
    return %arg0, %c0_i32 : i32, i32
  }
  func.func @transform_1(%arg0: i32) -> (i32, i32, i32) {
    %c0_i32 = arith.constant 0 : i32
    %c0_i32_0 = arith.constant 0 : i32
    %c0_i32_1 = arith.constant 0 : i32
    return %c0_i32, %arg0, %c0_i32_0 : i32, i32, i32
  }
  func.func @transform_2(%arg0: i32) -> (i32, i32) {
    %c0_i32 = arith.constant 0 : i32
    %c0_i32_0 = arith.constant 0 : i32
    %c0_i32_1 = arith.constant 0 : i32
    return %c0_i32, %c0_i32_0 : i32, i32
  }
  func.func @transform_3(%arg0: i32) -> (i32, i32) {
    %c0_i32 = arith.constant 0 : i32
    %c0_i32_0 = arith.constant 0 : i32
    %c0_i32_1 = arith.constant 0 : i32
    return %c0_i32, %c0_i32_0 : i32, i32
  }
  func.func @transform_4(%arg0: i32) -> (i32, i32) {
    %c0_i32 = arith.constant 0 : i32
    %c0_i32_0 = arith.constant 0 : i32
    %c0_i32_1 = arith.constant 0 : i32
    return %c0_i32, %c0_i32_0 : i32, i32
  }
  func.func @transform_5(%arg0: i32) -> (i32, i32) {
    %c0_i32 = arith.constant 0 : i32
    %c0_i32_0 = arith.constant 0 : i32
    %c0_i32_1 = arith.constant 0 : i32
    return %c0_i32, %c0_i32_0 : i32, i32
  }
  func.func @transform_6(%arg0: i32) -> (i32, i32, i32) {
    %c0_i32 = arith.constant 0 : i32
    %c0_i32_0 = arith.constant 0 : i32
    %c0_i32_1 = arith.constant 0 : i32
    return %arg0, %c0_i32, %c0_i32_0 : i32, i32, i32
  }
  func.func @transform_7(%arg0: i32) -> (i32, i32) {
    %c0_i32 = arith.constant 0 : i32
    %c0_i32_0 = arith.constant 0 : i32
    %c0_i32_1 = arith.constant 0 : i32
    return %c0_i32, %c0_i32_0 : i32, i32
  }
  func.func @transform_8(%arg0: i32) -> (i32, i32) {
    %c0_i32 = arith.constant 0 : i32
    %c0_i32_0 = arith.constant 0 : i32
    %c0_i32_1 = arith.constant 0 : i32
    return %c0_i32, %c0_i32_0 : i32, i32
  }
  func.func @transform_9(%arg0: i32) -> (i32, i32) {
    %c0_i32 = arith.constant 0 : i32
    %c0_i32_0 = arith.constant 0 : i32
    %c0_i32_1 = arith.constant 0 : i32
    return %c0_i32, %c0_i32_0 : i32, i32
  }
  func.func @transform_10(%arg0: i32) -> (i32, i32) {
    %c0_i32 = arith.constant 0 : i32
    %c0_i32_0 = arith.constant 0 : i32
    %c0_i32_1 = arith.constant 0 : i32
    return %c0_i32, %c0_i32_0 : i32, i32
  }
  func.func @transform_11(%arg0: i32) -> (i32, i32) {
    %c0_i32 = arith.constant 0 : i32
    %c0_i32_0 = arith.constant 0 : i32
    %c0_i32_1 = arith.constant 0 : i32
    return %c0_i32, %c0_i32_0 : i32, i32
  }
}

</mosaic_0001>

<sc_bundles>
// kernel: kernel.10.cloned.1.call-start
scs
__scs_entry_jumppad:
0x0: {  	(pc) =	sbr.rel $0x88, $3  }
0x1: {  	(tag) =	ssettag $0x0;
	lr =	simm.s32 $0x1  }
0x2: {  	[smem:$0x3F90] =	sst lr;
	_ =	strace $0xD0000000  }
0x3: {  	_ = 	snop  }
0x4: {  	_ = 	snop  }
0x5: {  	_ = 	snop  }
0x6: {  	_ = 	snop  }
0x7: {  	_ = 	snop  }
__scs_overlays_trampoline_lowered:
0x8: {  	[smem:$0x3F9F] =	sst s0  }
0x9: {  	[smem:$0x3FA0] =	sst s1  }
0xa: {  	[smem:$0x3FA1] =	sst s2  }
0xb: {  	[smem:$0x3FA2] =	sst s3  }
0xc: {  	[smem:$0x3FA3] =	sst s4  }
0xd: {  	[smem:$0x3FA4] =	sst s5  }
0xe: {  	[smem:$0x3FA5] =	sst s6  }
0xf: {  	[smem:$0x3FA6] =	sst s7  }
0x10: {  	[smem:$0x3FA7] =	sst s8  }
0x11: {  	[smem:$0x3FA8] =	sst s9;
	s0 =	simm.s32 @!p0 $0x0  }
0x12: {  	s1 =	sld [smem:$0x3F8E];
	s0 =	simm.s32 @p0 $0x1  }
0x13: {  	[smem:$0x3FA9] =	sst s0;
	s0 =	simm.s32 @!p1 $0x0  }
0x14: {  	s2 =	sld [smem:$0x3F8D];
	s0 =	simm.s32 @p1 $0x1  }
0x15: {  	[smem:$0x3FAA] =	sst s0;
	s0 =	simm.s32 @!p2 $0x0  }
0x16: {  	s3 =	sld [smem:$0x3FDB];
	s0 =	simm.s32 @p2 $0x1  }
0x17: {  	s4 =	simm.s32 $0x1BF5;
	[smem:$0x3FAC] =	sst s0  }
0x18: {  	s0 =	sld [smem:$0x3F8F];
	_ =	swait.ge [sflag:s4], $0x0  }
0x19: {  	s7 =	sld [smem:$0x3F90]  }
0x1a: {  	s8 =	sadd.s32 $0xFFFFE003, lr  }
0x1b: {  	s9 =	sadd.s32 $0xFFFFFEF7, lr;
	s5 =	simm.s32 $0xFFFFFFFF;
	p2 =	slt.u32 s8, $0xFFFFF086  }
0x1c: {  	p1 =	slt.u32 s9, $0xF7A;
	s5 =	simm.s32 @!p2 $0x0  }
0x1d: {  	s5 =	simm.s32 @p1 $0x1;
	p0 =	seq.s32 s7, s2  }
0x1e: {  	s7 =	smul.u32 @!p0 $0xF7A, s2;
	p2 =	seq.s32 @!p0 s5, $0x0  }
0x1f: {  	s9 =	smul.u32 $0xF7A, s1;
	s8 =	simm.s32 @!p0 $0x1BF5;
	p2 =	por !p2, p0  }
0x20: {  	[sflag:s8] =	ssyncset.s32 @!p0 $0xFFFFF086;
	s6 =	sadd.s32 @!p0 s3, s7;
	s7 =	simm.s32 @!p0 $0x108  }
0x21: {  	s3 =	sadd.s32 s3, s9;
	s6 =	sadd.s32 @!p0 $0x88, s6;
	s7 =	simm.s32 @p2 $0x1082  }
0x22: {  	[simem:s7], [sflag:s8] =	dma.local @!p0 [hbm:s6], $0xF7A  }
0x23: {  	s9 =	sor.u32 $0xD0000000, s2;
	s6 =	simm.s32 $0x108;
	_ =	swait.ge @!p0 [sflag:s8], $0x0  }
0x24: {  	s3 =	sadd.s32 $0x88, s3;
	s6 =	simm.s32 @!p1 $0x1082;
	[sflag:s4] =	ssyncset.s32 $0xFFFFF086  }
0x25: {  	[simem:s6], [sflag:s4] =	dma.local [hbm:s3], $0xF7A  }
0x26: {  	[smem:$0x3F90] =	sst s1;
	(tag) =	ssettag s2;
	_ =	strace s9  }
0x27: {  	s1 =	sld [smem:$0x3FA0]  }
0x28: {  	s2 =	sld [smem:$0x3FA1]  }
0x29: {  	s4 =	sld [smem:$0x3FA3]  }
0x2a: {  	p0 =	seq.s32 s5, $0x0;
	s5 =	sld [smem:$0x3FA4]  }
0x2b: {  	s6 =	sld [smem:$0x3FA5]  }
0x2c: {  	s7 =	sld [smem:$0x3FA6]  }
0x2d: {  	s3 =	simm.s32 $0x108;
	s8 =	sld [smem:$0x3FA7]  }
0x2e: {  	s3 =	simm.s32 @!p0 $0x1082;
	s9 =	sld [smem:$0x3FA8]  }
0x2f: {  	lr =	sadd.s32 s0, s3;
	s0 =	sld [smem:$0x3F9F]  }
0x30: {  	s3 =	sld [smem:$0x3FA2]  }
0x31: {  	[smem:$0x3FAB] =	sst s10  }
0x32: {  	s10 =	sld [smem:$0x3FA9];
	_ =	sdelay $0x3  }
0x33: {  	p0 =	seq.s32 s10, $0x1;
	s10 =	sld [smem:$0x3FAB];
	_ =	sdelay $0x3  }
0x34: {  	[smem:$0x3FAB] =	sst s10  }
0x35: {  	s10 =	sld [smem:$0x3FAA];
	_ =	sdelay $0x3  }
0x36: {  	p1 =	seq.s32 s10, $0x1;
	s10 =	sld [smem:$0x3FAB];
	_ =	sdelay $0x3  }
0x37: {  	[smem:$0x3FAB] =	sst s10  }
0x38: {  	s10 =	sld [smem:$0x3FAC]  }
0x39: {  	_ = 	snop;
	(pc) =	sbr.ind lr, $3  }
0x3a: {  	_ = 	snop  }
0x3b: {  	_ = 	snop  }
0x3c: {  	p2 =	seq.s32 s10, $0x1;
	s10 =	sld [smem:$0x3FAB]  }
0x3d: {  	_ =	shalt  }
0x3e: {  	_ =	shalt  }
0x3f: {  	_ =	shalt  }
0x40: {  	_ =	shalt  }
0x41: {  	_ =	shalt  }
0x42: {  	_ =	shalt  }
0x43: {  	_ =	shalt  }
0x44: {  	_ =	shalt  }
0x45: {  	_ =	shalt  }
0x46: {  	_ =	shalt  }
0x47: {  	_ =	shalt  }
0x48: {  	_ =	shalt  }
0x49: {  	_ =	shalt  }
0x4a: {  	_ =	shalt  }
0x4b: {  	_ =	shalt  }
0x4c: {  	_ =	shalt  }
0x4d: {  	_ =	shalt  }
0x4e: {  	_ =	shalt  }
0x4f: {  	_ =	shalt  }
0x50: {  	_ =	shalt  }
0x51: {  	_ =	shalt  }
0x52: {  	_ =	shalt  }
0x53: {  	_ =	shalt  }
0x54: {  	_ =	shalt  }
0x55: {  	_ =	shalt  }
0x56: {  	_ =	shalt  }
0x57: {  	_ =	shalt  }
0x58: {  	_ =	shalt  }
0x59: {  	_ =	shalt  }
0x5a: {  	_ =	shalt  }
0x5b: {  	_ =	shalt  }
0x5c: {  	_ =	shalt  }
0x5d: {  	_ =	shalt  }
0x5e: {  	_ =	shalt  }
0x5f: {  	_ =	shalt  }
0x60: {  	_ =	shalt  }
0x61: {  	_ =	shalt  }
0x62: {  	_ =	shalt  }
0x63: {  	_ =	shalt  }
0x64: {  	_ =	shalt  }
0x65: {  	_ =	shalt  }
0x66: {  	_ =	shalt  }
0x67: {  	_ =	shalt  }
0x68: {  	_ =	shalt  }
0x69: {  	_ =	shalt  }
0x6a: {  	_ =	shalt  }
0x6b: {  	_ =	shalt  }
0x6c: {  	_ =	shalt  }
0x6d: {  	_ =	shalt  }
0x6e: {  	_ =	shalt  }
0x6f: {  	_ =	shalt  }
0x70: {  	_ =	shalt  }
0x71: {  	_ =	shalt  }
0x72: {  	_ =	shalt  }
0x73: {  	_ =	shalt  }
0x74: {  	_ =	shalt  }
0x75: {  	_ =	shalt  }
0x76: {  	_ =	shalt  }
0x77: {  	_ =	shalt  }
0x78: {  	_ =	shalt  }
0x79: {  	_ =	shalt  }
0x7a: {  	_ =	shalt  }
0x7b: {  	_ =	shalt  }
0x7c: {  	_ =	shalt  }
0x7d: {  	_ =	shalt  }
0x7e: {  	_ =	shalt  }
0x7f: {  	_ =	shalt  }
0x80: {  	_ =	shalt  }
0x81: {  	_ =	shalt  }
0x82: {  	_ =	shalt  }
0x83: {  	_ =	shalt  }
0x84: {  	_ =	shalt  }
0x85: {  	_ =	shalt  }
0x86: {  	_ =	shalt  }
0x87: {  	_ =	shalt  }
.Lfunc_end0:
.L_simem_size_0:
called_computation_lowered:
.L_overlay_start_0:
0x88: {  	s2 =	sld [smem:$0x3FD9]  }
0x89: {  	s3 =	sld [smem:$0x3FFE];
	_ =	sdelay $0x1  }
0x8a: {  	s1 =	srdreg.scid  }
0x8b: {  	s0 =	sand.u32 $0x1, s1  }
0x8c: {  	s16 =	sshll.u32 s0, $0xA;
	s2 =	sadd.s32 s3, s2  }
0x8d: {  	s2 =	sadd.s32 s2, s16  }
0x8e: {  	[smem:$0x3FB7] =	sst s2  }
0x8f: {  	_ = 	snop  }
0x90: {  	(tm) =	ssettm $0x1  }
0x91: {  	s17 =	sld [smem:$0x3FFB];
	_ =	sdelay $0x3  }
0x92: {  	_ =	strace s17  }
0x93: {  	s2 =	sld [smem:$0x3FFC];
	_ =	sdelay $0x3  }
0x94: {  	_ =	strace s2  }
0x95: {  	s2 =	sld [smem:$0x3FFD];
	_ =	sdelay $0x3  }
0x96: {  	_ =	strace s2  }
0x97: {  	_ =	strace $0x8FFFFFFF  }
0x98: {  	s18 =	sld [smem:$0x3FDB];
	_ =	sdelay $0x1  }
0x99: {  	s19 =	simm.s32 $_scs_section_size  }
0x9a: {  	s4 =	simm.s32 $_size__tile_overlayer_lowered;
	s5 =	simm.s32 $_tile_overlayer_lowered  }
0x9b: {  	s22 =	simm.s32 $0x1BFF;
	s21 =	sshll.u32 s5, $0x1;
	s2 =	sadd.s32 s19, s18  }
0x9c: {  	s6 =	simm.s32 $0x0;
	s20 =	sshll.u32 s4, $0x1;
	s4 =	sadd.s32 s21, s2  }
0x9d: {  	[timem:s6], [sflag:s22] =	dma.local [hbm:s4], s20  }
0x9e: {  	_ =	swait.ge [sflag:s22], s20  }
0x9f: {  	s3 =	ssub.s32 $0x0, s20;
	[sflag:s22] =	ssyncset.done $0x0  }
0xa0: {  	[sflag:s22] =	ssyncadd.s32 s3;
	_ =	sdelay $0x1  }
0xa1: {  	s23 =	simm.s32 $0x1B8B  }
0xa2: {  	_ =	swait.ge [sflag:s23], $0x1  }
0xa3: {  	[sflag:s23] =	ssyncset.done $0x0  }
0xa4: {  	s25 =	simm.s32 $0x1B8E;
	s24 =	sld [smem:$0x3FFE];
	[sflag:s23] =	ssyncadd.s32 $0xFFFFFFFF  }
0xa5: {  	s26 =	simm.s32 $execute0_lowered;
	[smem:$0x3FD2] =	sst s25  }
0xa6: {  	s4 =	sshll.u32 s26, $0x1;
	_ =	strace $0x80000046;
	[dreg:$0x1] =	wrdreg $0xFFFFFFFF  }
0xa7: {  	s28 =	simm.s32 $_size_execute0_lowered;
	s2 =	sadd.s32 s2, s4;
	[dreg:$0x0] =	wrdreg $0x0  }
0xa8: {  	s4 =	sshll.u32 s28, $0x1;
	[dreg:$0x2] =	wrdreg s2  }
0xa9: {  	[dreg:$0x3] =	wrdreg s4  }
0xaa: {  	[dreg:$0x4] =	wrdreg $0xC0  }
0xab: {  	_ =	task [dreg:s6], $0x5FFFF  }
0xac: {  	[dreg:$0x1] =	wrdreg $0xFFFFFFFF  }
0xad: {  	[dreg:$0x0] =	wrdreg $0x60  }
0xae: {  	[dreg:$0x2] =	wrdreg s24  }
0xaf: {  	[dreg:$0x3] =	wrdreg $0x38800  }
0xb0: {  	[dreg:$0x4] =	wrdreg $0x9  }
0xb1: {  	_ =	task.clear_ibuf [dreg:s6], $0x5FFFF;
	_ =	strace $0x90000046  }
0xb2: {  	s29 =	simm.s32 $0x9;
	_ =	strace $0x80000048  }
0xb3: {  	_ =	swait.ge [sflag:s29], $0x1  }
0xb4: {  	[sflag:s29] =	ssyncadd.s32 $0xFFFFFFFF  }
0xb5: {  	_ =	strace $0x90000048  }
0xb6: {  	_ =	sfence  }
0xb7: {  	s30 =	sld [smem:$0x0];
	_ =	sdelay $0x2  }
0xb8: {  	s31 =	sshll.u32 s1, $0xD;
	s1 =	sshrl.u32 s1, $0x2  }
0xb9: {  	s3 =	sand.u32 $0x4000, s31;
	s1 =	sadd.s32 s1, s30  }
0xba: {  	s0 =	sor.u32 s3, s0;
	s1 =	sshll.u32 s1, $0x11  }
0xbb: {  	s0 =	sor.u32 s1, s0  }
0xbc: {  	s0 =	sadd.s32 $0x8F2B, s0  }
0xbd: {  	[sflag:s0] =	ssyncadd.remote.s32 $0x1  }
0xbe: {  	_ =	sfence.sel $0xFFFF  }
0xbf: {  	[dreg:$0x0] =	wrdreg $0xFFFFFFFF;
	(pc) =	sbr.abs _section_cstart, $3  }
0xc0: {  	[dreg:$0x1] =	wrdreg $0xFFFFFFFF  }
0xc1: {  	_ =	task.clear_ibuf [dreg:s6], $0x2FFFF;
	_ =	strace $0x9FFFFFFF  }
0xc2: {  	(tm) =	ssettm $0x7FFFFFFF  }
0xc3: {  	_ =	shalt  }
tec
execute0_lowered:
.L_overlay_start_1:
0x0: {  	(tag) =	ssettag $0x1  }
0x1: {  	s4 =	rddreg [dreg:$0x0]  }
0x2: {  	s1 =	rddreg [dreg:$0x1]  }
0x3: {  	s0 =	rddreg [dreg:$0x2];
	s7 =	stileid.u32  }
0x4: {  	s2 =	simm.s32 $0x0;
	s6 =	srdreg.scid;
	s3 =	smul.u32 $0x700, s7  }
0x5: {  	[smem:$0x7FF] =	sst s2;
	s5 =	smul.u32 $0x300, s7  }
0x6: {  	s9 =	sand.u32 $0x1, s6;
	p0 =	sne.s32 s7, $0x0;
	_ =	strace $0x80000047  }
0x7: {  	s8 =	ssub.s32 $0x2, s9;
	s10 =	sshll.u32 s9, $0x4;
	p1 =	sne.s32 s9, $0x0  }
.Ltmp0:
0x8: {  	s9 =	simm.s32 $0x1;
	s31 =	sadd.s32 s3, s4;
	(pc) =	sbr.rel .LBB2_1-.Ltmp0, $4  }
0x9: {  	s5 =	sadd.s32 s5, s4;
	s3 =	sadd.s32 $0x10200, s4;
	s11 =	sshrl.u32 s8, $0x1  }
0xa: {  	s10 =	sadd.s32 s10, s4;
	s8 =	ssub.s32 s8, s11;
	s4 =	sadd.s32 $0xD200, s5  }
0xb: {  	s5 =	sadd.s32 $0x3200, s31;
	s6 =	sadd.s32 $0x10800, s10;
	s10 =	simm.s32 $0x80  }
0xc: {  	v0 =	vimm.f32 $1.000000000e+00;
	s11 =	simm.s32 $0x3800;
	s7 =	smax.u32 s8, $0x1;
	s8 =	sshrl.u32 @!p0 s1, $0x3  }
.LBB2_7:
0xd: {  	[sflag:s9] =	ssyncadd.s32 $0xFFFFFF80  }
.LBB2_8:
0xe: {  	[bflag:$0x0] =	sbarrier.arrive $0xFFFF;
	s2 =	sadd.s32 $0x1, s2  }
0xf: {  	s12 =	simm.s32 @!p0 $0x1;
	s13 =	simm.s32 @!p0 $0x20;
	p2 =	sne.s32 s2, s7  }
.Ltmp1:
0x10: {  	s14 =	simm.s32 @!p0 $0x10;
	s15 =	simm.s32 @!p0 $0x1C01;
	(pc) =	sbr.rel @!p2 .LBB2_9-.Ltmp1, $4  }
0x11: {  	[hbm:s6@s13], [sflag:s15] =	dma.strided @!p0 [spmem:s8@s14], $0x4F0, s12, $0x10   }
0x12: {  	_ =	swait.ge @!p0 [sflag:s12], $0x4F0  }
0x13: {  	[sflag:s12] =	ssyncset.done @!p0 $0x0  }
0x14: {  	[sflag:s12] =	ssyncadd.s32 @!p0 $0xFFFFFB10  }
.LBB2_1:
0x15: {  	[tilespmem:$0x3800] =	vst v0  }
0x16: {  	[tilespmem:$0x3810] =	vst v0  }
0x17: {  	[tilespmem:$0x3820] =	vst v0  }
0x18: {  	[tilespmem:$0x3830] =	vst v0  }
0x19: {  	[tilespmem:$0x3840] =	vst v0  }
0x1a: {  	[tilespmem:$0x3850] =	vst v0  }
0x1b: {  	[tilespmem:$0x3860] =	vst v0  }
0x1c: {  	[tilespmem:$0x3870] =	vst v0;
	s12 =	simm.s32 @!p0 $0x1C01  }
0x1d: {  	[spmem:s8], [sflag:s12] =	dma.local @!p0 [hbm:s3], $0x4F0  }
.Ltmp2:
0x1e: {  	_ = 	snop;
	(pc) =	sbr.rel @p1 .LBB2_5-.Ltmp2, $4  }
0x1f: {  	s12 =	simm.s32 @!p0 $0x1  }
0x20: {  	_ =	swait.ge @!p0 [sflag:s12], $0x4F0  }
0x21: {  	[sflag:s12] =	ssyncset.done @!p0 $0x0  }
0x22: {  	[sflag:s12] =	ssyncadd.s32 @!p0 $0xFFFFFB10;
	s12 =	simm.s32 $0x0  }
0x23: {  	[tilespmem:s12], [sflag:$0x1] =	stream.linear.gather [hbm4b:s5+s12], $0x3700, $0x38;
	[tilespmem:$0x3AF8] =	vst v63  }
0x24: {  	_ =	swait.ge [sflag:s9], $0x3700  }
0x25: {  	[sflag:s9] =	ssyncset.done $0x0  }
0x26: {  	[sflag:s9] =	ssyncadd.s32 $0xFFFFC900  }
0x27: {  	s31 =	simm.s32 $0x0;
	[bflag:$0x0] =	sbarrier.arrive $0xFFFF  }
0x28: {  	[spmem:s1] =	stream.indirect.scatter.add.f32 [tilespmem:s11], [sflag:$0x1], $0x1, s31, s10, $0xb8;
	[tilespmem:$0x3AF8] =	vst v63  }
0x29: {  	_ =	swait.ge [sflag:s9], $0x80  }
0x2a: {  	s12 =	simm.s32 $0x200;
	[sflag:s9] =	ssyncset.done $0x0  }
.LBB2_3:
0x2b: {  	s13 =	sshra.s32 s12, $0x2;
	[sflag:s9] =	ssyncadd.s32 $0xFFFFFF80;
	p2 =	seq.s32 s12, $0xDA00  }
0x2c: {  	[spmem:s1] =	stream.indirect.scatter.add.f32 [tilespmem:s11], [sflag:$0x1], $0x1, s13, s10, $0xb8;
	[tilespmem:$0x3AF8] =	vst v63  }
.Ltmp3:
0x2d: {  	_ = 	snop;
	(pc) =	sbr.rel @!p2 .LBB2_3-.Ltmp3, $4  }
0x2e: {  	_ = 	snop  }
0x2f: {  	s12 =	sadd.s32 $0x200, s12  }
0x30: {  	_ =	swait.ge [sflag:s9], $0x80  }
0x31: {  	[sflag:s9] =	ssyncset.done $0x0  }
.Ltmp4:
0x32: {  	(pc) =	sbr.rel .LBB2_8-.Ltmp4, $2  }
0x33: {  	_ =	sdelay $0x2  }
0x34: {  	[sflag:s9] =	ssyncadd.s32 $0xFFFFFF80  }
.LBB2_5:
0x35: {  	[tilespmem:s12], [sflag:$0x1] =	stream.linear.gather [hbm4b:s4+s12], $0x1800, $0x38;
	[tilespmem:$0x3AF8] =	vst v63  }
0x36: {  	_ =	swait.ge [sflag:s9], $0x1800  }
0x37: {  	[sflag:s9] =	ssyncset.done $0x0  }
0x38: {  	[sflag:s9] =	ssyncadd.s32 $0xFFFFE800  }
0x39: {  	s31 =	simm.s32 $0x0;
	[bflag:$0x0] =	sbarrier.arrive $0xFFFF  }
0x3a: {  	[spmem:s1] =	stream.indirect.scatter.add.f32 [tilespmem:s11], [sflag:$0x1], $0x1, s31, s10, $0xb8;
	[tilespmem:$0x3AF8] =	vst v63  }
0x3b: {  	_ =	swait.ge [sflag:s9], $0x80  }
0x3c: {  	s12 =	simm.s32 $0x200;
	[sflag:s9] =	ssyncset.done $0x0  }
.LBB2_6:
0x3d: {  	s13 =	sshra.s32 s12, $0x2;
	[sflag:s9] =	ssyncadd.s32 $0xFFFFFF80;
	p2 =	sne.s32 s12, $0x5E00  }
0x3e: {  	[spmem:s1] =	stream.indirect.scatter.add.f32 [tilespmem:s11], [sflag:$0x1], $0x1, s13, s10, $0xb8;
	[tilespmem:$0x3AF8] =	vst v63  }
.Ltmp5:
0x3f: {  	_ = 	snop;
	(pc) =	sbr.rel @p2 .LBB2_6-.Ltmp5, $4  }
0x40: {  	_ = 	snop  }
0x41: {  	s12 =	sadd.s32 $0x200, s12  }
0x42: {  	_ =	swait.ge [sflag:s9], $0x80  }
0x43: {  	[sflag:s9] =	ssyncset.done $0x0  }
.Ltmp6:
0x44: {  	_ = 	snop;
	(pc) =	sbr.rel .LBB2_7-.Ltmp6, $1  }
0x45: {  	_ =	sdelay $0x3  }
.LBB2_9:
0x46: {  	_ =	sfence.sel $0x180000  }
0x47: {  	[bflag:$0x0] =	sbarrier.arrive $0xFFFF  }
0x48: {  	_ =	strace $0x90000047  }
0x49: {  	s0 =	sadd.s32 @!p0 $0x100000, s0;
	[bflag:$0x2] =	sbarrier.arrive $0xFFFF  }
0x4a: {  	[sflag:s0] =	ssyncadd.tile.s32 @!p0 $0x1;
	_ =	shalt  }
.Lfunc_end2:
_tile_overlayer_lowered:
.L_overlay_start_2:
0x4b: {  	(tag) =	ssettag $0x2  }
0x4c: {  	s0 =	rddreg [dreg:$0x0];
	s2 =	stileid.u32  }
0x4d: {  	s1 =	rddreg [dreg:$0x1];
	p0 =	sne.s32 s2, $0x0  }
0x4e: {  	s3 =	rddreg [dreg:$0x2];
	[bflag:$0x3] =	sbarrier.arrive $0xFFFF;
	s2 =	simm.s32 @!p0 $0x1C01  }
0x4f: {  	[timem:s3], [sflag:s2] =	dma.local @!p0 [hbm:s0], s1  }
0x50: {  	s0 =	simm.s32 @!p0 $0x1  }
0x51: {  	_ =	swait.ge @!p0 [sflag:s0], s1  }
0x52: {  	s1 =	ssub.s32 @!p0 $0x0, s1;
	[sflag:s0] =	ssyncset.done @!p0 $0x0  }
0x53: {  	[sflag:s0] =	ssyncadd.s32 @!p0 s1  }
0x54: {  	[bflag:$0x3] =	sbarrier.arrive $0xFFFF  }
0x55: {  	_ =	shalt  }

// kernel: kernel.13.cloned.1.call-start
scs
__scs_entry_jumppad:
0x0: {  	(pc) =	sbr.rel $0x88, $3  }
0x1: {  	(tag) =	ssettag $0x0;
	lr =	simm.s32 $0x1  }
0x2: {  	[smem:$0x3F90] =	sst lr;
	_ =	strace $0xD0000000  }
0x3: {  	_ = 	snop  }
0x4: {  	_ = 	snop  }
0x5: {  	_ = 	snop  }
0x6: {  	_ = 	snop  }
0x7: {  	_ = 	snop  }
__scs_overlays_trampoline_lowered:
0x8: {  	[smem:$0x3F9F] =	sst s0  }
0x9: {  	[smem:$0x3FA0] =	sst s1  }
0xa: {  	[smem:$0x3FA1] =	sst s2  }
0xb: {  	[smem:$0x3FA2] =	sst s3  }
0xc: {  	[smem:$0x3FA3] =	sst s4  }
0xd: {  	[smem:$0x3FA4] =	sst s5  }
0xe: {  	[smem:$0x3FA5] =	sst s6  }
0xf: {  	[smem:$0x3FA6] =	sst s7  }
0x10: {  	[smem:$0x3FA7] =	sst s8  }
0x11: {  	[smem:$0x3FA8] =	sst s9;
	s0 =	simm.s32 @!p0 $0x0  }
0x12: {  	s1 =	sld [smem:$0x3F8E];
	s0 =	simm.s32 @p0 $0x1  }
0x13: {  	[smem:$0x3FA9] =	sst s0;
	s0 =	simm.s32 @!p1 $0x0  }
0x14: {  	s2 =	sld [smem:$0x3F8D];
	s0 =	simm.s32 @p1 $0x1  }
0x15: {  	[smem:$0x3FAA] =	sst s0;
	s0 =	simm.s32 @!p2 $0x0  }
0x16: {  	s3 =	sld [smem:$0x3FDB];
	s0 =	simm.s32 @p2 $0x1  }
0x17: {  	s4 =	simm.s32 $0x1BF5;
	[smem:$0x3FAC] =	sst s0  }
0x18: {  	s0 =	sld [smem:$0x3F8F];
	_ =	swait.ge [sflag:s4], $0x0  }
0x19: {  	s7 =	sld [smem:$0x3F90]  }
0x1a: {  	s8 =	sadd.s32 $0xFFFFE003, lr  }
0x1b: {  	s9 =	sadd.s32 $0xFFFFFEF7, lr;
	s5 =	simm.s32 $0xFFFFFFFF;
	p2 =	slt.u32 s8, $0xFFFFF086  }
0x1c: {  	p1 =	slt.u32 s9, $0xF7A;
	s5 =	simm.s32 @!p2 $0x0  }
0x1d: {  	s5 =	simm.s32 @p1 $0x1;
	p0 =	seq.s32 s7, s2  }
0x1e: {  	s7 =	smul.u32 @!p0 $0xF7A, s2;
	p2 =	seq.s32 @!p0 s5, $0x0  }
0x1f: {  	s9 =	smul.u32 $0xF7A, s1;
	s8 =	simm.s32 @!p0 $0x1BF5;
	p2 =	por !p2, p0  }
0x20: {  	[sflag:s8] =	ssyncset.s32 @!p0 $0xFFFFF086;
	s6 =	sadd.s32 @!p0 s3, s7;
	s7 =	simm.s32 @!p0 $0x108  }
0x21: {  	s3 =	sadd.s32 s3, s9;
	s6 =	sadd.s32 @!p0 $0x88, s6;
	s7 =	simm.s32 @p2 $0x1082  }
0x22: {  	[simem:s7], [sflag:s8] =	dma.local @!p0 [hbm:s6], $0xF7A  }
0x23: {  	s9 =	sor.u32 $0xD0000000, s2;
	s6 =	simm.s32 $0x108;
	_ =	swait.ge @!p0 [sflag:s8], $0x0  }
0x24: {  	s3 =	sadd.s32 $0x88, s3;
	s6 =	simm.s32 @!p1 $0x1082;
	[sflag:s4] =	ssyncset.s32 $0xFFFFF086  }
0x25: {  	[simem:s6], [sflag:s4] =	dma.local [hbm:s3], $0xF7A  }
0x26: {  	[smem:$0x3F90] =	sst s1;
	(tag) =	ssettag s2;
	_ =	strace s9  }
0x27: {  	s1 =	sld [smem:$0x3FA0]  }
0x28: {  	s2 =	sld [smem:$0x3FA1]  }
0x29: {  	s4 =	sld [smem:$0x3FA3]  }
0x2a: {  	p0 =	seq.s32 s5, $0x0;
	s5 =	sld [smem:$0x3FA4]  }
0x2b: {  	s6 =	sld [smem:$0x3FA5]  }
0x2c: {  	s7 =	sld [smem:$0x3FA6]  }
0x2d: {  	s3 =	simm.s32 $0x108;
	s8 =	sld [smem:$0x3FA7]  }
0x2e: {  	s3 =	simm.s32 @!p0 $0x1082;
	s9 =	sld [smem:$0x3FA8]  }
0x2f: {  	lr =	sadd.s32 s0, s3;
	s0 =	sld [smem:$0x3F9F]  }
0x30: {  	s3 =	sld [smem:$0x3FA2]  }
0x31: {  	[smem:$0x3FAB] =	sst s10  }
0x32: {  	s10 =	sld [smem:$0x3FA9];
	_ =	sdelay $0x3  }
0x33: {  	p0 =	seq.s32 s10, $0x1;
	s10 =	sld [smem:$0x3FAB];
	_ =	sdelay $0x3  }
0x34: {  	[smem:$0x3FAB] =	sst s10  }
0x35: {  	s10 =	sld [smem:$0x3FAA];
	_ =	sdelay $0x3  }
0x36: {  	p1 =	seq.s32 s10, $0x1;
	s10 =	sld [smem:$0x3FAB];
	_ =	sdelay $0x3  }
0x37: {  	[smem:$0x3FAB] =	sst s10  }
0x38: {  	s10 =	sld [smem:$0x3FAC]  }
0x39: {  	_ = 	snop;
	(pc) =	sbr.ind lr, $3  }
0x3a: {  	_ = 	snop  }
0x3b: {  	_ = 	snop  }
0x3c: {  	p2 =	seq.s32 s10, $0x1;
	s10 =	sld [smem:$0x3FAB]  }
0x3d: {  	_ =	shalt  }
0x3e: {  	_ =	shalt  }
0x3f: {  	_ =	shalt  }
0x40: {  	_ =	shalt  }
0x41: {  	_ =	shalt  }
0x42: {  	_ =	shalt  }
0x43: {  	_ =	shalt  }
0x44: {  	_ =	shalt  }
0x45: {  	_ =	shalt  }
0x46: {  	_ =	shalt  }
0x47: {  	_ =	shalt  }
0x48: {  	_ =	shalt  }
0x49: {  	_ =	shalt  }
0x4a: {  	_ =	shalt  }
0x4b: {  	_ =	shalt  }
0x4c: {  	_ =	shalt  }
0x4d: {  	_ =	shalt  }
0x4e: {  	_ =	shalt  }
0x4f: {  	_ =	shalt  }
0x50: {  	_ =	shalt  }
0x51: {  	_ =	shalt  }
0x52: {  	_ =	shalt  }
0x53: {  	_ =	shalt  }
0x54: {  	_ =	shalt  }
0x55: {  	_ =	shalt  }
0x56: {  	_ =	shalt  }
0x57: {  	_ =	shalt  }
0x58: {  	_ =	shalt  }
0x59: {  	_ =	shalt  }
0x5a: {  	_ =	shalt  }
0x5b: {  	_ =	shalt  }
0x5c: {  	_ =	shalt  }
0x5d: {  	_ =	shalt  }
0x5e: {  	_ =	shalt  }
0x5f: {  	_ =	shalt  }
0x60: {  	_ =	shalt  }
0x61: {  	_ =	shalt  }
0x62: {  	_ =	shalt  }
0x63: {  	_ =	shalt  }
0x64: {  	_ =	shalt  }
0x65: {  	_ =	shalt  }
0x66: {  	_ =	shalt  }
0x67: {  	_ =	shalt  }
0x68: {  	_ =	shalt  }
0x69: {  	_ =	shalt  }
0x6a: {  	_ =	shalt  }
0x6b: {  	_ =	shalt  }
0x6c: {  	_ =	shalt  }
0x6d: {  	_ =	shalt  }
0x6e: {  	_ =	shalt  }
0x6f: {  	_ =	shalt  }
0x70: {  	_ =	shalt  }
0x71: {  	_ =	shalt  }
0x72: {  	_ =	shalt  }
0x73: {  	_ =	shalt  }
0x74: {  	_ =	shalt  }
0x75: {  	_ =	shalt  }
0x76: {  	_ =	shalt  }
0x77: {  	_ =	shalt  }
0x78: {  	_ =	shalt  }
0x79: {  	_ =	shalt  }
0x7a: {  	_ =	shalt  }
0x7b: {  	_ =	shalt  }
0x7c: {  	_ =	shalt  }
0x7d: {  	_ =	shalt  }
0x7e: {  	_ =	shalt  }
0x7f: {  	_ =	shalt  }
0x80: {  	_ =	shalt  }
0x81: {  	_ =	shalt  }
0x82: {  	_ =	shalt  }
0x83: {  	_ =	shalt  }
0x84: {  	_ =	shalt  }
0x85: {  	_ =	shalt  }
0x86: {  	_ =	shalt  }
0x87: {  	_ =	shalt  }
.Lfunc_end0:
.L_simem_size_0:
called_computation.1_lowered:
.L_overlay_start_0:
0x88: {  	s2 =	sld [smem:$0x3FD9]  }
0x89: {  	s3 =	sld [smem:$0x3FFE];
	_ =	sdelay $0x1  }
0x8a: {  	s1 =	srdreg.scid  }
0x8b: {  	s0 =	sand.u32 $0x1, s1  }
0x8c: {  	s16 =	sshll.u32 s0, $0xA;
	s2 =	sadd.s32 s3, s2  }
0x8d: {  	s2 =	sadd.s32 s2, s16  }
0x8e: {  	[smem:$0x3FB7] =	sst s2  }
0x8f: {  	_ = 	snop  }
0x90: {  	(tm) =	ssettm $0x1  }
0x91: {  	s17 =	sld [smem:$0x3FFB];
	_ =	sdelay $0x3  }
0x92: {  	_ =	strace s17  }
0x93: {  	s2 =	sld [smem:$0x3FFC];
	_ =	sdelay $0x3  }
0x94: {  	_ =	strace s2  }
0x95: {  	s2 =	sld [smem:$0x3FFD];
	_ =	sdelay $0x3  }
0x96: {  	_ =	strace s2  }
0x97: {  	_ =	strace $0x8FFFFFFF  }
0x98: {  	s18 =	sld [smem:$0x3FDB];
	_ =	sdelay $0x1  }
0x99: {  	s19 =	simm.s32 $_scs_section_size  }
0x9a: {  	s4 =	simm.s32 $_size__tile_overlayer_lowered;
	s5 =	simm.s32 $_tile_overlayer_lowered  }
0x9b: {  	s22 =	simm.s32 $0x1BFF;
	s21 =	sshll.u32 s5, $0x1;
	s2 =	sadd.s32 s19, s18  }
0x9c: {  	s6 =	simm.s32 $0x0;
	s20 =	sshll.u32 s4, $0x1;
	s4 =	sadd.s32 s21, s2  }
0x9d: {  	[timem:s6], [sflag:s22] =	dma.local [hbm:s4], s20  }
0x9e: {  	_ =	swait.ge [sflag:s22], s20  }
0x9f: {  	s3 =	ssub.s32 $0x0, s20;
	[sflag:s22] =	ssyncset.done $0x0  }
0xa0: {  	[sflag:s22] =	ssyncadd.s32 s3;
	_ =	sdelay $0x1  }
0xa1: {  	s23 =	simm.s32 $0x1B8B  }
0xa2: {  	_ =	swait.ge [sflag:s23], $0x1  }
0xa3: {  	[sflag:s23] =	ssyncset.done $0x0  }
0xa4: {  	s25 =	simm.s32 $0x1B8E;
	s24 =	sld [smem:$0x3FFE];
	[sflag:s23] =	ssyncadd.s32 $0xFFFFFFFF  }
0xa5: {  	s26 =	simm.s32 $execute0_lowered;
	[smem:$0x3FD2] =	sst s25  }
0xa6: {  	s4 =	sshll.u32 s26, $0x1;
	_ =	strace $0x80000049;
	[dreg:$0x1] =	wrdreg $0xFFFFFFFF  }
0xa7: {  	s28 =	simm.s32 $_size_execute0_lowered;
	s2 =	sadd.s32 s2, s4;
	[dreg:$0x0] =	wrdreg $0x0  }
0xa8: {  	s4 =	sshll.u32 s28, $0x1;
	[dreg:$0x2] =	wrdreg s2  }
0xa9: {  	[dreg:$0x3] =	wrdreg s4  }
0xaa: {  	[dreg:$0x4] =	wrdreg $0xC0  }
0xab: {  	_ =	task [dreg:s6], $0x5FFFF  }
0xac: {  	[dreg:$0x1] =	wrdreg $0xFFFFFFFF  }
0xad: {  	[dreg:$0x0] =	wrdreg $0x60  }
0xae: {  	[dreg:$0x2] =	wrdreg s24  }
0xaf: {  	[dreg:$0x3] =	wrdreg $0xB0000  }
0xb0: {  	[dreg:$0x4] =	wrdreg $0x9  }
0xb1: {  	_ =	task.clear_ibuf [dreg:s6], $0x5FFFF;
	_ =	strace $0x90000049  }
0xb2: {  	s29 =	simm.s32 $0x9;
	_ =	strace $0x8000004B  }
0xb3: {  	_ =	swait.ge [sflag:s29], $0x1  }
0xb4: {  	[sflag:s29] =	ssyncadd.s32 $0xFFFFFFFF  }
0xb5: {  	_ =	strace $0x9000004B  }
0xb6: {  	_ =	sfence  }
0xb7: {  	s30 =	sld [smem:$0x0];
	_ =	sdelay $0x2  }
0xb8: {  	s31 =	sshll.u32 s1, $0xD;
	s1 =	sshrl.u32 s1, $0x2  }
0xb9: {  	s3 =	sand.u32 $0x4000, s31;
	s1 =	sadd.s32 s1, s30  }
0xba: {  	s0 =	sor.u32 s3, s0;
	s1 =	sshll.u32 s1, $0x11  }
0xbb: {  	s0 =	sor.u32 s1, s0  }
0xbc: {  	s0 =	sadd.s32 $0x8F2B, s0  }
0xbd: {  	[sflag:s0] =	ssyncadd.remote.s32 $0x1  }
0xbe: {  	_ =	sfence.sel $0xFFFF  }
0xbf: {  	[dreg:$0x0] =	wrdreg $0xFFFFFFFF;
	(pc) =	sbr.abs _section_cstart, $3  }
0xc0: {  	[dreg:$0x1] =	wrdreg $0xFFFFFFFF  }
0xc1: {  	_ =	task.clear_ibuf [dreg:s6], $0x2FFFF;
	_ =	strace $0x9FFFFFFF  }
0xc2: {  	(tm) =	ssettm $0x7FFFFFFF  }
0xc3: {  	_ =	shalt  }
tec
execute0_lowered:
.L_overlay_start_1:
0x0: {  	(tag) =	ssettag $0x1  }
0x1: {  	s5 =	rddreg [dreg:$0x0]  }
0x2: {  	s1 =	rddreg [dreg:$0x1]  }
0x3: {  	s0 =	rddreg [dreg:$0x2];
	s16 =	stileid.u32  }
0x4: {  	s2 =	simm.s32 $0x0;
	s6 =	srdreg.scid;
	s4 =	smul.u32 $0x700, s16  }
0x5: {  	s13 =	simm.s32 $0x80;
	s14 =	simm.s32 $0x7000;
	s7 =	smul.u32 $0x300, s16  }
0x6: {  	s15 =	simm.s32 $0x1;
	[smem:$0x7FF] =	sst s2;
	s31 =	smul.u32 $0x4F000, s16  }
0x7: {  	s3 =	sadd.s32 $0x18200, s5;
	s11 =	sand.u32 $0x1, s6;
	s19 =	smul.u32 $0x2780, s16  }
0x8: {  	p0 =	sne.s32 s16, $0x0;
	s20 =	sshll.u32 s16, $0x6;
	_ =	strace $0x8000004A  }
0x9: {  	s6 =	smul.u32 $0x27800, s11;
	s9 =	ssub.s32 $0x2, s11;
	p1 =	sne.s32 s11, $0x0  }
0xa: {  	s11 =	simm.s32 $0x2;
	s8 =	sadd.s32 s4, s5;
	s7 =	sadd.s32 s7, s5  }
0xb: {  	s4 =	sadd.s32 $0x3F400, s5;
	s10 =	sshrl.u32 s9, $0x1;
	s12 =	sadd.s32 s6, s5  }
.Ltmp0:
0xc: {  	s9 =	ssub.s32 s9, s10;
	s5 =	sadd.s32 $0xA200, s7;
	(pc) =	sbr.rel .LBB2_1-.Ltmp0, $4  }
0xd: {  	s6 =	sadd.s32 $0xD200, s7;
	s7 =	sadd.s32 $0x11200, s8;
	s10 =	sshrl.u32 s31, $0x2  }
0xe: {  	s8 =	sadd.s32 $0x3200, s8;
	s17 =	sadd.s32 $0x66C00, s12;
	s18 =	sadd.s32 s10, s1  }
0xf: {  	s9 =	smax.u32 s9, $0x1;
	s10 =	sshrl.u32 @!p0 s1, $0x3;
	s12 =	simm.s32 $0x3800  }
0x10: {  	s16 =	sadd.s32 s19, s17;
	s17 =	sor.u32 $0x1C02, s20;
	s18 =	sshrl.u32 s18, $0x3  }
.LBB2_7:
0x11: {  	s19 =	sshra.s32 s19, $0x2;
	[sflag:s11] =	ssyncadd.s32 $0xFFFFC000  }
0x12: {  	[tilespmem:s14], [sflag:$0x1] =	stream.indirect.gather [hbm4b:s3+s13], $0x80, s19, s13, $0xb8;
	[tilespmem:$0x1EC00] =	vst v63  }
0x13: {  	_ =	swait.ge [sflag:s15], $0x4000  }
0x14: {  	[sflag:s15] =	ssyncset.done $0x0  }
0x15: {  	s19 =	sadd.s32 $0x3800, s19;
	[sflag:s15] =	ssyncadd.s32 $0xFFFFC000  }
0x16: {  	[spmem:s1] =	stream.indirect.scatter.add.f32 [tilespmem:s14], [sflag:$0x2], $0x80, s19, s13, $0xb8;
	[tilespmem:$0x1EC00] =	vst v63  }
0x17: {  	_ =	swait.ge [sflag:s11], $0x4000  }
0x18: {  	[sflag:s11] =	ssyncset.done $0x0  }
0x19: {  	[sflag:s11] =	ssyncadd.s32 $0xFFFFC000  }
.LBB2_8:
0x1a: {  	s2 =	sadd.s32 $0x1, s2  }
0x1b: {  	p2 =	sne.s32 s2, s9  }
.Ltmp1:
0x1c: {  	[bflag:$0x0] =	sbarrier.arrive $0xFFFF;
	(pc) =	sbr.rel @!p2 .LBB2_9-.Ltmp1, $4  }
0x1d: {  	[hbm:s16], [sflag:s17] =	dma.local [spmem:s18], $0x2780  }
0x1e: {  	_ =	swait.ge [sflag:s11], $0x2780  }
0x1f: {  	[sflag:s11] =	ssyncset.done $0x0  }
0x20: {  	[sflag:s11] =	ssyncadd.s32 $0xFFFFD880  }
.LBB2_1:
0x21: {  	s19 =	simm.s32 @!p0 $0x1C02  }
0x22: {  	[spmem:s10], [sflag:s19] =	dma.local @!p0 [hbm:s4], $0x27800  }
.Ltmp2:
0x23: {  	_ = 	snop;
	(pc) =	sbr.rel @p1 .LBB2_5-.Ltmp2, $4  }
0x24: {  	s19 =	simm.s32 @!p0 $0x2  }
0x25: {  	_ =	swait.ge @!p0 [sflag:s19], $0x27800  }
0x26: {  	[sflag:s19] =	ssyncset.done @!p0 $0x0  }
0x27: {  	[sflag:s19] =	ssyncadd.s32 @!p0 $0xFFFD8800;
	s19 =	simm.s32 $0x0  }
0x28: {  	[tilespmem:s19], [sflag:$0x2] =	stream.linear.gather [hbm4b:s7+s19], $0x3700, $0x38;
	[tilespmem:$0x1EC00] =	vst v63  }
0x29: {  	_ =	swait.ge [sflag:s11], $0x3700  }
0x2a: {  	[sflag:s11] =	ssyncset.done $0x0  }
0x2b: {  	[sflag:s11] =	ssyncadd.s32 $0xFFFFC900  }
0x2c: {  	[tilespmem:s12], [sflag:$0x2] =	stream.linear.gather [hbm4b:s8+s19], $0x3700, $0x38;
	[tilespmem:$0x1EC00] =	vst v63  }
0x2d: {  	_ =	swait.ge [sflag:s11], $0x3700  }
0x2e: {  	[sflag:s11] =	ssyncset.done $0x0  }
0x2f: {  	[sflag:s11] =	ssyncadd.s32 $0xFFFFC900  }
0x30: {  	s30 =	simm.s32 $0x0;
	[bflag:$0x0] =	sbarrier.arrive $0xFFFF  }
0x31: {  	[tilespmem:s14], [sflag:$0x1] =	stream.indirect.gather [hbm4b:s3+s13], $0x80, s30, s13, $0xb8;
	[tilespmem:$0x1EC00] =	vst v63  }
0x32: {  	_ =	swait.ge [sflag:s15], $0x4000  }
0x33: {  	[sflag:s15] =	ssyncset.done $0x0  }
0x34: {  	s31 =	simm.s32 $0x3800;
	[sflag:s15] =	ssyncadd.s32 $0xFFFFC000  }
0x35: {  	[spmem:s1] =	stream.indirect.scatter.add.f32 [tilespmem:s14], [sflag:$0x2], $0x80, s31, s13, $0xb8;
	[tilespmem:$0x1EC00] =	vst v63  }
0x36: {  	_ =	swait.ge [sflag:s11], $0x4000  }
0x37: {  	s20 =	simm.s32 $0x400;
	s19 =	simm.s32 $0x200;
	[sflag:s11] =	ssyncset.done $0x0  }
.LBB2_3:
0x38: {  	s21 =	sshra.s32 s19, $0x2  }
0x39: {  	[sflag:s11] =	ssyncadd.s32 $0xFFFFC000;
	s19 =	smov.u32 s20;
	s22 =	sadd.s32 $0x200, s20  }
0x3a: {  	[tilespmem:s14], [sflag:$0x1] =	stream.indirect.gather [hbm4b:s3+s13], $0x80, s21, s13, $0xb8;
	[tilespmem:$0x1EC00] =	vst v63  }
0x3b: {  	p2 =	seq.s32 s20, $0xDA00;
	_ =	swait.ge [sflag:s15], $0x4000  }
.Ltmp3:
0x3c: {  	[sflag:s15] =	ssyncset.done $0x0;
	(pc) =	sbr.rel @!p2 .LBB2_3-.Ltmp3, $4  }
0x3d: {  	s20 =	sadd.s32 $0x3800, s21;
	[sflag:s15] =	ssyncadd.s32 $0xFFFFC000  }
0x3e: {  	[spmem:s1] =	stream.indirect.scatter.add.f32 [tilespmem:s14], [sflag:$0x2], $0x80, s20, s13, $0xb8;
	[tilespmem:$0x1EC00] =	vst v63  }
0x3f: {  	_ =	swait.ge [sflag:s11], $0x4000  }
0x40: {  	s20 =	smov.u32 s22;
	[sflag:s11] =	ssyncset.done $0x0  }
0x41: {  	s19 =	sshra.s32 s19, $0x2;
	[sflag:s11] =	ssyncadd.s32 $0xFFFFC000  }
0x42: {  	[tilespmem:s14], [sflag:$0x1] =	stream.indirect.gather [hbm4b:s3+s13], $0x80, s19, s13, $0xb8;
	[tilespmem:$0x1EC00] =	vst v63  }
0x43: {  	_ =	swait.ge [sflag:s15], $0x4000  }
0x44: {  	[sflag:s15] =	ssyncset.done $0x0  }
.Ltmp4:
0x45: {  	s19 =	sadd.s32 $0x3800, s19;
	[sflag:s15] =	ssyncadd.s32 $0xFFFFC000;
	(pc) =	sbr.rel .LBB2_8-.Ltmp4, $4  }
0x46: {  	[spmem:s1] =	stream.indirect.scatter.add.f32 [tilespmem:s14], [sflag:$0x2], $0x80, s19, s13, $0xb8;
	[tilespmem:$0x1EC00] =	vst v63  }
0x47: {  	_ =	swait.ge [sflag:s11], $0x4000  }
0x48: {  	[sflag:s11] =	ssyncset.done $0x0  }
0x49: {  	[sflag:s11] =	ssyncadd.s32 $0xFFFFC000  }
.LBB2_5:
0x4a: {  	[tilespmem:s19], [sflag:$0x2] =	stream.linear.gather [hbm4b:s5+s19], $0x1800, $0x38;
	[tilespmem:$0x1EC00] =	vst v63  }
0x4b: {  	_ =	swait.ge [sflag:s11], $0x1800  }
0x4c: {  	[sflag:s11] =	ssyncset.done $0x0  }
0x4d: {  	[sflag:s11] =	ssyncadd.s32 $0xFFFFE800  }
0x4e: {  	[tilespmem:s12], [sflag:$0x2] =	stream.linear.gather [hbm4b:s6+s19], $0x1800, $0x38;
	[tilespmem:$0x1EC00] =	vst v63  }
0x4f: {  	_ =	swait.ge [sflag:s11], $0x1800  }
0x50: {  	[sflag:s11] =	ssyncset.done $0x0  }
0x51: {  	[sflag:s11] =	ssyncadd.s32 $0xFFFFE800  }
0x52: {  	s30 =	simm.s32 $0x0;
	[bflag:$0x0] =	sbarrier.arrive $0xFFFF  }
0x53: {  	[tilespmem:s14], [sflag:$0x1] =	stream.indirect.gather [hbm4b:s3+s13], $0x80, s30, s13, $0xb8;
	[tilespmem:$0x1EC00] =	vst v63  }
0x54: {  	_ =	swait.ge [sflag:s15], $0x4000  }
0x55: {  	[sflag:s15] =	ssyncset.done $0x0  }
0x56: {  	s31 =	simm.s32 $0x3800;
	[sflag:s15] =	ssyncadd.s32 $0xFFFFC000  }
0x57: {  	[spmem:s1] =	stream.indirect.scatter.add.f32 [tilespmem:s14], [sflag:$0x2], $0x80, s31, s13, $0xb8;
	[tilespmem:$0x1EC00] =	vst v63  }
0x58: {  	_ =	swait.ge [sflag:s11], $0x4000  }
0x59: {  	s20 =	simm.s32 $0x400;
	s19 =	simm.s32 $0x200;
	[sflag:s11] =	ssyncset.done $0x0  }
.LBB2_6:
0x5a: {  	s21 =	sshra.s32 s19, $0x2  }
0x5b: {  	[sflag:s11] =	ssyncadd.s32 $0xFFFFC000;
	s19 =	smov.u32 s20;
	s22 =	sadd.s32 $0x200, s20  }
0x5c: {  	[tilespmem:s14], [sflag:$0x1] =	stream.indirect.gather [hbm4b:s3+s13], $0x80, s21, s13, $0xb8;
	[tilespmem:$0x1EC00] =	vst v63  }
0x5d: {  	p2 =	sne.s32 s20, $0x5E00;
	_ =	swait.ge [sflag:s15], $0x4000  }
.Ltmp5:
0x5e: {  	[sflag:s15] =	ssyncset.done $0x0;
	(pc) =	sbr.rel @p2 .LBB2_6-.Ltmp5, $4  }
0x5f: {  	s20 =	sadd.s32 $0x3800, s21;
	[sflag:s15] =	ssyncadd.s32 $0xFFFFC000  }
0x60: {  	[spmem:s1] =	stream.indirect.scatter.add.f32 [tilespmem:s14], [sflag:$0x2], $0x80, s20, s13, $0xb8;
	[tilespmem:$0x1EC00] =	vst v63  }
0x61: {  	_ =	swait.ge [sflag:s11], $0x4000  }
0x62: {  	s20 =	smov.u32 s22;
	[sflag:s11] =	ssyncset.done $0x0  }
.Ltmp6:
0x63: {  	_ = 	snop;
	(pc) =	sbr.rel .LBB2_7-.Ltmp6, $1  }
0x64: {  	_ =	sdelay $0x3  }
.LBB2_9:
0x65: {  	_ =	sfence.sel $0x180000  }
0x66: {  	[bflag:$0x0] =	sbarrier.arrive $0xFFFF  }
0x67: {  	_ =	strace $0x9000004A  }
0x68: {  	s0 =	sadd.s32 @!p0 $0x100000, s0;
	[bflag:$0x2] =	sbarrier.arrive $0xFFFF  }
0x69: {  	[sflag:s0] =	ssyncadd.tile.s32 @!p0 $0x1;
	_ =	shalt  }
.Lfunc_end2:
_tile_overlayer_lowered:
.L_overlay_start_2:
0x6a: {  	(tag) =	ssettag $0x2  }
0x6b: {  	s0 =	rddreg [dreg:$0x0];
	s2 =	stileid.u32  }
0x6c: {  	s1 =	rddreg [dreg:$0x1];
	p0 =	sne.s32 s2, $0x0  }
0x6d: {  	s3 =	rddreg [dreg:$0x2];
	[bflag:$0x3] =	sbarrier.arrive $0xFFFF;
	s2 =	simm.s32 @!p0 $0x1C02  }
0x6e: {  	[timem:s3], [sflag:s2] =	dma.local @!p0 [hbm:s0], s1  }
0x6f: {  	s0 =	simm.s32 @!p0 $0x2  }
0x70: {  	_ =	swait.ge @!p0 [sflag:s0], s1  }
0x71: {  	s1 =	ssub.s32 @!p0 $0x0, s1;
	[sflag:s0] =	ssyncset.done @!p0 $0x0  }
0x72: {  	[sflag:s0] =	ssyncadd.s32 @!p0 s1  }
0x73: {  	[bflag:$0x3] =	sbarrier.arrive $0xFFFF  }
0x74: {  	_ =	shalt  }

// kernel: kernel.16.cloned.1.call-start
scs
__scs_entry_jumppad:
0x0: {  	(pc) =	sbr.rel $0x88, $3  }
0x1: {  	(tag) =	ssettag $0x0;
	lr =	simm.s32 $0x1  }
0x2: {  	[smem:$0x3F90] =	sst lr;
	_ =	strace $0xD0000000  }
0x3: {  	_ = 	snop  }
0x4: {  	_ = 	snop  }
0x5: {  	_ = 	snop  }
0x6: {  	_ = 	snop  }
0x7: {  	_ = 	snop  }
__scs_overlays_trampoline_lowered:
0x8: {  	[smem:$0x3F9F] =	sst s0  }
0x9: {  	[smem:$0x3FA0] =	sst s1  }
0xa: {  	[smem:$0x3FA1] =	sst s2  }
0xb: {  	[smem:$0x3FA2] =	sst s3  }
0xc: {  	[smem:$0x3FA3] =	sst s4  }
0xd: {  	[smem:$0x3FA4] =	sst s5  }
0xe: {  	[smem:$0x3FA5] =	sst s6  }
0xf: {  	[smem:$0x3FA6] =	sst s7  }
0x10: {  	[smem:$0x3FA7] =	sst s8  }
0x11: {  	[smem:$0x3FA8] =	sst s9;
	s0 =	simm.s32 @!p0 $0x0  }
0x12: {  	s1 =	sld [smem:$0x3F8E];
	s0 =	simm.s32 @p0 $0x1  }
0x13: {  	[smem:$0x3FA9] =	sst s0;
	s0 =	simm.s32 @!p1 $0x0  }
0x14: {  	s2 =	sld [smem:$0x3F8D];
	s0 =	simm.s32 @p1 $0x1  }
0x15: {  	[smem:$0x3FAA] =	sst s0;
	s0 =	simm.s32 @!p2 $0x0  }
0x16: {  	s3 =	sld [smem:$0x3FDB];
	s0 =	simm.s32 @p2 $0x1  }
0x17: {  	s4 =	simm.s32 $0x1BF5;
	[smem:$0x3FAC] =	sst s0  }
0x18: {  	s0 =	sld [smem:$0x3F8F];
	_ =	swait.ge [sflag:s4], $0x0  }
0x19: {  	s7 =	sld [smem:$0x3F90]  }
0x1a: {  	s8 =	sadd.s32 $0xFFFFE003, lr  }
0x1b: {  	s9 =	sadd.s32 $0xFFFFFEF7, lr;
	s5 =	simm.s32 $0xFFFFFFFF;
	p2 =	slt.u32 s8, $0xFFFFF086  }
0x1c: {  	p1 =	slt.u32 s9, $0xF7A;
	s5 =	simm.s32 @!p2 $0x0  }
0x1d: {  	s5 =	simm.s32 @p1 $0x1;
	p0 =	seq.s32 s7, s2  }
0x1e: {  	s7 =	smul.u32 @!p0 $0xF7A, s2;
	p2 =	seq.s32 @!p0 s5, $0x0  }
0x1f: {  	s9 =	smul.u32 $0xF7A, s1;
	s8 =	simm.s32 @!p0 $0x1BF5;
	p2 =	por !p2, p0  }
0x20: {  	[sflag:s8] =	ssyncset.s32 @!p0 $0xFFFFF086;
	s6 =	sadd.s32 @!p0 s3, s7;
	s7 =	simm.s32 @!p0 $0x108  }
0x21: {  	s3 =	sadd.s32 s3, s9;
	s6 =	sadd.s32 @!p0 $0x88, s6;
	s7 =	simm.s32 @p2 $0x1082  }
0x22: {  	[simem:s7], [sflag:s8] =	dma.local @!p0 [hbm:s6], $0xF7A  }
0x23: {  	s9 =	sor.u32 $0xD0000000, s2;
	s6 =	simm.s32 $0x108;
	_ =	swait.ge @!p0 [sflag:s8], $0x0  }
0x24: {  	s3 =	sadd.s32 $0x88, s3;
	s6 =	simm.s32 @!p1 $0x1082;
	[sflag:s4] =	ssyncset.s32 $0xFFFFF086  }
0x25: {  	[simem:s6], [sflag:s4] =	dma.local [hbm:s3], $0xF7A  }
0x26: {  	[smem:$0x3F90] =	sst s1;
	(tag) =	ssettag s2;
	_ =	strace s9  }
0x27: {  	s1 =	sld [smem:$0x3FA0]  }
0x28: {  	s2 =	sld [smem:$0x3FA1]  }
0x29: {  	s4 =	sld [smem:$0x3FA3]  }
0x2a: {  	p0 =	seq.s32 s5, $0x0;
	s5 =	sld [smem:$0x3FA4]  }
0x2b: {  	s6 =	sld [smem:$0x3FA5]  }
0x2c: {  	s7 =	sld [smem:$0x3FA6]  }
0x2d: {  	s3 =	simm.s32 $0x108;
	s8 =	sld [smem:$0x3FA7]  }
0x2e: {  	s3 =	simm.s32 @!p0 $0x1082;
	s9 =	sld [smem:$0x3FA8]  }
0x2f: {  	lr =	sadd.s32 s0, s3;
	s0 =	sld [smem:$0x3F9F]  }
0x30: {  	s3 =	sld [smem:$0x3FA2]  }
0x31: {  	[smem:$0x3FAB] =	sst s10  }
0x32: {  	s10 =	sld [smem:$0x3FA9];
	_ =	sdelay $0x3  }
0x33: {  	p0 =	seq.s32 s10, $0x1;
	s10 =	sld [smem:$0x3FAB];
	_ =	sdelay $0x3  }
0x34: {  	[smem:$0x3FAB] =	sst s10  }
0x35: {  	s10 =	sld [smem:$0x3FAA];
	_ =	sdelay $0x3  }
0x36: {  	p1 =	seq.s32 s10, $0x1;
	s10 =	sld [smem:$0x3FAB];
	_ =	sdelay $0x3  }
0x37: {  	[smem:$0x3FAB] =	sst s10  }
0x38: {  	s10 =	sld [smem:$0x3FAC]  }
0x39: {  	_ = 	snop;
	(pc) =	sbr.ind lr, $3  }
0x3a: {  	_ = 	snop  }
0x3b: {  	_ = 	snop  }
0x3c: {  	p2 =	seq.s32 s10, $0x1;
	s10 =	sld [smem:$0x3FAB]  }
0x3d: {  	_ =	shalt  }
0x3e: {  	_ =	shalt  }
0x3f: {  	_ =	shalt  }
0x40: {  	_ =	shalt  }
0x41: {  	_ =	shalt  }
0x42: {  	_ =	shalt  }
0x43: {  	_ =	shalt  }
0x44: {  	_ =	shalt  }
0x45: {  	_ =	shalt  }
0x46: {  	_ =	shalt  }
0x47: {  	_ =	shalt  }
0x48: {  	_ =	shalt  }
0x49: {  	_ =	shalt  }
0x4a: {  	_ =	shalt  }
0x4b: {  	_ =	shalt  }
0x4c: {  	_ =	shalt  }
0x4d: {  	_ =	shalt  }
0x4e: {  	_ =	shalt  }
0x4f: {  	_ =	shalt  }
0x50: {  	_ =	shalt  }
0x51: {  	_ =	shalt  }
0x52: {  	_ =	shalt  }
0x53: {  	_ =	shalt  }
0x54: {  	_ =	shalt  }
0x55: {  	_ =	shalt  }
0x56: {  	_ =	shalt  }
0x57: {  	_ =	shalt  }
0x58: {  	_ =	shalt  }
0x59: {  	_ =	shalt  }
0x5a: {  	_ =	shalt  }
0x5b: {  	_ =	shalt  }
0x5c: {  	_ =	shalt  }
0x5d: {  	_ =	shalt  }
0x5e: {  	_ =	shalt  }
0x5f: {  	_ =	shalt  }
0x60: {  	_ =	shalt  }
0x61: {  	_ =	shalt  }
0x62: {  	_ =	shalt  }
0x63: {  	_ =	shalt  }
0x64: {  	_ =	shalt  }
0x65: {  	_ =	shalt  }
0x66: {  	_ =	shalt  }
0x67: {  	_ =	shalt  }
0x68: {  	_ =	shalt  }
0x69: {  	_ =	shalt  }
0x6a: {  	_ =	shalt  }
0x6b: {  	_ =	shalt  }
0x6c: {  	_ =	shalt  }
0x6d: {  	_ =	shalt  }
0x6e: {  	_ =	shalt  }
0x6f: {  	_ =	shalt  }
0x70: {  	_ =	shalt  }
0x71: {  	_ =	shalt  }
0x72: {  	_ =	shalt  }
0x73: {  	_ =	shalt  }
0x74: {  	_ =	shalt  }
0x75: {  	_ =	shalt  }
0x76: {  	_ =	shalt  }
0x77: {  	_ =	shalt  }
0x78: {  	_ =	shalt  }
0x79: {  	_ =	shalt  }
0x7a: {  	_ =	shalt  }
0x7b: {  	_ =	shalt  }
0x7c: {  	_ =	shalt  }
0x7d: {  	_ =	shalt  }
0x7e: {  	_ =	shalt  }
0x7f: {  	_ =	shalt  }
0x80: {  	_ =	shalt  }
0x81: {  	_ =	shalt  }
0x82: {  	_ =	shalt  }
0x83: {  	_ =	shalt  }
0x84: {  	_ =	shalt  }
0x85: {  	_ =	shalt  }
0x86: {  	_ =	shalt  }
0x87: {  	_ =	shalt  }
.Lfunc_end0:
.L_simem_size_0:
called_computation.2_lowered:
.L_overlay_start_0:
0x88: {  	s2 =	sld [smem:$0x3FD9]  }
0x89: {  	s3 =	sld [smem:$0x3FFE];
	_ =	sdelay $0x1  }
0x8a: {  	s1 =	srdreg.scid  }
0x8b: {  	s0 =	sand.u32 $0x1, s1  }
0x8c: {  	s16 =	sshll.u32 s0, $0xA;
	s2 =	sadd.s32 s3, s2  }
0x8d: {  	s2 =	sadd.s32 s2, s16  }
0x8e: {  	[smem:$0x3FB7] =	sst s2  }
0x8f: {  	_ = 	snop  }
0x90: {  	(tm) =	ssettm $0x1  }
0x91: {  	s17 =	sld [smem:$0x3FFB];
	_ =	sdelay $0x3  }
0x92: {  	_ =	strace s17  }
0x93: {  	s2 =	sld [smem:$0x3FFC];
	_ =	sdelay $0x3  }
0x94: {  	_ =	strace s2  }
0x95: {  	s2 =	sld [smem:$0x3FFD];
	_ =	sdelay $0x3  }
0x96: {  	_ =	strace s2  }
0x97: {  	_ =	strace $0x8FFFFFFF  }
0x98: {  	s18 =	sld [smem:$0x3FDB];
	_ =	sdelay $0x1  }
0x99: {  	s19 =	simm.s32 $_scs_section_size  }
0x9a: {  	s4 =	simm.s32 $_size__tile_overlayer_lowered;
	s5 =	simm.s32 $_tile_overlayer_lowered  }
0x9b: {  	s22 =	simm.s32 $0x1BFF;
	s21 =	sshll.u32 s5, $0x1;
	s2 =	sadd.s32 s19, s18  }
0x9c: {  	s6 =	simm.s32 $0x0;
	s20 =	sshll.u32 s4, $0x1;
	s4 =	sadd.s32 s21, s2  }
0x9d: {  	[timem:s6], [sflag:s22] =	dma.local [hbm:s4], s20  }
0x9e: {  	_ =	swait.ge [sflag:s22], s20  }
0x9f: {  	s3 =	ssub.s32 $0x0, s20;
	[sflag:s22] =	ssyncset.done $0x0  }
0xa0: {  	[sflag:s22] =	ssyncadd.s32 s3;
	_ =	sdelay $0x1  }
0xa1: {  	s23 =	simm.s32 $0x1B8B  }
0xa2: {  	_ =	swait.ge [sflag:s23], $0x1  }
0xa3: {  	[sflag:s23] =	ssyncset.done $0x0  }
0xa4: {  	s25 =	simm.s32 $0x1B8E;
	s24 =	sld [smem:$0x3FFE];
	[sflag:s23] =	ssyncadd.s32 $0xFFFFFFFF  }
0xa5: {  	s26 =	simm.s32 $execute0_lowered;
	[smem:$0x3FD2] =	sst s25  }
0xa6: {  	s4 =	sshll.u32 s26, $0x1;
	_ =	strace $0x8000004C;
	[dreg:$0x1] =	wrdreg $0xFFFFFFFF  }
0xa7: {  	s28 =	simm.s32 $_size_execute0_lowered;
	s2 =	sadd.s32 s2, s4;
	[dreg:$0x0] =	wrdreg $0x0  }
0xa8: {  	s4 =	sshll.u32 s28, $0x1;
	[dreg:$0x2] =	wrdreg s2  }
0xa9: {  	[dreg:$0x3] =	wrdreg s4  }
0xaa: {  	[dreg:$0x4] =	wrdreg $0xC0  }
0xab: {  	_ =	task [dreg:s6], $0x5FFFF  }
0xac: {  	[dreg:$0x1] =	wrdreg $0xFFFFFFFF  }
0xad: {  	[dreg:$0x0] =	wrdreg $0x60  }
0xae: {  	[dreg:$0x2] =	wrdreg s24  }
0xaf: {  	[dreg:$0x3] =	wrdreg $0xB0000  }
0xb0: {  	[dreg:$0x4] =	wrdreg $0x9  }
0xb1: {  	_ =	task.clear_ibuf [dreg:s6], $0x5FFFF;
	_ =	strace $0x9000004C  }
0xb2: {  	s29 =	simm.s32 $0x9;
	_ =	strace $0x8000004E  }
0xb3: {  	_ =	swait.ge [sflag:s29], $0x1  }
0xb4: {  	[sflag:s29] =	ssyncadd.s32 $0xFFFFFFFF  }
0xb5: {  	_ =	strace $0x9000004E  }
0xb6: {  	_ =	sfence  }
0xb7: {  	s30 =	sld [smem:$0x0];
	_ =	sdelay $0x2  }
0xb8: {  	s31 =	sshll.u32 s1, $0xD;
	s1 =	sshrl.u32 s1, $0x2  }
0xb9: {  	s3 =	sand.u32 $0x4000, s31;
	s1 =	sadd.s32 s1, s30  }
0xba: {  	s0 =	sor.u32 s3, s0;
	s1 =	sshll.u32 s1, $0x11  }
0xbb: {  	s0 =	sor.u32 s1, s0  }
0xbc: {  	s0 =	sadd.s32 $0x8F2B, s0  }
0xbd: {  	[sflag:s0] =	ssyncadd.remote.s32 $0x1  }
0xbe: {  	_ =	sfence.sel $0xFFFF  }
0xbf: {  	[dreg:$0x0] =	wrdreg $0xFFFFFFFF;
	(pc) =	sbr.abs _section_cstart, $3  }
0xc0: {  	[dreg:$0x1] =	wrdreg $0xFFFFFFFF  }
0xc1: {  	_ =	task.clear_ibuf [dreg:s6], $0x2FFFF;
	_ =	strace $0x9FFFFFFF  }
0xc2: {  	(tm) =	ssettm $0x7FFFFFFF  }
0xc3: {  	_ =	shalt  }
tec
execute0_lowered:
.L_overlay_start_1:
0x0: {  	(tag) =	ssettag $0x1  }
0x1: {  	s5 =	rddreg [dreg:$0x0]  }
0x2: {  	s1 =	rddreg [dreg:$0x1]  }
0x3: {  	s0 =	rddreg [dreg:$0x2];
	s16 =	stileid.u32  }
0x4: {  	s2 =	simm.s32 $0x0;
	s6 =	srdreg.scid;
	s4 =	smul.u32 $0x700, s16  }
0x5: {  	s13 =	simm.s32 $0x80;
	s14 =	simm.s32 $0x7000;
	s7 =	smul.u32 $0x300, s16  }
0x6: {  	s15 =	simm.s32 $0x1;
	[smem:$0x7FF] =	sst s2;
	s31 =	smul.u32 $0x4F000, s16  }
0x7: {  	s3 =	sadd.s32 $0x18200, s5;
	s11 =	sand.u32 $0x1, s6;
	s19 =	smul.u32 $0x2780, s16  }
0x8: {  	p0 =	sne.s32 s16, $0x0;
	s20 =	sshll.u32 s16, $0x6;
	_ =	strace $0x8000004D  }
0x9: {  	s6 =	smul.u32 $0x27800, s11;
	s9 =	ssub.s32 $0x2, s11;
	p1 =	sne.s32 s11, $0x0  }
0xa: {  	s11 =	simm.s32 $0x2;
	s8 =	sadd.s32 s4, s5;
	s7 =	sadd.s32 s7, s5  }
0xb: {  	s4 =	sadd.s32 $0x3F400, s5;
	s10 =	sshrl.u32 s9, $0x1;
	s12 =	sadd.s32 s6, s5  }
.Ltmp0:
0xc: {  	s9 =	ssub.s32 s9, s10;
	s5 =	sadd.s32 $0xA200, s7;
	(pc) =	sbr.rel .LBB2_1-.Ltmp0, $4  }
0xd: {  	s6 =	sadd.s32 $0xD200, s7;
	s7 =	sadd.s32 $0x11200, s8;
	s10 =	sshrl.u32 s31, $0x2  }
0xe: {  	s8 =	sadd.s32 $0x3200, s8;
	s17 =	sadd.s32 $0x66C00, s12;
	s18 =	sadd.s32 s10, s1  }
0xf: {  	s9 =	smax.u32 s9, $0x1;
	s10 =	sshrl.u32 @!p0 s1, $0x3;
	s12 =	simm.s32 $0x3800  }
0x10: {  	s16 =	sadd.s32 s19, s17;
	s17 =	sor.u32 $0x1C02, s20;
	s18 =	sshrl.u32 s18, $0x3  }
.LBB2_7:
0x11: {  	s19 =	sshra.s32 s19, $0x2;
	[sflag:s11] =	ssyncadd.s32 $0xFFFFC000  }
0x12: {  	[tilespmem:s14], [sflag:$0x1] =	stream.indirect.gather [hbm4b:s3+s13], $0x80, s19, s13, $0xb8;
	[tilespmem:$0x1EC00] =	vst v63  }
0x13: {  	_ =	swait.ge [sflag:s15], $0x4000  }
0x14: {  	[sflag:s15] =	ssyncset.done $0x0  }
0x15: {  	s19 =	sadd.s32 $0x3800, s19;
	[sflag:s15] =	ssyncadd.s32 $0xFFFFC000  }
0x16: {  	[spmem:s1] =	stream.indirect.scatter.add.f32 [tilespmem:s14], [sflag:$0x2], $0x80, s19, s13, $0xb8;
	[tilespmem:$0x1EC00] =	vst v63  }
0x17: {  	_ =	swait.ge [sflag:s11], $0x4000  }
0x18: {  	[sflag:s11] =	ssyncset.done $0x0  }
0x19: {  	[sflag:s11] =	ssyncadd.s32 $0xFFFFC000  }
.LBB2_8:
0x1a: {  	s2 =	sadd.s32 $0x1, s2  }
0x1b: {  	p2 =	sne.s32 s2, s9  }
.Ltmp1:
0x1c: {  	[bflag:$0x0] =	sbarrier.arrive $0xFFFF;
	(pc) =	sbr.rel @!p2 .LBB2_9-.Ltmp1, $4  }
0x1d: {  	[hbm:s16], [sflag:s17] =	dma.local [spmem:s18], $0x2780  }
0x1e: {  	_ =	swait.ge [sflag:s11], $0x2780  }
0x1f: {  	[sflag:s11] =	ssyncset.done $0x0  }
0x20: {  	[sflag:s11] =	ssyncadd.s32 $0xFFFFD880  }
.LBB2_1:
0x21: {  	s19 =	simm.s32 @!p0 $0x1C02  }
0x22: {  	[spmem:s10], [sflag:s19] =	dma.local @!p0 [hbm:s4], $0x27800  }
.Ltmp2:
0x23: {  	_ = 	snop;
	(pc) =	sbr.rel @p1 .LBB2_5-.Ltmp2, $4  }
0x24: {  	s19 =	simm.s32 @!p0 $0x2  }
0x25: {  	_ =	swait.ge @!p0 [sflag:s19], $0x27800  }
0x26: {  	[sflag:s19] =	ssyncset.done @!p0 $0x0  }
0x27: {  	[sflag:s19] =	ssyncadd.s32 @!p0 $0xFFFD8800;
	s19 =	simm.s32 $0x0  }
0x28: {  	[tilespmem:s19], [sflag:$0x2] =	stream.linear.gather [hbm4b:s7+s19], $0x3700, $0x38;
	[tilespmem:$0x1EC00] =	vst v63  }
0x29: {  	_ =	swait.ge [sflag:s11], $0x3700  }
0x2a: {  	[sflag:s11] =	ssyncset.done $0x0  }
0x2b: {  	[sflag:s11] =	ssyncadd.s32 $0xFFFFC900  }
0x2c: {  	[tilespmem:s12], [sflag:$0x2] =	stream.linear.gather [hbm4b:s8+s19], $0x3700, $0x38;
	[tilespmem:$0x1EC00] =	vst v63  }
0x2d: {  	_ =	swait.ge [sflag:s11], $0x3700  }
0x2e: {  	[sflag:s11] =	ssyncset.done $0x0  }
0x2f: {  	[sflag:s11] =	ssyncadd.s32 $0xFFFFC900  }
0x30: {  	s30 =	simm.s32 $0x0;
	[bflag:$0x0] =	sbarrier.arrive $0xFFFF  }
0x31: {  	[tilespmem:s14], [sflag:$0x1] =	stream.indirect.gather [hbm4b:s3+s13], $0x80, s30, s13, $0xb8;
	[tilespmem:$0x1EC00] =	vst v63  }
0x32: {  	_ =	swait.ge [sflag:s15], $0x4000  }
0x33: {  	[sflag:s15] =	ssyncset.done $0x0  }
0x34: {  	s31 =	simm.s32 $0x3800;
	[sflag:s15] =	ssyncadd.s32 $0xFFFFC000  }
0x35: {  	[spmem:s1] =	stream.indirect.scatter.add.f32 [tilespmem:s14], [sflag:$0x2], $0x80, s31, s13, $0xb8;
	[tilespmem:$0x1EC00] =	vst v63  }
0x36: {  	_ =	swait.ge [sflag:s11], $0x4000  }
0x37: {  	s20 =	simm.s32 $0x400;
	s19 =	simm.s32 $0x200;
	[sflag:s11] =	ssyncset.done $0x0  }
.LBB2_3:
0x38: {  	s21 =	sshra.s32 s19, $0x2  }
0x39: {  	[sflag:s11] =	ssyncadd.s32 $0xFFFFC000;
	s19 =	smov.u32 s20;
	s22 =	sadd.s32 $0x200, s20  }
0x3a: {  	[tilespmem:s14], [sflag:$0x1] =	stream.indirect.gather [hbm4b:s3+s13], $0x80, s21, s13, $0xb8;
	[tilespmem:$0x1EC00] =	vst v63  }
0x3b: {  	p2 =	seq.s32 s20, $0xDA00;
	_ =	swait.ge [sflag:s15], $0x4000  }
.Ltmp3:
0x3c: {  	[sflag:s15] =	ssyncset.done $0x0;
	(pc) =	sbr.rel @!p2 .LBB2_3-.Ltmp3, $4  }
0x3d: {  	s20 =	sadd.s32 $0x3800, s21;
	[sflag:s15] =	ssyncadd.s32 $0xFFFFC000  }
0x3e: {  	[spmem:s1] =	stream.indirect.scatter.add.f32 [tilespmem:s14], [sflag:$0x2], $0x80, s20, s13, $0xb8;
	[tilespmem:$0x1EC00] =	vst v63  }
0x3f: {  	_ =	swait.ge [sflag:s11], $0x4000  }
0x40: {  	s20 =	smov.u32 s22;
	[sflag:s11] =	ssyncset.done $0x0  }
0x41: {  	s19 =	sshra.s32 s19, $0x2;
	[sflag:s11] =	ssyncadd.s32 $0xFFFFC000  }
0x42: {  	[tilespmem:s14], [sflag:$0x1] =	stream.indirect.gather [hbm4b:s3+s13], $0x80, s19, s13, $0xb8;
	[tilespmem:$0x1EC00] =	vst v63  }
0x43: {  	_ =	swait.ge [sflag:s15], $0x4000  }
0x44: {  	[sflag:s15] =	ssyncset.done $0x0  }
.Ltmp4:
0x45: {  	s19 =	sadd.s32 $0x3800, s19;
	[sflag:s15] =	ssyncadd.s32 $0xFFFFC000;
	(pc) =	sbr.rel .LBB2_8-.Ltmp4, $4  }
0x46: {  	[spmem:s1] =	stream.indirect.scatter.add.f32 [tilespmem:s14], [sflag:$0x2], $0x80, s19, s13, $0xb8;
	[tilespmem:$0x1EC00] =	vst v63  }
0x47: {  	_ =	swait.ge [sflag:s11], $0x4000  }
0x48: {  	[sflag:s11] =	ssyncset.done $0x0  }
0x49: {  	[sflag:s11] =	ssyncadd.s32 $0xFFFFC000  }
.LBB2_5:
0x4a: {  	[tilespmem:s19], [sflag:$0x2] =	stream.linear.gather [hbm4b:s5+s19], $0x1800, $0x38;
	[tilespmem:$0x1EC00] =	vst v63  }
0x4b: {  	_ =	swait.ge [sflag:s11], $0x1800  }
0x4c: {  	[sflag:s11] =	ssyncset.done $0x0  }
0x4d: {  	[sflag:s11] =	ssyncadd.s32 $0xFFFFE800  }
0x4e: {  	[tilespmem:s12], [sflag:$0x2] =	stream.linear.gather [hbm4b:s6+s19], $0x1800, $0x38;
	[tilespmem:$0x1EC00] =	vst v63  }
0x4f: {  	_ =	swait.ge [sflag:s11], $0x1800  }
0x50: {  	[sflag:s11] =	ssyncset.done $0x0  }
0x51: {  	[sflag:s11] =	ssyncadd.s32 $0xFFFFE800  }
0x52: {  	s30 =	simm.s32 $0x0;
	[bflag:$0x0] =	sbarrier.arrive $0xFFFF  }
0x53: {  	[tilespmem:s14], [sflag:$0x1] =	stream.indirect.gather [hbm4b:s3+s13], $0x80, s30, s13, $0xb8;
	[tilespmem:$0x1EC00] =	vst v63  }
0x54: {  	_ =	swait.ge [sflag:s15], $0x4000  }
0x55: {  	[sflag:s15] =	ssyncset.done $0x0  }
0x56: {  	s31 =	simm.s32 $0x3800;
	[sflag:s15] =	ssyncadd.s32 $0xFFFFC000  }
0x57: {  	[spmem:s1] =	stream.indirect.scatter.add.f32 [tilespmem:s14], [sflag:$0x2], $0x80, s31, s13, $0xb8;
	[tilespmem:$0x1EC00] =	vst v63  }
0x58: {  	_ =	swait.ge [sflag:s11], $0x4000  }
0x59: {  	s20 =	simm.s32 $0x400;
	s19 =	simm.s32 $0x200;
	[sflag:s11] =	ssyncset.done $0x0  }
.LBB2_6:
0x5a: {  	s21 =	sshra.s32 s19, $0x2  }
0x5b: {  	[sflag:s11] =	ssyncadd.s32 $0xFFFFC000;
	s19 =	smov.u32 s20;
	s22 =	sadd.s32 $0x200, s20  }
0x5c: {  	[tilespmem:s14], [sflag:$0x1] =	stream.indirect.gather [hbm4b:s3+s13], $0x80, s21, s13, $0xb8;
	[tilespmem:$0x1EC00] =	vst v63  }
0x5d: {  	p2 =	sne.s32 s20, $0x5E00;
	_ =	swait.ge [sflag:s15], $0x4000  }
.Ltmp5:
0x5e: {  	[sflag:s15] =	ssyncset.done $0x0;
	(pc) =	sbr.rel @p2 .LBB2_6-.Ltmp5, $4  }
0x5f: {  	s20 =	sadd.s32 $0x3800, s21;
	[sflag:s15] =	ssyncadd.s32 $0xFFFFC000  }
0x60: {  	[spmem:s1] =	stream.indirect.scatter.add.f32 [tilespmem:s14], [sflag:$0x2], $0x80, s20, s13, $0xb8;
	[tilespmem:$0x1EC00] =	vst v63  }
0x61: {  	_ =	swait.ge [sflag:s11], $0x4000  }
0x62: {  	s20 =	smov.u32 s22;
	[sflag:s11] =	ssyncset.done $0x0  }
.Ltmp6:
0x63: {  	_ = 	snop;
	(pc) =	sbr.rel .LBB2_7-.Ltmp6, $1  }
0x64: {  	_ =	sdelay $0x3  }
.LBB2_9:
0x65: {  	_ =	sfence.sel $0x180000  }
0x66: {  	[bflag:$0x0] =	sbarrier.arrive $0xFFFF  }
0x67: {  	_ =	strace $0x9000004D  }
0x68: {  	s0 =	sadd.s32 @!p0 $0x100000, s0;
	[bflag:$0x2] =	sbarrier.arrive $0xFFFF  }
0x69: {  	[sflag:s0] =	ssyncadd.tile.s32 @!p0 $0x1;
	_ =	shalt  }
.Lfunc_end2:
_tile_overlayer_lowered:
.L_overlay_start_2:
0x6a: {  	(tag) =	ssettag $0x2  }
0x6b: {  	s0 =	rddreg [dreg:$0x0];
	s2 =	stileid.u32  }
0x6c: {  	s1 =	rddreg [dreg:$0x1];
	p0 =	sne.s32 s2, $0x0  }
0x6d: {  	s3 =	rddreg [dreg:$0x2];
	[bflag:$0x3] =	sbarrier.arrive $0xFFFF;
	s2 =	simm.s32 @!p0 $0x1C02  }
0x6e: {  	[timem:s3], [sflag:s2] =	dma.local @!p0 [hbm:s0], s1  }
0x6f: {  	s0 =	simm.s32 @!p0 $0x2  }
0x70: {  	_ =	swait.ge @!p0 [sflag:s0], s1  }
0x71: {  	s1 =	ssub.s32 @!p0 $0x0, s1;
	[sflag:s0] =	ssyncset.done @!p0 $0x0  }
0x72: {  	[sflag:s0] =	ssyncadd.s32 @!p0 s1  }
0x73: {  	[bflag:$0x3] =	sbarrier.arrive $0xFFFF  }
0x74: {  	_ =	shalt  }

// kernel: kernel.19.cloned.1.call-start
scs
__scs_entry_jumppad:
0x0: {  	(pc) =	sbr.rel $0x88, $3  }
0x1: {  	(tag) =	ssettag $0x0;
	lr =	simm.s32 $0x1  }
0x2: {  	[smem:$0x3F90] =	sst lr;
	_ =	strace $0xD0000000  }
0x3: {  	_ = 	snop  }
0x4: {  	_ = 	snop  }
0x5: {  	_ = 	snop  }
0x6: {  	_ = 	snop  }
0x7: {  	_ = 	snop  }
__scs_overlays_trampoline_lowered:
0x8: {  	[smem:$0x3F9F] =	sst s0  }
0x9: {  	[smem:$0x3FA0] =	sst s1  }
0xa: {  	[smem:$0x3FA1] =	sst s2  }
0xb: {  	[smem:$0x3FA2] =	sst s3  }
0xc: {  	[smem:$0x3FA3] =	sst s4  }
0xd: {  	[smem:$0x3FA4] =	sst s5  }
0xe: {  	[smem:$0x3FA5] =	sst s6  }
0xf: {  	[smem:$0x3FA6] =	sst s7  }
0x10: {  	[smem:$0x3FA7] =	sst s8  }
0x11: {  	[smem:$0x3FA8] =	sst s9;
	s0 =	simm.s32 @!p0 $0x0  }
0x12: {  	s1 =	sld [smem:$0x3F8E];
	s0 =	simm.s32 @p0 $0x1  }
0x13: {  	[smem:$0x3FA9] =	sst s0;
	s0 =	simm.s32 @!p1 $0x0  }
0x14: {  	s2 =	sld [smem:$0x3F8D];
	s0 =	simm.s32 @p1 $0x1  }
0x15: {  	[smem:$0x3FAA] =	sst s0;
	s0 =	simm.s32 @!p2 $0x0  }
0x16: {  	s3 =	sld [smem:$0x3FDB];
	s0 =	simm.s32 @p2 $0x1  }
0x17: {  	s4 =	simm.s32 $0x1BF5;
	[smem:$0x3FAC] =	sst s0  }
0x18: {  	s0 =	sld [smem:$0x3F8F];
	_ =	swait.ge [sflag:s4], $0x0  }
0x19: {  	s7 =	sld [smem:$0x3F90]  }
0x1a: {  	s8 =	sadd.s32 $0xFFFFE003, lr  }
0x1b: {  	s9 =	sadd.s32 $0xFFFFFEF7, lr;
	s5 =	simm.s32 $0xFFFFFFFF;
	p2 =	slt.u32 s8, $0xFFFFF086  }
0x1c: {  	p1 =	slt.u32 s9, $0xF7A;
	s5 =	simm.s32 @!p2 $0x0  }
0x1d: {  	s5 =	simm.s32 @p1 $0x1;
	p0 =	seq.s32 s7, s2  }
0x1e: {  	s7 =	smul.u32 @!p0 $0xF7A, s2;
	p2 =	seq.s32 @!p0 s5, $0x0  }
0x1f: {  	s9 =	smul.u32 $0xF7A, s1;
	s8 =	simm.s32 @!p0 $0x1BF5;
	p2 =	por !p2, p0  }
0x20: {  	[sflag:s8] =	ssyncset.s32 @!p0 $0xFFFFF086;
	s6 =	sadd.s32 @!p0 s3, s7;
	s7 =	simm.s32 @!p0 $0x108  }
0x21: {  	s3 =	sadd.s32 s3, s9;
	s6 =	sadd.s32 @!p0 $0x88, s6;
	s7 =	simm.s32 @p2 $0x1082  }
0x22: {  	[simem:s7], [sflag:s8] =	dma.local @!p0 [hbm:s6], $0xF7A  }
0x23: {  	s9 =	sor.u32 $0xD0000000, s2;
	s6 =	simm.s32 $0x108;
	_ =	swait.ge @!p0 [sflag:s8], $0x0  }
0x24: {  	s3 =	sadd.s32 $0x88, s3;
	s6 =	simm.s32 @!p1 $0x1082;
	[sflag:s4] =	ssyncset.s32 $0xFFFFF086  }
0x25: {  	[simem:s6], [sflag:s4] =	dma.local [hbm:s3], $0xF7A  }
0x26: {  	[smem:$0x3F90] =	sst s1;
	(tag) =	ssettag s2;
	_ =	strace s9  }
0x27: {  	s1 =	sld [smem:$0x3FA0]  }
0x28: {  	s2 =	sld [smem:$0x3FA1]  }
0x29: {  	s4 =	sld [smem:$0x3FA3]  }
0x2a: {  	p0 =	seq.s32 s5, $0x0;
	s5 =	sld [smem:$0x3FA4]  }
0x2b: {  	s6 =	sld [smem:$0x3FA5]  }
0x2c: {  	s7 =	sld [smem:$0x3FA6]  }
0x2d: {  	s3 =	simm.s32 $0x108;
	s8 =	sld [smem:$0x3FA7]  }
0x2e: {  	s3 =	simm.s32 @!p0 $0x1082;
	s9 =	sld [smem:$0x3FA8]  }
0x2f: {  	lr =	sadd.s32 s0, s3;
	s0 =	sld [smem:$0x3F9F]  }
0x30: {  	s3 =	sld [smem:$0x3FA2]  }
0x31: {  	[smem:$0x3FAB] =	sst s10  }
0x32: {  	s10 =	sld [smem:$0x3FA9];
	_ =	sdelay $0x3  }
0x33: {  	p0 =	seq.s32 s10, $0x1;
	s10 =	sld [smem:$0x3FAB];
	_ =	sdelay $0x3  }
0x34: {  	[smem:$0x3FAB] =	sst s10  }
0x35: {  	s10 =	sld [smem:$0x3FAA];
	_ =	sdelay $0x3  }
0x36: {  	p1 =	seq.s32 s10, $0x1;
	s10 =	sld [smem:$0x3FAB];
	_ =	sdelay $0x3  }
0x37: {  	[smem:$0x3FAB] =	sst s10  }
0x38: {  	s10 =	sld [smem:$0x3FAC]  }
0x39: {  	_ = 	snop;
	(pc) =	sbr.ind lr, $3  }
0x3a: {  	_ = 	snop  }
0x3b: {  	_ = 	snop  }
0x3c: {  	p2 =	seq.s32 s10, $0x1;
	s10 =	sld [smem:$0x3FAB]  }
0x3d: {  	_ =	shalt  }
0x3e: {  	_ =	shalt  }
0x3f: {  	_ =	shalt  }
0x40: {  	_ =	shalt  }
0x41: {  	_ =	shalt  }
0x42: {  	_ =	shalt  }
0x43: {  	_ =	shalt  }
0x44: {  	_ =	shalt  }
0x45: {  	_ =	shalt  }
0x46: {  	_ =	shalt  }
0x47: {  	_ =	shalt  }
0x48: {  	_ =	shalt  }
0x49: {  	_ =	shalt  }
0x4a: {  	_ =	shalt  }
0x4b: {  	_ =	shalt  }
0x4c: {  	_ =	shalt  }
0x4d: {  	_ =	shalt  }
0x4e: {  	_ =	shalt  }
0x4f: {  	_ =	shalt  }
0x50: {  	_ =	shalt  }
0x51: {  	_ =	shalt  }
0x52: {  	_ =	shalt  }
0x53: {  	_ =	shalt  }
0x54: {  	_ =	shalt  }
0x55: {  	_ =	shalt  }
0x56: {  	_ =	shalt  }
0x57: {  	_ =	shalt  }
0x58: {  	_ =	shalt  }
0x59: {  	_ =	shalt  }
0x5a: {  	_ =	shalt  }
0x5b: {  	_ =	shalt  }
0x5c: {  	_ =	shalt  }
0x5d: {  	_ =	shalt  }
0x5e: {  	_ =	shalt  }
0x5f: {  	_ =	shalt  }
0x60: {  	_ =	shalt  }
0x61: {  	_ =	shalt  }
0x62: {  	_ =	shalt  }
0x63: {  	_ =	shalt  }
0x64: {  	_ =	shalt  }
0x65: {  	_ =	shalt  }
0x66: {  	_ =	shalt  }
0x67: {  	_ =	shalt  }
0x68: {  	_ =	shalt  }
0x69: {  	_ =	shalt  }
0x6a: {  	_ =	shalt  }
0x6b: {  	_ =	shalt  }
0x6c: {  	_ =	shalt  }
0x6d: {  	_ =	shalt  }
0x6e: {  	_ =	shalt  }
0x6f: {  	_ =	shalt  }
0x70: {  	_ =	shalt  }
0x71: {  	_ =	shalt  }
0x72: {  	_ =	shalt  }
0x73: {  	_ =	shalt  }
0x74: {  	_ =	shalt  }
0x75: {  	_ =	shalt  }
0x76: {  	_ =	shalt  }
0x77: {  	_ =	shalt  }
0x78: {  	_ =	shalt  }
0x79: {  	_ =	shalt  }
0x7a: {  	_ =	shalt  }
0x7b: {  	_ =	shalt  }
0x7c: {  	_ =	shalt  }
0x7d: {  	_ =	shalt  }
0x7e: {  	_ =	shalt  }
0x7f: {  	_ =	shalt  }
0x80: {  	_ =	shalt  }
0x81: {  	_ =	shalt  }
0x82: {  	_ =	shalt  }
0x83: {  	_ =	shalt  }
0x84: {  	_ =	shalt  }
0x85: {  	_ =	shalt  }
0x86: {  	_ =	shalt  }
0x87: {  	_ =	shalt  }
.Lfunc_end0:
.L_simem_size_0:
called_computation.3_lowered:
.L_overlay_start_0:
0x88: {  	s2 =	sld [smem:$0x3FD9]  }
0x89: {  	s3 =	sld [smem:$0x3FFE];
	_ =	sdelay $0x1  }
0x8a: {  	s1 =	srdreg.scid  }
0x8b: {  	s0 =	sand.u32 $0x1, s1  }
0x8c: {  	s16 =	sshll.u32 s0, $0xA;
	s2 =	sadd.s32 s3, s2  }
0x8d: {  	s2 =	sadd.s32 s2, s16  }
0x8e: {  	[smem:$0x3FB7] =	sst s2  }
0x8f: {  	_ = 	snop  }
0x90: {  	(tm) =	ssettm $0x1  }
0x91: {  	s17 =	sld [smem:$0x3FFB];
	_ =	sdelay $0x3  }
0x92: {  	_ =	strace s17  }
0x93: {  	s2 =	sld [smem:$0x3FFC];
	_ =	sdelay $0x3  }
0x94: {  	_ =	strace s2  }
0x95: {  	s2 =	sld [smem:$0x3FFD];
	_ =	sdelay $0x3  }
0x96: {  	_ =	strace s2  }
0x97: {  	_ =	strace $0x8FFFFFFF  }
0x98: {  	s18 =	sld [smem:$0x3FDB];
	_ =	sdelay $0x1  }
0x99: {  	s19 =	simm.s32 $_scs_section_size  }
0x9a: {  	s4 =	simm.s32 $_size__tile_overlayer_lowered;
	s5 =	simm.s32 $_tile_overlayer_lowered  }
0x9b: {  	s22 =	simm.s32 $0x1BFF;
	s21 =	sshll.u32 s5, $0x1;
	s2 =	sadd.s32 s19, s18  }
0x9c: {  	s6 =	simm.s32 $0x0;
	s20 =	sshll.u32 s4, $0x1;
	s4 =	sadd.s32 s21, s2  }
0x9d: {  	[timem:s6], [sflag:s22] =	dma.local [hbm:s4], s20  }
0x9e: {  	_ =	swait.ge [sflag:s22], s20  }
0x9f: {  	s3 =	ssub.s32 $0x0, s20;
	[sflag:s22] =	ssyncset.done $0x0  }
0xa0: {  	[sflag:s22] =	ssyncadd.s32 s3;
	_ =	sdelay $0x1  }
0xa1: {  	s23 =	simm.s32 $0x1B8B  }
0xa2: {  	_ =	swait.ge [sflag:s23], $0x1  }
0xa3: {  	[sflag:s23] =	ssyncset.done $0x0  }
0xa4: {  	s25 =	simm.s32 $0x1B8E;
	s24 =	sld [smem:$0x3FFE];
	[sflag:s23] =	ssyncadd.s32 $0xFFFFFFFF  }
0xa5: {  	s26 =	simm.s32 $execute0_lowered;
	[smem:$0x3FD2] =	sst s25  }
0xa6: {  	s4 =	sshll.u32 s26, $0x1;
	_ =	strace $0x8000004F;
	[dreg:$0x1] =	wrdreg $0xFFFFFFFF  }
0xa7: {  	s28 =	simm.s32 $_size_execute0_lowered;
	s2 =	sadd.s32 s2, s4;
	[dreg:$0x0] =	wrdreg $0x0  }
0xa8: {  	s4 =	sshll.u32 s28, $0x1;
	[dreg:$0x2] =	wrdreg s2  }
0xa9: {  	[dreg:$0x3] =	wrdreg s4  }
0xaa: {  	[dreg:$0x4] =	wrdreg $0xC0  }
0xab: {  	_ =	task [dreg:s6], $0x5FFFF  }
0xac: {  	[dreg:$0x1] =	wrdreg $0xFFFFFFFF  }
0xad: {  	[dreg:$0x0] =	wrdreg $0x60  }
0xae: {  	[dreg:$0x2] =	wrdreg s24  }
0xaf: {  	[dreg:$0x3] =	wrdreg $0xB0000  }
0xb0: {  	[dreg:$0x4] =	wrdreg $0x9  }
0xb1: {  	_ =	task.clear_ibuf [dreg:s6], $0x5FFFF;
	_ =	strace $0x9000004F  }
0xb2: {  	s29 =	simm.s32 $0x9;
	_ =	strace $0x80000051  }
0xb3: {  	_ =	swait.ge [sflag:s29], $0x1  }
0xb4: {  	[sflag:s29] =	ssyncadd.s32 $0xFFFFFFFF  }
0xb5: {  	_ =	strace $0x90000051  }
0xb6: {  	_ =	sfence  }
0xb7: {  	s30 =	sld [smem:$0x0];
	_ =	sdelay $0x2  }
0xb8: {  	s31 =	sshll.u32 s1, $0xD;
	s1 =	sshrl.u32 s1, $0x2  }
0xb9: {  	s3 =	sand.u32 $0x4000, s31;
	s1 =	sadd.s32 s1, s30  }
0xba: {  	s0 =	sor.u32 s3, s0;
	s1 =	sshll.u32 s1, $0x11  }
0xbb: {  	s0 =	sor.u32 s1, s0  }
0xbc: {  	s0 =	sadd.s32 $0x8F2B, s0  }
0xbd: {  	[sflag:s0] =	ssyncadd.remote.s32 $0x1  }
0xbe: {  	_ =	sfence.sel $0xFFFF  }
0xbf: {  	[dreg:$0x0] =	wrdreg $0xFFFFFFFF;
	(pc) =	sbr.abs _section_cstart, $3  }
0xc0: {  	[dreg:$0x1] =	wrdreg $0xFFFFFFFF  }
0xc1: {  	_ =	task.clear_ibuf [dreg:s6], $0x2FFFF;
	_ =	strace $0x9FFFFFFF  }
0xc2: {  	(tm) =	ssettm $0x7FFFFFFF  }
0xc3: {  	_ =	shalt  }
tec
execute0_lowered:
.L_overlay_start_1:
0x0: {  	(tag) =	ssettag $0x1  }
0x1: {  	s5 =	rddreg [dreg:$0x0]  }
0x2: {  	s1 =	rddreg [dreg:$0x1]  }
0x3: {  	s0 =	rddreg [dreg:$0x2];
	s16 =	stileid.u32  }
0x4: {  	s2 =	simm.s32 $0x0;
	s6 =	srdreg.scid;
	s4 =	smul.u32 $0x700, s16  }
0x5: {  	s13 =	simm.s32 $0x80;
	s14 =	simm.s32 $0x7000;
	s7 =	smul.u32 $0x300, s16  }
0x6: {  	s15 =	simm.s32 $0x1;
	[smem:$0x7FF] =	sst s2;
	s31 =	smul.u32 $0x4F000, s16  }
0x7: {  	s3 =	sadd.s32 $0x18200, s5;
	s11 =	sand.u32 $0x1, s6;
	s19 =	smul.u32 $0x2780, s16  }
0x8: {  	p0 =	sne.s32 s16, $0x0;
	s20 =	sshll.u32 s16, $0x6;
	_ =	strace $0x80000050  }
0x9: {  	s6 =	smul.u32 $0x27800, s11;
	s9 =	ssub.s32 $0x2, s11;
	p1 =	sne.s32 s11, $0x0  }
0xa: {  	s11 =	simm.s32 $0x2;
	s8 =	sadd.s32 s4, s5;
	s7 =	sadd.s32 s7, s5  }
0xb: {  	s4 =	sadd.s32 $0x3F400, s5;
	s10 =	sshrl.u32 s9, $0x1;
	s12 =	sadd.s32 s6, s5  }
.Ltmp0:
0xc: {  	s9 =	ssub.s32 s9, s10;
	s5 =	sadd.s32 $0xA200, s7;
	(pc) =	sbr.rel .LBB2_1-.Ltmp0, $4  }
0xd: {  	s6 =	sadd.s32 $0xD200, s7;
	s7 =	sadd.s32 $0x11200, s8;
	s10 =	sshrl.u32 s31, $0x2  }
0xe: {  	s8 =	sadd.s32 $0x3200, s8;
	s17 =	sadd.s32 $0x66C00, s12;
	s18 =	sadd.s32 s10, s1  }
0xf: {  	s9 =	smax.u32 s9, $0x1;
	s10 =	sshrl.u32 @!p0 s1, $0x3;
	s12 =	simm.s32 $0x3800  }
0x10: {  	s16 =	sadd.s32 s19, s17;
	s17 =	sor.u32 $0x1C02, s20;
	s18 =	sshrl.u32 s18, $0x3  }
.LBB2_7:
0x11: {  	s19 =	sshra.s32 s19, $0x2;
	[sflag:s11] =	ssyncadd.s32 $0xFFFFC000  }
0x12: {  	[tilespmem:s14], [sflag:$0x1] =	stream.indirect.gather [hbm4b:s3+s13], $0x80, s19, s13, $0xb8;
	[tilespmem:$0x1EC00] =	vst v63  }
0x13: {  	_ =	swait.ge [sflag:s15], $0x4000  }
0x14: {  	[sflag:s15] =	ssyncset.done $0x0  }
0x15: {  	s19 =	sadd.s32 $0x3800, s19;
	[sflag:s15] =	ssyncadd.s32 $0xFFFFC000  }
0x16: {  	[spmem:s1] =	stream.indirect.scatter.add.f32 [tilespmem:s14], [sflag:$0x2], $0x80, s19, s13, $0xb8;
	[tilespmem:$0x1EC00] =	vst v63  }
0x17: {  	_ =	swait.ge [sflag:s11], $0x4000  }
0x18: {  	[sflag:s11] =	ssyncset.done $0x0  }
0x19: {  	[sflag:s11] =	ssyncadd.s32 $0xFFFFC000  }
.LBB2_8:
0x1a: {  	s2 =	sadd.s32 $0x1, s2  }
0x1b: {  	p2 =	sne.s32 s2, s9  }
.Ltmp1:
0x1c: {  	[bflag:$0x0] =	sbarrier.arrive $0xFFFF;
	(pc) =	sbr.rel @!p2 .LBB2_9-.Ltmp1, $4  }
0x1d: {  	[hbm:s16], [sflag:s17] =	dma.local [spmem:s18], $0x2780  }
0x1e: {  	_ =	swait.ge [sflag:s11], $0x2780  }
0x1f: {  	[sflag:s11] =	ssyncset.done $0x0  }
0x20: {  	[sflag:s11] =	ssyncadd.s32 $0xFFFFD880  }
.LBB2_1:
0x21: {  	s19 =	simm.s32 @!p0 $0x1C02  }
0x22: {  	[spmem:s10], [sflag:s19] =	dma.local @!p0 [hbm:s4], $0x27800  }
.Ltmp2:
0x23: {  	_ = 	snop;
	(pc) =	sbr.rel @p1 .LBB2_5-.Ltmp2, $4  }
0x24: {  	s19 =	simm.s32 @!p0 $0x2  }
0x25: {  	_ =	swait.ge @!p0 [sflag:s19], $0x27800  }
0x26: {  	[sflag:s19] =	ssyncset.done @!p0 $0x0  }
0x27: {  	[sflag:s19] =	ssyncadd.s32 @!p0 $0xFFFD8800;
	s19 =	simm.s32 $0x0  }
0x28: {  	[tilespmem:s19], [sflag:$0x2] =	stream.linear.gather [hbm4b:s7+s19], $0x3700, $0x38;
	[tilespmem:$0x1EC00] =	vst v63  }
0x29: {  	_ =	swait.ge [sflag:s11], $0x3700  }
0x2a: {  	[sflag:s11] =	ssyncset.done $0x0  }
0x2b: {  	[sflag:s11] =	ssyncadd.s32 $0xFFFFC900  }
0x2c: {  	[tilespmem:s12], [sflag:$0x2] =	stream.linear.gather [hbm4b:s8+s19], $0x3700, $0x38;
	[tilespmem:$0x1EC00] =	vst v63  }
0x2d: {  	_ =	swait.ge [sflag:s11], $0x3700  }
0x2e: {  	[sflag:s11] =	ssyncset.done $0x0  }
0x2f: {  	[sflag:s11] =	ssyncadd.s32 $0xFFFFC900  }
0x30: {  	s30 =	simm.s32 $0x0;
	[bflag:$0x0] =	sbarrier.arrive $0xFFFF  }
0x31: {  	[tilespmem:s14], [sflag:$0x1] =	stream.indirect.gather [hbm4b:s3+s13], $0x80, s30, s13, $0xb8;
	[tilespmem:$0x1EC00] =	vst v63  }
0x32: {  	_ =	swait.ge [sflag:s15], $0x4000  }
0x33: {  	[sflag:s15] =	ssyncset.done $0x0  }
0x34: {  	s31 =	simm.s32 $0x3800;
	[sflag:s15] =	ssyncadd.s32 $0xFFFFC000  }
0x35: {  	[spmem:s1] =	stream.indirect.scatter.add.f32 [tilespmem:s14], [sflag:$0x2], $0x80, s31, s13, $0xb8;
	[tilespmem:$0x1EC00] =	vst v63  }
0x36: {  	_ =	swait.ge [sflag:s11], $0x4000  }
0x37: {  	s20 =	simm.s32 $0x400;
	s19 =	simm.s32 $0x200;
	[sflag:s11] =	ssyncset.done $0x0  }
.LBB2_3:
0x38: {  	s21 =	sshra.s32 s19, $0x2  }
0x39: {  	[sflag:s11] =	ssyncadd.s32 $0xFFFFC000;
	s19 =	smov.u32 s20;
	s22 =	sadd.s32 $0x200, s20  }
0x3a: {  	[tilespmem:s14], [sflag:$0x1] =	stream.indirect.gather [hbm4b:s3+s13], $0x80, s21, s13, $0xb8;
	[tilespmem:$0x1EC00] =	vst v63  }
0x3b: {  	p2 =	seq.s32 s20, $0xDA00;
	_ =	swait.ge [sflag:s15], $0x4000  }
.Ltmp3:
0x3c: {  	[sflag:s15] =	ssyncset.done $0x0;
	(pc) =	sbr.rel @!p2 .LBB2_3-.Ltmp3, $4  }
0x3d: {  	s20 =	sadd.s32 $0x3800, s21;
	[sflag:s15] =	ssyncadd.s32 $0xFFFFC000  }
0x3e: {  	[spmem:s1] =	stream.indirect.scatter.add.f32 [tilespmem:s14], [sflag:$0x2], $0x80, s20, s13, $0xb8;
	[tilespmem:$0x1EC00] =	vst v63  }
0x3f: {  	_ =	swait.ge [sflag:s11], $0x4000  }
0x40: {  	s20 =	smov.u32 s22;
	[sflag:s11] =	ssyncset.done $0x0  }
0x41: {  	s19 =	sshra.s32 s19, $0x2;
	[sflag:s11] =	ssyncadd.s32 $0xFFFFC000  }
0x42: {  	[tilespmem:s14], [sflag:$0x1] =	stream.indirect.gather [hbm4b:s3+s13], $0x80, s19, s13, $0xb8;
	[tilespmem:$0x1EC00] =	vst v63  }
0x43: {  	_ =	swait.ge [sflag:s15], $0x4000  }
0x44: {  	[sflag:s15] =	ssyncset.done $0x0  }
.Ltmp4:
0x45: {  	s19 =	sadd.s32 $0x3800, s19;
	[sflag:s15] =	ssyncadd.s32 $0xFFFFC000;
	(pc) =	sbr.rel .LBB2_8-.Ltmp4, $4  }
0x46: {  	[spmem:s1] =	stream.indirect.scatter.add.f32 [tilespmem:s14], [sflag:$0x2], $0x80, s19, s13, $0xb8;
	[tilespmem:$0x1EC00] =	vst v63  }
0x47: {  	_ =	swait.ge [sflag:s11], $0x4000  }
0x48: {  	[sflag:s11] =	ssyncset.done $0x0  }
0x49: {  	[sflag:s11] =	ssyncadd.s32 $0xFFFFC000  }
.LBB2_5:
0x4a: {  	[tilespmem:s19], [sflag:$0x2] =	stream.linear.gather [hbm4b:s5+s19], $0x1800, $0x38;
	[tilespmem:$0x1EC00] =	vst v63  }
0x4b: {  	_ =	swait.ge [sflag:s11], $0x1800  }
0x4c: {  	[sflag:s11] =	ssyncset.done $0x0  }
0x4d: {  	[sflag:s11] =	ssyncadd.s32 $0xFFFFE800  }
0x4e: {  	[tilespmem:s12], [sflag:$0x2] =	stream.linear.gather [hbm4b:s6+s19], $0x1800, $0x38;
	[tilespmem:$0x1EC00] =	vst v63  }
0x4f: {  	_ =	swait.ge [sflag:s11], $0x1800  }
0x50: {  	[sflag:s11] =	ssyncset.done $0x0  }
0x51: {  	[sflag:s11] =	ssyncadd.s32 $0xFFFFE800  }
0x52: {  	s30 =	simm.s32 $0x0;
	[bflag:$0x0] =	sbarrier.arrive $0xFFFF  }
0x53: {  	[tilespmem:s14], [sflag:$0x1] =	stream.indirect.gather [hbm4b:s3+s13], $0x80, s30, s13, $0xb8;
	[tilespmem:$0x1EC00] =	vst v63  }
0x54: {  	_ =	swait.ge [sflag:s15], $0x4000  }
0x55: {  	[sflag:s15] =	ssyncset.done $0x0  }
0x56: {  	s31 =	simm.s32 $0x3800;
	[sflag:s15] =	ssyncadd.s32 $0xFFFFC000  }
0x57: {  	[spmem:s1] =	stream.indirect.scatter.add.f32 [tilespmem:s14], [sflag:$0x2], $0x80, s31, s13, $0xb8;
	[tilespmem:$0x1EC00] =	vst v63  }
0x58: {  	_ =	swait.ge [sflag:s11], $0x4000  }
0x59: {  	s20 =	simm.s32 $0x400;
	s19 =	simm.s32 $0x200;
	[sflag:s11] =	ssyncset.done $0x0  }
.LBB2_6:
0x5a: {  	s21 =	sshra.s32 s19, $0x2  }
0x5b: {  	[sflag:s11] =	ssyncadd.s32 $0xFFFFC000;
	s19 =	smov.u32 s20;
	s22 =	sadd.s32 $0x200, s20  }
0x5c: {  	[tilespmem:s14], [sflag:$0x1] =	stream.indirect.gather [hbm4b:s3+s13], $0x80, s21, s13, $0xb8;
	[tilespmem:$0x1EC00] =	vst v63  }
0x5d: {  	p2 =	sne.s32 s20, $0x5E00;
	_ =	swait.ge [sflag:s15], $0x4000  }
.Ltmp5:
0x5e: {  	[sflag:s15] =	ssyncset.done $0x0;
	(pc) =	sbr.rel @p2 .LBB2_6-.Ltmp5, $4  }
0x5f: {  	s20 =	sadd.s32 $0x3800, s21;
	[sflag:s15] =	ssyncadd.s32 $0xFFFFC000  }
0x60: {  	[spmem:s1] =	stream.indirect.scatter.add.f32 [tilespmem:s14], [sflag:$0x2], $0x80, s20, s13, $0xb8;
	[tilespmem:$0x1EC00] =	vst v63  }
0x61: {  	_ =	swait.ge [sflag:s11], $0x4000  }
0x62: {  	s20 =	smov.u32 s22;
	[sflag:s11] =	ssyncset.done $0x0  }
.Ltmp6:
0x63: {  	_ = 	snop;
	(pc) =	sbr.rel .LBB2_7-.Ltmp6, $1  }
0x64: {  	_ =	sdelay $0x3  }
.LBB2_9:
0x65: {  	_ =	sfence.sel $0x180000  }
0x66: {  	[bflag:$0x0] =	sbarrier.arrive $0xFFFF  }
0x67: {  	_ =	strace $0x90000050  }
0x68: {  	s0 =	sadd.s32 @!p0 $0x100000, s0;
	[bflag:$0x2] =	sbarrier.arrive $0xFFFF  }
0x69: {  	[sflag:s0] =	ssyncadd.tile.s32 @!p0 $0x1;
	_ =	shalt  }
.Lfunc_end2:
_tile_overlayer_lowered:
.L_overlay_start_2:
0x6a: {  	(tag) =	ssettag $0x2  }
0x6b: {  	s0 =	rddreg [dreg:$0x0];
	s2 =	stileid.u32  }
0x6c: {  	s1 =	rddreg [dreg:$0x1];
	p0 =	sne.s32 s2, $0x0  }
0x6d: {  	s3 =	rddreg [dreg:$0x2];
	[bflag:$0x3] =	sbarrier.arrive $0xFFFF;
	s2 =	simm.s32 @!p0 $0x1C02  }
0x6e: {  	[timem:s3], [sflag:s2] =	dma.local @!p0 [hbm:s0], s1  }
0x6f: {  	s0 =	simm.s32 @!p0 $0x2  }
0x70: {  	_ =	swait.ge @!p0 [sflag:s0], s1  }
0x71: {  	s1 =	ssub.s32 @!p0 $0x0, s1;
	[sflag:s0] =	ssyncset.done @!p0 $0x0  }
0x72: {  	[sflag:s0] =	ssyncadd.s32 @!p0 s1  }
0x73: {  	[bflag:$0x3] =	sbarrier.arrive $0xFFFF  }
0x74: {  	_ =	shalt  }

</sc_bundles>
